<compile_context>
chip_gen: v7x
topology: tpu7x:2x2x1
jax: 0.10.2.dev20260603
libtpu: 0.0.44.dev20260713+nightly
codegen_flags: <defaults>
</compile_context>

<pallas_src>
import functools

import jax
import jax.numpy as jnp
from jax import lax
from jax.experimental import pallas as pl
from jax.experimental.pallas import tpu as pltpu
from jax.experimental.pallas import tpu_sc as plsc

_K = 20
_NEG = -3.0e38
_BIGI = 2 ** 30


def _topk_kernel(xall_ref, xrow_ref, xxa_ref, xxr_ref, idx_ref, *, T, N):
    b = pl.program_id(0)
    xall = xall_ref[0]
    xrow = xrow_ref[0]
    d = 2.0 * lax.dot_general(
        xrow, xall, (((1,), (1,)), ((), ())),
        preferred_element_type=jnp.float32)
    d = d - xxr_ref[0] - xxa_ref[0]
    iota = lax.broadcasted_iota(jnp.int32, (T, N), 1)
    cols = []
    for _ in range(_K):
        m = jnp.max(d, axis=1, keepdims=True)
        cand = jnp.where(d == m, iota, _BIGI)
        j = jnp.min(cand, axis=1, keepdims=True)
        cols.append(j)
        d = jnp.where(iota == j, _NEG, d)
    idx_ref[0] = jnp.concatenate(cols, axis=1) + b * N


def _make_sc_gather(BN, C):
    info = plsc.get_sparse_core_info()
    NC, NS = info.num_cores, info.num_subcores
    NW = NC * NS
    RW = BN // NW
    RG = 4
    TOTP = (RW // RG) // 2
    NIDX = RW * _K
    GK = RG * _K
    mesh = plsc.VectorSubcoreMesh(core_axis_name="c", subcore_axis_name="s")

    @functools.partial(
        pl.kernel, mesh=mesh,
        out_type=jax.ShapeDtypeStruct((BN * _K, C), jnp.float32),
        scratch_types=(
            pltpu.VMEM((NIDX,), jnp.int32),
            pltpu.VMEM((GK, C), jnp.float32),
            pltpu.VMEM((GK, C), jnp.float32),
            pltpu.SemaphoreType.DMA,
            pltpu.SemaphoreType.DMA,
        ),
        compiler_params=pltpu.CompilerParams(use_tc_tiling_on_sc=False),
    )
    def sck(ptab, idx, out, idx_v, buf_a, buf_b, sem_a, sem_b):
        wid = lax.axis_index("s") * NC + lax.axis_index("c")
        base = wid * RW
        pltpu.sync_copy(idx.at[pl.ds(base * _K, NIDX)], idx_v)

        def issue(g, buf, sem):
            pltpu.async_copy(ptab.at[idx_v.at[pl.ds(g * GK, GK)]], buf, sem)

        def wait(buf, sem):
            pltpu.make_async_copy(
                ptab.at[idx_v.at[pl.ds(0, GK)]], buf, sem).wait()

        def flush(g, buf):
            pltpu.sync_copy(buf, out.at[pl.ds(base * _K + g * GK, GK)])

        issue(0, buf_a, sem_a)

        def pbody(ip, _):
            ga = 2 * ip
            gb = ga + 1
            issue(gb, buf_b, sem_b)
            wait(buf_a, sem_a)
            flush(ga, buf_a)

            @pl.when(ip + 1 < TOTP)
            def _():
                issue(ga + 2, buf_a, sem_a)

            wait(buf_b, sem_b)
            flush(gb, buf_b)
            return 0

        lax.fori_loop(0, TOTP, pbody, 0)

    return sck


def _edge_kernel(feat_ref, xt_ref, w_ref, y_ref, mx_ref, *, TP, Cp, O):
    feat = feat_ref[...]
    xt = xt_ref[...]
    f3 = feat.reshape(TP, _K, Cp)
    x3 = jnp.broadcast_to(xt[:, None, :], (TP, _K, Cp))
    cat = jnp.concatenate([f3 - x3, x3], axis=2)
    catb = cat.reshape(TP * _K, 2 * Cp).astype(jnp.bfloat16)
    y = lax.dot_general(catb, w_ref[...], (((1,), (0,)), ((), ())),
                        preferred_element_type=jnp.float32)
    y_ref[...] = y
    mx_ref[...] = jnp.max(y.reshape(TP, _K, O), axis=1)


def _edge_layer(xf, xx, W, g, bb):
    B, N, Cp = xf.shape
    O, twoC = W.shape
    C = twoC // 2
    wt = jnp.transpose(W)
    wcat = jnp.zeros((2 * Cp, O), jnp.float32)
    wcat = wcat.at[:C].set(wt[:C]).at[Cp:Cp + C].set(wt[C:])
    wcat = wcat.astype(jnp.bfloat16)

    T = 256
    idx = pl.pallas_call(
        functools.partial(_topk_kernel, T=T, N=N),
        grid=(B, N // T),
        in_specs=[
            pl.BlockSpec((1, N, Cp), lambda b_, t: (b_, 0, 0)),
            pl.BlockSpec((1, T, Cp), lambda b_, t: (b_, t, 0)),
            pl.BlockSpec((1, 1, N), lambda b_, t: (b_, 0, 0)),
            pl.BlockSpec((1, T, 1), lambda b_, t: (b_, t, 0)),
        ],
        out_specs=pl.BlockSpec((1, T, _K), lambda b_, t: (b_, t, 0)),
        out_shape=jax.ShapeDtypeStruct((B, N, _K), jnp.int32),
    )(xf, xf, xx[:, None, :], xx[:, :, None])

    BN = B * N
    xtab = xf.reshape(BN, Cp)
    feat = _make_sc_gather(BN, Cp)(xtab, idx.reshape(BN * _K))

    TP = 128
    nsteps = BN // TP
    y, mx = pl.pallas_call(
        functools.partial(_edge_kernel, TP=TP, Cp=Cp, O=O),
        grid=(nsteps,),
        in_specs=[
            pl.BlockSpec((TP * _K, Cp), lambda i: (i, 0)),
            pl.BlockSpec((TP, Cp), lambda i: (i, 0)),
            pl.BlockSpec((2 * Cp, O), lambda i: (0, 0)),
        ],
        out_specs=[
            pl.BlockSpec((TP * _K, O), lambda i: (i, 0)),
            pl.BlockSpec((TP, O), lambda i: (i, 0)),
        ],
        out_shape=[
            jax.ShapeDtypeStruct((BN * _K, O), jnp.float32),
            jax.ShapeDtypeStruct((BN, O), jnp.float32),
        ],
    )(feat, xtab, wcat)

    del mx
    yt = lax.optimization_barrier(
        jnp.transpose(y.reshape(B, N, _K, O), (0, 3, 1, 2)))
    mean = jnp.mean(yt, axis=(0, 2, 3), keepdims=True)
    var = jnp.var(yt, axis=(0, 2, 3), keepdims=True)
    yn = (yt - mean) / jnp.sqrt(var + 1e-5)
    yn = yn * g[None, :, None, None] + bb[None, :, None, None]
    yn = jnp.where(yn > 0, yn, 0.2 * yn)
    h = jnp.max(yn, axis=-1)
    return jnp.transpose(h, (0, 2, 1))


def kernel(x, W1, g1, b1, W2, g2, b2, W3, g3, b3, W4, g4, b4):
    B, C, N = x.shape
    xf = jnp.transpose(x, (0, 2, 1))
    xf = jnp.pad(xf, ((0, 0), (0, 0), (0, 16 - C)))
    xx = jnp.sum(x ** 2, axis=1)
    h = _edge_layer(xf, xx, W1, g1, b1)
    for (W, g, bb) in ((W2, g2, b2), (W3, g3, b3), (W4, g4, b4)):
        ht = jnp.transpose(h, (0, 2, 1))
        xx = jnp.sum(ht ** 2, axis=1)
        h = _edge_layer(h, xx, W, g, bb)
    return jnp.transpose(h, (0, 2, 1))

# --- scband reference (transcript-rebuilt; emitter-appended) ---
"""Pipeline reference for scband-dgcnnspatial-branch-5274219839629 (READ-ONLY COPY).

The authoritative reference and input builder live on the scoring server;
editing this copy changes nothing except your own understanding.
"""

import jax, jax.numpy as jnp
import numpy as np

K = 20

def knn(x, k):
    # x: (B, C, N)
    inner = -2.0 * jnp.einsum('bcn,bcm->bnm', x, x)
    xx = jnp.sum(x ** 2, axis=1)  # (B, N)
    dist = -xx[:, :, None] - inner - xx[:, None, :]
    return jax.lax.top_k(dist, k)[1]  # (B, N, K)


def get_graph_feature(x, k):
    B, C, N = x.shape
    idx = knn(x, k)  # (B, N, K)
    x_t = jnp.transpose(x, (0, 2, 1))  # (B, N, C)
    feat = jax.vmap(lambda xt, i: xt[i])(x_t, idx)  # (B, N, K, C) gather
    x_rep = jnp.broadcast_to(x_t[:, :, None, :], (B, N, k, C))
    out = jnp.concatenate([feat - x_rep, x_rep], axis=3)  # (B, N, K, 2C)
    return jnp.transpose(out, (0, 3, 1, 2))  # (B, 2C, N, K)


def conv_bn_lrelu(x, W, gamma, beta):
    # 1x1 Conv2d (no bias) + BatchNorm2d (training-mode batch stats) + LeakyReLU(0.2)
    y = jnp.einsum('oc,bcnk->bonk', W, x)
    mean = jnp.mean(y, axis=(0, 2, 3), keepdims=True)
    var = jnp.var(y, axis=(0, 2, 3), keepdims=True)
    yn = (y - mean) / jnp.sqrt(var + 1e-5)
    yn = yn * gamma[None, :, None, None] + beta[None, :, None, None]
    return jnp.where(yn > 0, yn, 0.2 * yn)


def setup_inputs(seed: int = 0) -> dict:
    key = jax.random.key(seed)
    ks = jax.random.split(key, 8)
    x = jax.random.normal(ks[0], (8, 5, 2048), dtype=jnp.float32)
    W1 = jax.random.normal(ks[1], (64, 10), dtype=jnp.float32) * 0.1
    W2 = jax.random.normal(ks[2], (64, 128), dtype=jnp.float32) * 0.05
    W3 = jax.random.normal(ks[3], (128, 128), dtype=jnp.float32) * 0.05
    W4 = jax.random.normal(ks[4], (128, 256), dtype=jnp.float32) * 0.05
    return {
        'x': x,
        'W1': W1, 'g1': jnp.ones((64,), jnp.float32), 'b1': jnp.zeros((64,), jnp.float32),
        'W2': W2, 'g2': jnp.ones((64,), jnp.float32), 'b2': jnp.zeros((64,), jnp.float32),
        'W3': W3, 'g3': jnp.ones((128,), jnp.float32), 'b3': jnp.zeros((128,), jnp.float32),
        'W4': W4, 'g4': jnp.ones((128,), jnp.float32), 'b4': jnp.zeros((128,), jnp.float32),
    }


def reference(x, W1, g1, b1, W2, g2, b2, W3, g3, b3, W4, g4, b4):
    h = get_graph_feature(x, K)
    h = conv_bn_lrelu(h, W1, g1, b1)
    h = jnp.max(h, axis=-1)  # (B, 64, N)
    h = get_graph_feature(h, K)
    h = conv_bn_lrelu(h, W2, g2, b2)
    h = jnp.max(h, axis=-1)  # (B, 64, N)
    h = get_graph_feature(h, K)
    h = conv_bn_lrelu(h, W3, g3, b3)
    h = jnp.max(h, axis=-1)  # (B, 128, N)
    h = get_graph_feature(h, K)
    h = conv_bn_lrelu(h, W4, g4, b4)
    h = jnp.max(h, axis=-1)  # (B, 128, N)
    return h

if __name__ == "__main__":
    import jax
    _d = setup_inputs()
    print(jax.jit(kernel)(*tuple(_d.values())))

</pallas_src>

<mosaic_0001>
#map = affine_map<(d0, d1) -> (0, 0)>
#map1 = affine_map<(d0, d1) -> (0)>
module attributes {stable_mosaic.version = 14 : i64} {
  func.func @sck(%arg0: i32, %arg1: i32, %arg2: memref<16384x128xf32, #tpu.memory_space<hbm>>, %arg3: memref<327680xi32, #tpu.memory_space<hbm>>, %arg4: memref<327680x128xf32, #tpu.memory_space<hbm>>, %arg5: memref<10240xi32, #tpu.memory_space<vmem>>, %arg6: memref<80x128xf32, #tpu.memory_space<vmem>>, %arg7: memref<80x128xf32, #tpu.memory_space<vmem>>, %arg8: memref<!tpu.dma_semaphore, #tpu.memory_space<semaphore_mem>>, %arg9: memref<!tpu.dma_semaphore, #tpu.memory_space<semaphore_mem>>) attributes {dimension_semantics = [#tpu.dimension_semantics<core_parallel>, #tpu.dimension_semantics<subcore_parallel>], iteration_bounds = array<i64: 2, 16>, scalar_prefetch = 0 : i64, scratch_operands = 5 : i64, tpu.core_type = #tpu.core_type<sc_vector_subcore>, window_params = [{transform_indices = #map}, {transform_indices = #map1}, {transform_indices = #map}]} {
    %mul3A = arith.constant 2 : i32
    %mul3A_0 = arith.muli %arg1, %mul3A : i32
    %add3A = arith.addi %mul3A_0, %arg0 : i32
    %mul3A_1 = arith.constant 512 : i32
    %mul3A_2 = arith.muli %add3A, %mul3A_1 : i32
    %mul3A_3 = arith.constant 20 : i32
    %mul3A_4 = arith.muli %mul3A_2, %mul3A_3 : i32
    "tpu.region"() ({
      %run_scoped3A = tpu.sem_alloc : memref<!tpu.dma_semaphore, #tpu.memory_space<semaphore_mem>>
      %dma_start3A_15 = tpu.memref_slice %arg3[%mul3A_4] : memref<327680xi32, #tpu.memory_space<hbm>> -> memref<10240xi32, #tpu.memory_space<hbm>>
      %dma_start3A_16 = tpu.memref_slice %arg3[%mul3A_4] : memref<327680xi32, #tpu.memory_space<hbm>> -> memref<10240xi32, #tpu.memory_space<hbm>>
      tpu.enqueue_dma source(%dma_start3A_16 : memref<10240xi32, #tpu.memory_space<hbm>>) target(%arg5 : memref<10240xi32, #tpu.memory_space<vmem>>) target_semaphore(%run_scoped3A : memref<!tpu.dma_semaphore, #tpu.memory_space<semaphore_mem>>)
      %dma_wait3A = tpu.memref_slice %arg3[%mul3A_4] : memref<327680xi32, #tpu.memory_space<hbm>> -> memref<10240xi32, #tpu.memory_space<hbm>>
      %dma_wait3A_17 = tpu.memref_slice %arg3[%mul3A_4] : memref<327680xi32, #tpu.memory_space<hbm>> -> memref<10240xi32, #tpu.memory_space<hbm>>
      tpu.wait_dma2 semaphore(%run_scoped3A : memref<!tpu.dma_semaphore, #tpu.memory_space<semaphore_mem>>) src(%dma_wait3A_17 : memref<10240xi32, #tpu.memory_space<hbm>>) dst(%arg5 : memref<10240xi32, #tpu.memory_space<vmem>>)
      tpu.yield
    }) : () -> ()
    %dma_start3A = arith.constant 0 : i32
    %dma_start3A_5 = tpu.memref_slice %arg5[%dma_start3A] : memref<10240xi32, #tpu.memory_space<vmem>> -> memref<80xi32, #tpu.memory_space<vmem>>
    %dma_start3A_6 = arith.constant 0 : i32
    %dma_start3A_7 = arith.constant 0 : i32
    %dma_start3A_8 = tpu.memref_slice %arg2[%dma_start3A_6, %dma_start3A_7] : memref<16384x128xf32, #tpu.memory_space<hbm>> -> memref<16384x128xf32, #tpu.memory_space<hbm>>
    tpu.enqueue_indirect_dma source(%dma_start3A_8 : memref<16384x128xf32, #tpu.memory_space<hbm>>) target(%arg6 : memref<80x128xf32, #tpu.memory_space<vmem>>) offsets(%dma_start3A_5 : memref<80xi32, #tpu.memory_space<vmem>>) semaphore(%arg8 : memref<!tpu.dma_semaphore, #tpu.memory_space<semaphore_mem>>)
    %scan3A = arith.constant 0 : i32
    %scan3A_9 = arith.constant 0 : i32
    %scan3A_10 = arith.constant 64 : i32
    %scan3A_11 = arith.addi %scan3A_9, %scan3A_10 : i32
    %scan3A_12 = arith.constant 1 : i32
    %scan3A_13 = scf.for %scan3A_15 = %scan3A_9 to %scan3A_11 step %scan3A_12 iter_args(%scan3A_16 = %scan3A) -> (i32)  : i32 {
      %mul3A_17 = arith.constant 2 : i32
      %mul3A_18 = arith.muli %mul3A_17, %scan3A_15 : i32
      %add3A_19 = arith.constant 1 : i32
      %add3A_20 = arith.addi %mul3A_18, %add3A_19 : i32
      %mul3A_21 = arith.constant 80 : i32
      %mul3A_22 = arith.muli %add3A_20, %mul3A_21 : i32
      %dma_start3A_23 = tpu.memref_slice %arg5[%mul3A_22] : memref<10240xi32, #tpu.memory_space<vmem>> -> memref<80xi32, #tpu.memory_space<vmem>>
      %dma_start3A_24 = arith.constant 0 : i32
      %dma_start3A_25 = arith.constant 0 : i32
      %dma_start3A_26 = tpu.memref_slice %arg2[%dma_start3A_24, %dma_start3A_25] : memref<16384x128xf32, #tpu.memory_space<hbm>> -> memref<16384x128xf32, #tpu.memory_space<hbm>>
      tpu.enqueue_indirect_dma source(%dma_start3A_26 : memref<16384x128xf32, #tpu.memory_space<hbm>>) target(%arg7 : memref<80x128xf32, #tpu.memory_space<vmem>>) offsets(%dma_start3A_23 : memref<80xi32, #tpu.memory_space<vmem>>) semaphore(%arg9 : memref<!tpu.dma_semaphore, #tpu.memory_space<semaphore_mem>>)
      %dma_wait3A = arith.constant 0 : i32
      %dma_wait3A_27 = tpu.memref_slice %arg5[%dma_wait3A] : memref<10240xi32, #tpu.memory_space<vmem>> -> memref<80xi32, #tpu.memory_space<vmem>>
      %dma_wait3A_28 = arith.constant 0 : i32
      %dma_wait3A_29 = arith.constant 0 : i32
      %dma_wait3A_30 = tpu.memref_slice %arg2[%dma_wait3A_28, %dma_wait3A_29] : memref<16384x128xf32, #tpu.memory_space<hbm>> -> memref<16384x128xf32, #tpu.memory_space<hbm>>
      tpu.wait_indirect_dma semaphore(%arg8 : memref<!tpu.dma_semaphore, #tpu.memory_space<semaphore_mem>>) src(%dma_wait3A_30 : memref<16384x128xf32, #tpu.memory_space<hbm>>) dst(%arg6 : memref<80x128xf32, #tpu.memory_space<vmem>>)
      %mul3A_31 = arith.constant 20 : i32
      %mul3A_32 = arith.muli %mul3A_2, %mul3A_31 : i32
      %mul3A_33 = arith.constant 80 : i32
      %mul3A_34 = arith.muli %mul3A_18, %mul3A_33 : i32
      %add3A_35 = arith.addi %mul3A_32, %mul3A_34 : i32
      "tpu.region"() ({
        %run_scoped3A = tpu.sem_alloc : memref<!tpu.dma_semaphore, #tpu.memory_space<semaphore_mem>>
        %dma_start3A_51 = arith.constant 0 : i32
        %dma_start3A_52 = tpu.memref_slice %arg4[%add3A_35, %dma_start3A_51] : memref<327680x128xf32, #tpu.memory_space<hbm>> -> memref<80x128xf32, #tpu.memory_space<hbm>>
        %dma_start3A_53 = arith.constant 0 : i32
        %dma_start3A_54 = tpu.memref_slice %arg4[%add3A_35, %dma_start3A_53] : memref<327680x128xf32, #tpu.memory_space<hbm>> -> memref<80x128xf32, #tpu.memory_space<hbm>>
        tpu.enqueue_dma source(%arg6 : memref<80x128xf32, #tpu.memory_space<vmem>>) target(%dma_start3A_54 : memref<80x128xf32, #tpu.memory_space<hbm>>) target_semaphore(%run_scoped3A : memref<!tpu.dma_semaphore, #tpu.memory_space<semaphore_mem>>)
        %dma_wait3A_55 = arith.constant 0 : i32
        %dma_wait3A_56 = tpu.memref_slice %arg4[%add3A_35, %dma_wait3A_55] : memref<327680x128xf32, #tpu.memory_space<hbm>> -> memref<80x128xf32, #tpu.memory_space<hbm>>
        %dma_wait3A_57 = arith.constant 0 : i32
        %dma_wait3A_58 = tpu.memref_slice %arg4[%add3A_35, %dma_wait3A_57] : memref<327680x128xf32, #tpu.memory_space<hbm>> -> memref<80x128xf32, #tpu.memory_space<hbm>>
        tpu.wait_dma2 semaphore(%run_scoped3A : memref<!tpu.dma_semaphore, #tpu.memory_space<semaphore_mem>>) src(%arg6 : memref<80x128xf32, #tpu.memory_space<vmem>>) dst(%dma_wait3A_58 : memref<80x128xf32, #tpu.memory_space<hbm>>)
        tpu.yield
      }) : () -> ()
      %add3A_36 = arith.constant 1 : i32
      %add3A_37 = arith.addi %scan3A_15, %add3A_36 : i32
      %lt3A = arith.constant 64 : i32
      %lt3A_38 = arith.cmpi slt, %add3A_37, %lt3A : i32
      %convert_element_type3A = arith.extui %lt3A_38 : i1 to i32
      %cond3A = arith.constant 0 : i32
      %cond3A_39 = arith.cmpi ne, %convert_element_type3A, %cond3A : i32
      scf.if %cond3A_39 {
        %add3A_51 = arith.constant 2 : i32
        %add3A_52 = arith.addi %mul3A_18, %add3A_51 : i32
        %mul3A_53 = arith.constant 80 : i32
        %mul3A_54 = arith.muli %add3A_52, %mul3A_53 : i32
        %dma_start3A_55 = tpu.memref_slice %arg5[%mul3A_54] : memref<10240xi32, #tpu.memory_space<vmem>> -> memref<80xi32, #tpu.memory_space<vmem>>
        %dma_start3A_56 = arith.constant 0 : i32
        %dma_start3A_57 = arith.constant 0 : i32
        %dma_start3A_58 = tpu.memref_slice %arg2[%dma_start3A_56, %dma_start3A_57] : memref<16384x128xf32, #tpu.memory_space<hbm>> -> memref<16384x128xf32, #tpu.memory_space<hbm>>
        tpu.enqueue_indirect_dma source(%dma_start3A_58 : memref<16384x128xf32, #tpu.memory_space<hbm>>) target(%arg6 : memref<80x128xf32, #tpu.memory_space<vmem>>) offsets(%dma_start3A_55 : memref<80xi32, #tpu.memory_space<vmem>>) semaphore(%arg8 : memref<!tpu.dma_semaphore, #tpu.memory_space<semaphore_mem>>)
      } else {
      }
      %dma_wait3A_40 = arith.constant 0 : i32
      %dma_wait3A_41 = tpu.memref_slice %arg5[%dma_wait3A_40] : memref<10240xi32, #tpu.memory_space<vmem>> -> memref<80xi32, #tpu.memory_space<vmem>>
      %dma_wait3A_42 = arith.constant 0 : i32
      %dma_wait3A_43 = arith.constant 0 : i32
      %dma_wait3A_44 = tpu.memref_slice %arg2[%dma_wait3A_42, %dma_wait3A_43] : memref<16384x128xf32, #tpu.memory_space<hbm>> -> memref<16384x128xf32, #tpu.memory_space<hbm>>
      tpu.wait_indirect_dma semaphore(%arg9 : memref<!tpu.dma_semaphore, #tpu.memory_space<semaphore_mem>>) src(%dma_wait3A_44 : memref<16384x128xf32, #tpu.memory_space<hbm>>) dst(%arg7 : memref<80x128xf32, #tpu.memory_space<vmem>>)
      %mul3A_45 = arith.constant 20 : i32
      %mul3A_46 = arith.muli %mul3A_2, %mul3A_45 : i32
      %mul3A_47 = arith.constant 80 : i32
      %mul3A_48 = arith.muli %add3A_20, %mul3A_47 : i32
      %add3A_49 = arith.addi %mul3A_46, %mul3A_48 : i32
      "tpu.region"() ({
        %run_scoped3A = tpu.sem_alloc : memref<!tpu.dma_semaphore, #tpu.memory_space<semaphore_mem>>
        %dma_start3A_51 = arith.constant 0 : i32
        %dma_start3A_52 = tpu.memref_slice %arg4[%add3A_49, %dma_start3A_51] : memref<327680x128xf32, #tpu.memory_space<hbm>> -> memref<80x128xf32, #tpu.memory_space<hbm>>
        %dma_start3A_53 = arith.constant 0 : i32
        %dma_start3A_54 = tpu.memref_slice %arg4[%add3A_49, %dma_start3A_53] : memref<327680x128xf32, #tpu.memory_space<hbm>> -> memref<80x128xf32, #tpu.memory_space<hbm>>
        tpu.enqueue_dma source(%arg7 : memref<80x128xf32, #tpu.memory_space<vmem>>) target(%dma_start3A_54 : memref<80x128xf32, #tpu.memory_space<hbm>>) target_semaphore(%run_scoped3A : memref<!tpu.dma_semaphore, #tpu.memory_space<semaphore_mem>>)
        %dma_wait3A_55 = arith.constant 0 : i32
        %dma_wait3A_56 = tpu.memref_slice %arg4[%add3A_49, %dma_wait3A_55] : memref<327680x128xf32, #tpu.memory_space<hbm>> -> memref<80x128xf32, #tpu.memory_space<hbm>>
        %dma_wait3A_57 = arith.constant 0 : i32
        %dma_wait3A_58 = tpu.memref_slice %arg4[%add3A_49, %dma_wait3A_57] : memref<327680x128xf32, #tpu.memory_space<hbm>> -> memref<80x128xf32, #tpu.memory_space<hbm>>
        tpu.wait_dma2 semaphore(%run_scoped3A : memref<!tpu.dma_semaphore, #tpu.memory_space<semaphore_mem>>) src(%arg7 : memref<80x128xf32, #tpu.memory_space<vmem>>) dst(%dma_wait3A_58 : memref<80x128xf32, #tpu.memory_space<hbm>>)
        tpu.yield
      }) : () -> ()
      %scan3A_50 = arith.constant 0 : i32
      scf.yield %scan3A_50 : i32
    }
    %scan3A_14 = arith.constant 64 : i32
    return
  }
}

#map = affine_map<(d0, d1) -> (0, 0)>
#map1 = affine_map<(d0, d1) -> (0)>
module attributes {stable_mosaic.version = 14 : i64} {
  func.func @sck(%arg0: i32, %arg1: i32, %arg2: memref<16384x16xf32, #tpu.memory_space<hbm>>, %arg3: memref<327680xi32, #tpu.memory_space<hbm>>, %arg4: memref<327680x16xf32, #tpu.memory_space<hbm>>, %arg5: memref<10240xi32, #tpu.memory_space<vmem>>, %arg6: memref<80x16xf32, #tpu.memory_space<vmem>>, %arg7: memref<80x16xf32, #tpu.memory_space<vmem>>, %arg8: memref<!tpu.dma_semaphore, #tpu.memory_space<semaphore_mem>>, %arg9: memref<!tpu.dma_semaphore, #tpu.memory_space<semaphore_mem>>) attributes {dimension_semantics = [#tpu.dimension_semantics<core_parallel>, #tpu.dimension_semantics<subcore_parallel>], iteration_bounds = array<i64: 2, 16>, scalar_prefetch = 0 : i64, scratch_operands = 5 : i64, tpu.core_type = #tpu.core_type<sc_vector_subcore>, window_params = [{transform_indices = #map}, {transform_indices = #map1}, {transform_indices = #map}]} {
    %mul3A = arith.constant 2 : i32
    %mul3A_0 = arith.muli %arg1, %mul3A : i32
    %add3A = arith.addi %mul3A_0, %arg0 : i32
    %mul3A_1 = arith.constant 512 : i32
    %mul3A_2 = arith.muli %add3A, %mul3A_1 : i32
    %mul3A_3 = arith.constant 20 : i32
    %mul3A_4 = arith.muli %mul3A_2, %mul3A_3 : i32
    "tpu.region"() ({
      %run_scoped3A = tpu.sem_alloc : memref<!tpu.dma_semaphore, #tpu.memory_space<semaphore_mem>>
      %dma_start3A_15 = tpu.memref_slice %arg3[%mul3A_4] : memref<327680xi32, #tpu.memory_space<hbm>> -> memref<10240xi32, #tpu.memory_space<hbm>>
      %dma_start3A_16 = tpu.memref_slice %arg3[%mul3A_4] : memref<327680xi32, #tpu.memory_space<hbm>> -> memref<10240xi32, #tpu.memory_space<hbm>>
      tpu.enqueue_dma source(%dma_start3A_16 : memref<10240xi32, #tpu.memory_space<hbm>>) target(%arg5 : memref<10240xi32, #tpu.memory_space<vmem>>) target_semaphore(%run_scoped3A : memref<!tpu.dma_semaphore, #tpu.memory_space<semaphore_mem>>)
      %dma_wait3A = tpu.memref_slice %arg3[%mul3A_4] : memref<327680xi32, #tpu.memory_space<hbm>> -> memref<10240xi32, #tpu.memory_space<hbm>>
      %dma_wait3A_17 = tpu.memref_slice %arg3[%mul3A_4] : memref<327680xi32, #tpu.memory_space<hbm>> -> memref<10240xi32, #tpu.memory_space<hbm>>
      tpu.wait_dma2 semaphore(%run_scoped3A : memref<!tpu.dma_semaphore, #tpu.memory_space<semaphore_mem>>) src(%dma_wait3A_17 : memref<10240xi32, #tpu.memory_space<hbm>>) dst(%arg5 : memref<10240xi32, #tpu.memory_space<vmem>>)
      tpu.yield
    }) : () -> ()
    %dma_start3A = arith.constant 0 : i32
    %dma_start3A_5 = tpu.memref_slice %arg5[%dma_start3A] : memref<10240xi32, #tpu.memory_space<vmem>> -> memref<80xi32, #tpu.memory_space<vmem>>
    %dma_start3A_6 = arith.constant 0 : i32
    %dma_start3A_7 = arith.constant 0 : i32
    %dma_start3A_8 = tpu.memref_slice %arg2[%dma_start3A_6, %dma_start3A_7] : memref<16384x16xf32, #tpu.memory_space<hbm>> -> memref<16384x16xf32, #tpu.memory_space<hbm>>
    tpu.enqueue_indirect_dma source(%dma_start3A_8 : memref<16384x16xf32, #tpu.memory_space<hbm>>) target(%arg6 : memref<80x16xf32, #tpu.memory_space<vmem>>) offsets(%dma_start3A_5 : memref<80xi32, #tpu.memory_space<vmem>>) semaphore(%arg8 : memref<!tpu.dma_semaphore, #tpu.memory_space<semaphore_mem>>)
    %scan3A = arith.constant 0 : i32
    %scan3A_9 = arith.constant 0 : i32
    %scan3A_10 = arith.constant 64 : i32
    %scan3A_11 = arith.addi %scan3A_9, %scan3A_10 : i32
    %scan3A_12 = arith.constant 1 : i32
    %scan3A_13 = scf.for %scan3A_15 = %scan3A_9 to %scan3A_11 step %scan3A_12 iter_args(%scan3A_16 = %scan3A) -> (i32)  : i32 {
      %mul3A_17 = arith.constant 2 : i32
      %mul3A_18 = arith.muli %mul3A_17, %scan3A_15 : i32
      %add3A_19 = arith.constant 1 : i32
      %add3A_20 = arith.addi %mul3A_18, %add3A_19 : i32
      %mul3A_21 = arith.constant 80 : i32
      %mul3A_22 = arith.muli %add3A_20, %mul3A_21 : i32
      %dma_start3A_23 = tpu.memref_slice %arg5[%mul3A_22] : memref<10240xi32, #tpu.memory_space<vmem>> -> memref<80xi32, #tpu.memory_space<vmem>>
      %dma_start3A_24 = arith.constant 0 : i32
      %dma_start3A_25 = arith.constant 0 : i32
      %dma_start3A_26 = tpu.memref_slice %arg2[%dma_start3A_24, %dma_start3A_25] : memref<16384x16xf32, #tpu.memory_space<hbm>> -> memref<16384x16xf32, #tpu.memory_space<hbm>>
      tpu.enqueue_indirect_dma source(%dma_start3A_26 : memref<16384x16xf32, #tpu.memory_space<hbm>>) target(%arg7 : memref<80x16xf32, #tpu.memory_space<vmem>>) offsets(%dma_start3A_23 : memref<80xi32, #tpu.memory_space<vmem>>) semaphore(%arg9 : memref<!tpu.dma_semaphore, #tpu.memory_space<semaphore_mem>>)
      %dma_wait3A = arith.constant 0 : i32
      %dma_wait3A_27 = tpu.memref_slice %arg5[%dma_wait3A] : memref<10240xi32, #tpu.memory_space<vmem>> -> memref<80xi32, #tpu.memory_space<vmem>>
      %dma_wait3A_28 = arith.constant 0 : i32
      %dma_wait3A_29 = arith.constant 0 : i32
      %dma_wait3A_30 = tpu.memref_slice %arg2[%dma_wait3A_28, %dma_wait3A_29] : memref<16384x16xf32, #tpu.memory_space<hbm>> -> memref<16384x16xf32, #tpu.memory_space<hbm>>
      tpu.wait_indirect_dma semaphore(%arg8 : memref<!tpu.dma_semaphore, #tpu.memory_space<semaphore_mem>>) src(%dma_wait3A_30 : memref<16384x16xf32, #tpu.memory_space<hbm>>) dst(%arg6 : memref<80x16xf32, #tpu.memory_space<vmem>>)
      %mul3A_31 = arith.constant 20 : i32
      %mul3A_32 = arith.muli %mul3A_2, %mul3A_31 : i32
      %mul3A_33 = arith.constant 80 : i32
      %mul3A_34 = arith.muli %mul3A_18, %mul3A_33 : i32
      %add3A_35 = arith.addi %mul3A_32, %mul3A_34 : i32
      "tpu.region"() ({
        %run_scoped3A = tpu.sem_alloc : memref<!tpu.dma_semaphore, #tpu.memory_space<semaphore_mem>>
        %dma_start3A_51 = arith.constant 0 : i32
        %dma_start3A_52 = tpu.memref_slice %arg4[%add3A_35, %dma_start3A_51] : memref<327680x16xf32, #tpu.memory_space<hbm>> -> memref<80x16xf32, #tpu.memory_space<hbm>>
        %dma_start3A_53 = arith.constant 0 : i32
        %dma_start3A_54 = tpu.memref_slice %arg4[%add3A_35, %dma_start3A_53] : memref<327680x16xf32, #tpu.memory_space<hbm>> -> memref<80x16xf32, #tpu.memory_space<hbm>>
        tpu.enqueue_dma source(%arg6 : memref<80x16xf32, #tpu.memory_space<vmem>>) target(%dma_start3A_54 : memref<80x16xf32, #tpu.memory_space<hbm>>) target_semaphore(%run_scoped3A : memref<!tpu.dma_semaphore, #tpu.memory_space<semaphore_mem>>)
        %dma_wait3A_55 = arith.constant 0 : i32
        %dma_wait3A_56 = tpu.memref_slice %arg4[%add3A_35, %dma_wait3A_55] : memref<327680x16xf32, #tpu.memory_space<hbm>> -> memref<80x16xf32, #tpu.memory_space<hbm>>
        %dma_wait3A_57 = arith.constant 0 : i32
        %dma_wait3A_58 = tpu.memref_slice %arg4[%add3A_35, %dma_wait3A_57] : memref<327680x16xf32, #tpu.memory_space<hbm>> -> memref<80x16xf32, #tpu.memory_space<hbm>>
        tpu.wait_dma2 semaphore(%run_scoped3A : memref<!tpu.dma_semaphore, #tpu.memory_space<semaphore_mem>>) src(%arg6 : memref<80x16xf32, #tpu.memory_space<vmem>>) dst(%dma_wait3A_58 : memref<80x16xf32, #tpu.memory_space<hbm>>)
        tpu.yield
      }) : () -> ()
      %add3A_36 = arith.constant 1 : i32
      %add3A_37 = arith.addi %scan3A_15, %add3A_36 : i32
      %lt3A = arith.constant 64 : i32
      %lt3A_38 = arith.cmpi slt, %add3A_37, %lt3A : i32
      %convert_element_type3A = arith.extui %lt3A_38 : i1 to i32
      %cond3A = arith.constant 0 : i32
      %cond3A_39 = arith.cmpi ne, %convert_element_type3A, %cond3A : i32
      scf.if %cond3A_39 {
        %add3A_51 = arith.constant 2 : i32
        %add3A_52 = arith.addi %mul3A_18, %add3A_51 : i32
        %mul3A_53 = arith.constant 80 : i32
        %mul3A_54 = arith.muli %add3A_52, %mul3A_53 : i32
        %dma_start3A_55 = tpu.memref_slice %arg5[%mul3A_54] : memref<10240xi32, #tpu.memory_space<vmem>> -> memref<80xi32, #tpu.memory_space<vmem>>
        %dma_start3A_56 = arith.constant 0 : i32
        %dma_start3A_57 = arith.constant 0 : i32
        %dma_start3A_58 = tpu.memref_slice %arg2[%dma_start3A_56, %dma_start3A_57] : memref<16384x16xf32, #tpu.memory_space<hbm>> -> memref<16384x16xf32, #tpu.memory_space<hbm>>
        tpu.enqueue_indirect_dma source(%dma_start3A_58 : memref<16384x16xf32, #tpu.memory_space<hbm>>) target(%arg6 : memref<80x16xf32, #tpu.memory_space<vmem>>) offsets(%dma_start3A_55 : memref<80xi32, #tpu.memory_space<vmem>>) semaphore(%arg8 : memref<!tpu.dma_semaphore, #tpu.memory_space<semaphore_mem>>)
      } else {
      }
      %dma_wait3A_40 = arith.constant 0 : i32
      %dma_wait3A_41 = tpu.memref_slice %arg5[%dma_wait3A_40] : memref<10240xi32, #tpu.memory_space<vmem>> -> memref<80xi32, #tpu.memory_space<vmem>>
      %dma_wait3A_42 = arith.constant 0 : i32
      %dma_wait3A_43 = arith.constant 0 : i32
      %dma_wait3A_44 = tpu.memref_slice %arg2[%dma_wait3A_42, %dma_wait3A_43] : memref<16384x16xf32, #tpu.memory_space<hbm>> -> memref<16384x16xf32, #tpu.memory_space<hbm>>
      tpu.wait_indirect_dma semaphore(%arg9 : memref<!tpu.dma_semaphore, #tpu.memory_space<semaphore_mem>>) src(%dma_wait3A_44 : memref<16384x16xf32, #tpu.memory_space<hbm>>) dst(%arg7 : memref<80x16xf32, #tpu.memory_space<vmem>>)
      %mul3A_45 = arith.constant 20 : i32
      %mul3A_46 = arith.muli %mul3A_2, %mul3A_45 : i32
      %mul3A_47 = arith.constant 80 : i32
      %mul3A_48 = arith.muli %add3A_20, %mul3A_47 : i32
      %add3A_49 = arith.addi %mul3A_46, %mul3A_48 : i32
      "tpu.region"() ({
        %run_scoped3A = tpu.sem_alloc : memref<!tpu.dma_semaphore, #tpu.memory_space<semaphore_mem>>
        %dma_start3A_51 = arith.constant 0 : i32
        %dma_start3A_52 = tpu.memref_slice %arg4[%add3A_49, %dma_start3A_51] : memref<327680x16xf32, #tpu.memory_space<hbm>> -> memref<80x16xf32, #tpu.memory_space<hbm>>
        %dma_start3A_53 = arith.constant 0 : i32
        %dma_start3A_54 = tpu.memref_slice %arg4[%add3A_49, %dma_start3A_53] : memref<327680x16xf32, #tpu.memory_space<hbm>> -> memref<80x16xf32, #tpu.memory_space<hbm>>
        tpu.enqueue_dma source(%arg7 : memref<80x16xf32, #tpu.memory_space<vmem>>) target(%dma_start3A_54 : memref<80x16xf32, #tpu.memory_space<hbm>>) target_semaphore(%run_scoped3A : memref<!tpu.dma_semaphore, #tpu.memory_space<semaphore_mem>>)
        %dma_wait3A_55 = arith.constant 0 : i32
        %dma_wait3A_56 = tpu.memref_slice %arg4[%add3A_49, %dma_wait3A_55] : memref<327680x16xf32, #tpu.memory_space<hbm>> -> memref<80x16xf32, #tpu.memory_space<hbm>>
        %dma_wait3A_57 = arith.constant 0 : i32
        %dma_wait3A_58 = tpu.memref_slice %arg4[%add3A_49, %dma_wait3A_57] : memref<327680x16xf32, #tpu.memory_space<hbm>> -> memref<80x16xf32, #tpu.memory_space<hbm>>
        tpu.wait_dma2 semaphore(%run_scoped3A : memref<!tpu.dma_semaphore, #tpu.memory_space<semaphore_mem>>) src(%arg7 : memref<80x16xf32, #tpu.memory_space<vmem>>) dst(%dma_wait3A_58 : memref<80x16xf32, #tpu.memory_space<hbm>>)
        tpu.yield
      }) : () -> ()
      %scan3A_50 = arith.constant 0 : i32
      scf.yield %scan3A_50 : i32
    }
    %scan3A_14 = arith.constant 64 : i32
    return
  }
}

#map = affine_map<(d0, d1) -> (0, 0)>
#map1 = affine_map<(d0, d1) -> (0)>
module attributes {stable_mosaic.version = 14 : i64} {
  func.func @sck(%arg0: i32, %arg1: i32, %arg2: memref<16384x64xf32, #tpu.memory_space<hbm>>, %arg3: memref<327680xi32, #tpu.memory_space<hbm>>, %arg4: memref<327680x64xf32, #tpu.memory_space<hbm>>, %arg5: memref<10240xi32, #tpu.memory_space<vmem>>, %arg6: memref<80x64xf32, #tpu.memory_space<vmem>>, %arg7: memref<80x64xf32, #tpu.memory_space<vmem>>, %arg8: memref<!tpu.dma_semaphore, #tpu.memory_space<semaphore_mem>>, %arg9: memref<!tpu.dma_semaphore, #tpu.memory_space<semaphore_mem>>) attributes {dimension_semantics = [#tpu.dimension_semantics<core_parallel>, #tpu.dimension_semantics<subcore_parallel>], iteration_bounds = array<i64: 2, 16>, scalar_prefetch = 0 : i64, scratch_operands = 5 : i64, tpu.core_type = #tpu.core_type<sc_vector_subcore>, window_params = [{transform_indices = #map}, {transform_indices = #map1}, {transform_indices = #map}]} {
    %mul3A = arith.constant 2 : i32
    %mul3A_0 = arith.muli %arg1, %mul3A : i32
    %add3A = arith.addi %mul3A_0, %arg0 : i32
    %mul3A_1 = arith.constant 512 : i32
    %mul3A_2 = arith.muli %add3A, %mul3A_1 : i32
    %mul3A_3 = arith.constant 20 : i32
    %mul3A_4 = arith.muli %mul3A_2, %mul3A_3 : i32
    "tpu.region"() ({
      %run_scoped3A = tpu.sem_alloc : memref<!tpu.dma_semaphore, #tpu.memory_space<semaphore_mem>>
      %dma_start3A_15 = tpu.memref_slice %arg3[%mul3A_4] : memref<327680xi32, #tpu.memory_space<hbm>> -> memref<10240xi32, #tpu.memory_space<hbm>>
      %dma_start3A_16 = tpu.memref_slice %arg3[%mul3A_4] : memref<327680xi32, #tpu.memory_space<hbm>> -> memref<10240xi32, #tpu.memory_space<hbm>>
      tpu.enqueue_dma source(%dma_start3A_16 : memref<10240xi32, #tpu.memory_space<hbm>>) target(%arg5 : memref<10240xi32, #tpu.memory_space<vmem>>) target_semaphore(%run_scoped3A : memref<!tpu.dma_semaphore, #tpu.memory_space<semaphore_mem>>)
      %dma_wait3A = tpu.memref_slice %arg3[%mul3A_4] : memref<327680xi32, #tpu.memory_space<hbm>> -> memref<10240xi32, #tpu.memory_space<hbm>>
      %dma_wait3A_17 = tpu.memref_slice %arg3[%mul3A_4] : memref<327680xi32, #tpu.memory_space<hbm>> -> memref<10240xi32, #tpu.memory_space<hbm>>
      tpu.wait_dma2 semaphore(%run_scoped3A : memref<!tpu.dma_semaphore, #tpu.memory_space<semaphore_mem>>) src(%dma_wait3A_17 : memref<10240xi32, #tpu.memory_space<hbm>>) dst(%arg5 : memref<10240xi32, #tpu.memory_space<vmem>>)
      tpu.yield
    }) : () -> ()
    %dma_start3A = arith.constant 0 : i32
    %dma_start3A_5 = tpu.memref_slice %arg5[%dma_start3A] : memref<10240xi32, #tpu.memory_space<vmem>> -> memref<80xi32, #tpu.memory_space<vmem>>
    %dma_start3A_6 = arith.constant 0 : i32
    %dma_start3A_7 = arith.constant 0 : i32
    %dma_start3A_8 = tpu.memref_slice %arg2[%dma_start3A_6, %dma_start3A_7] : memref<16384x64xf32, #tpu.memory_space<hbm>> -> memref<16384x64xf32, #tpu.memory_space<hbm>>
    tpu.enqueue_indirect_dma source(%dma_start3A_8 : memref<16384x64xf32, #tpu.memory_space<hbm>>) target(%arg6 : memref<80x64xf32, #tpu.memory_space<vmem>>) offsets(%dma_start3A_5 : memref<80xi32, #tpu.memory_space<vmem>>) semaphore(%arg8 : memref<!tpu.dma_semaphore, #tpu.memory_space<semaphore_mem>>)
    %scan3A = arith.constant 0 : i32
    %scan3A_9 = arith.constant 0 : i32
    %scan3A_10 = arith.constant 64 : i32
    %scan3A_11 = arith.addi %scan3A_9, %scan3A_10 : i32
    %scan3A_12 = arith.constant 1 : i32
    %scan3A_13 = scf.for %scan3A_15 = %scan3A_9 to %scan3A_11 step %scan3A_12 iter_args(%scan3A_16 = %scan3A) -> (i32)  : i32 {
      %mul3A_17 = arith.constant 2 : i32
      %mul3A_18 = arith.muli %mul3A_17, %scan3A_15 : i32
      %add3A_19 = arith.constant 1 : i32
      %add3A_20 = arith.addi %mul3A_18, %add3A_19 : i32
      %mul3A_21 = arith.constant 80 : i32
      %mul3A_22 = arith.muli %add3A_20, %mul3A_21 : i32
      %dma_start3A_23 = tpu.memref_slice %arg5[%mul3A_22] : memref<10240xi32, #tpu.memory_space<vmem>> -> memref<80xi32, #tpu.memory_space<vmem>>
      %dma_start3A_24 = arith.constant 0 : i32
      %dma_start3A_25 = arith.constant 0 : i32
      %dma_start3A_26 = tpu.memref_slice %arg2[%dma_start3A_24, %dma_start3A_25] : memref<16384x64xf32, #tpu.memory_space<hbm>> -> memref<16384x64xf32, #tpu.memory_space<hbm>>
      tpu.enqueue_indirect_dma source(%dma_start3A_26 : memref<16384x64xf32, #tpu.memory_space<hbm>>) target(%arg7 : memref<80x64xf32, #tpu.memory_space<vmem>>) offsets(%dma_start3A_23 : memref<80xi32, #tpu.memory_space<vmem>>) semaphore(%arg9 : memref<!tpu.dma_semaphore, #tpu.memory_space<semaphore_mem>>)
      %dma_wait3A = arith.constant 0 : i32
      %dma_wait3A_27 = tpu.memref_slice %arg5[%dma_wait3A] : memref<10240xi32, #tpu.memory_space<vmem>> -> memref<80xi32, #tpu.memory_space<vmem>>
      %dma_wait3A_28 = arith.constant 0 : i32
      %dma_wait3A_29 = arith.constant 0 : i32
      %dma_wait3A_30 = tpu.memref_slice %arg2[%dma_wait3A_28, %dma_wait3A_29] : memref<16384x64xf32, #tpu.memory_space<hbm>> -> memref<16384x64xf32, #tpu.memory_space<hbm>>
      tpu.wait_indirect_dma semaphore(%arg8 : memref<!tpu.dma_semaphore, #tpu.memory_space<semaphore_mem>>) src(%dma_wait3A_30 : memref<16384x64xf32, #tpu.memory_space<hbm>>) dst(%arg6 : memref<80x64xf32, #tpu.memory_space<vmem>>)
      %mul3A_31 = arith.constant 20 : i32
      %mul3A_32 = arith.muli %mul3A_2, %mul3A_31 : i32
      %mul3A_33 = arith.constant 80 : i32
      %mul3A_34 = arith.muli %mul3A_18, %mul3A_33 : i32
      %add3A_35 = arith.addi %mul3A_32, %mul3A_34 : i32
      "tpu.region"() ({
        %run_scoped3A = tpu.sem_alloc : memref<!tpu.dma_semaphore, #tpu.memory_space<semaphore_mem>>
        %dma_start3A_51 = arith.constant 0 : i32
        %dma_start3A_52 = tpu.memref_slice %arg4[%add3A_35, %dma_start3A_51] : memref<327680x64xf32, #tpu.memory_space<hbm>> -> memref<80x64xf32, #tpu.memory_space<hbm>>
        %dma_start3A_53 = arith.constant 0 : i32
        %dma_start3A_54 = tpu.memref_slice %arg4[%add3A_35, %dma_start3A_53] : memref<327680x64xf32, #tpu.memory_space<hbm>> -> memref<80x64xf32, #tpu.memory_space<hbm>>
        tpu.enqueue_dma source(%arg6 : memref<80x64xf32, #tpu.memory_space<vmem>>) target(%dma_start3A_54 : memref<80x64xf32, #tpu.memory_space<hbm>>) target_semaphore(%run_scoped3A : memref<!tpu.dma_semaphore, #tpu.memory_space<semaphore_mem>>)
        %dma_wait3A_55 = arith.constant 0 : i32
        %dma_wait3A_56 = tpu.memref_slice %arg4[%add3A_35, %dma_wait3A_55] : memref<327680x64xf32, #tpu.memory_space<hbm>> -> memref<80x64xf32, #tpu.memory_space<hbm>>
        %dma_wait3A_57 = arith.constant 0 : i32
        %dma_wait3A_58 = tpu.memref_slice %arg4[%add3A_35, %dma_wait3A_57] : memref<327680x64xf32, #tpu.memory_space<hbm>> -> memref<80x64xf32, #tpu.memory_space<hbm>>
        tpu.wait_dma2 semaphore(%run_scoped3A : memref<!tpu.dma_semaphore, #tpu.memory_space<semaphore_mem>>) src(%arg6 : memref<80x64xf32, #tpu.memory_space<vmem>>) dst(%dma_wait3A_58 : memref<80x64xf32, #tpu.memory_space<hbm>>)
        tpu.yield
      }) : () -> ()
      %add3A_36 = arith.constant 1 : i32
      %add3A_37 = arith.addi %scan3A_15, %add3A_36 : i32
      %lt3A = arith.constant 64 : i32
      %lt3A_38 = arith.cmpi slt, %add3A_37, %lt3A : i32
      %convert_element_type3A = arith.extui %lt3A_38 : i1 to i32
      %cond3A = arith.constant 0 : i32
      %cond3A_39 = arith.cmpi ne, %convert_element_type3A, %cond3A : i32
      scf.if %cond3A_39 {
        %add3A_51 = arith.constant 2 : i32
        %add3A_52 = arith.addi %mul3A_18, %add3A_51 : i32
        %mul3A_53 = arith.constant 80 : i32
        %mul3A_54 = arith.muli %add3A_52, %mul3A_53 : i32
        %dma_start3A_55 = tpu.memref_slice %arg5[%mul3A_54] : memref<10240xi32, #tpu.memory_space<vmem>> -> memref<80xi32, #tpu.memory_space<vmem>>
        %dma_start3A_56 = arith.constant 0 : i32
        %dma_start3A_57 = arith.constant 0 : i32
        %dma_start3A_58 = tpu.memref_slice %arg2[%dma_start3A_56, %dma_start3A_57] : memref<16384x64xf32, #tpu.memory_space<hbm>> -> memref<16384x64xf32, #tpu.memory_space<hbm>>
        tpu.enqueue_indirect_dma source(%dma_start3A_58 : memref<16384x64xf32, #tpu.memory_space<hbm>>) target(%arg6 : memref<80x64xf32, #tpu.memory_space<vmem>>) offsets(%dma_start3A_55 : memref<80xi32, #tpu.memory_space<vmem>>) semaphore(%arg8 : memref<!tpu.dma_semaphore, #tpu.memory_space<semaphore_mem>>)
      } else {
      }
      %dma_wait3A_40 = arith.constant 0 : i32
      %dma_wait3A_41 = tpu.memref_slice %arg5[%dma_wait3A_40] : memref<10240xi32, #tpu.memory_space<vmem>> -> memref<80xi32, #tpu.memory_space<vmem>>
      %dma_wait3A_42 = arith.constant 0 : i32
      %dma_wait3A_43 = arith.constant 0 : i32
      %dma_wait3A_44 = tpu.memref_slice %arg2[%dma_wait3A_42, %dma_wait3A_43] : memref<16384x64xf32, #tpu.memory_space<hbm>> -> memref<16384x64xf32, #tpu.memory_space<hbm>>
      tpu.wait_indirect_dma semaphore(%arg9 : memref<!tpu.dma_semaphore, #tpu.memory_space<semaphore_mem>>) src(%dma_wait3A_44 : memref<16384x64xf32, #tpu.memory_space<hbm>>) dst(%arg7 : memref<80x64xf32, #tpu.memory_space<vmem>>)
      %mul3A_45 = arith.constant 20 : i32
      %mul3A_46 = arith.muli %mul3A_2, %mul3A_45 : i32
      %mul3A_47 = arith.constant 80 : i32
      %mul3A_48 = arith.muli %add3A_20, %mul3A_47 : i32
      %add3A_49 = arith.addi %mul3A_46, %mul3A_48 : i32
      "tpu.region"() ({
        %run_scoped3A = tpu.sem_alloc : memref<!tpu.dma_semaphore, #tpu.memory_space<semaphore_mem>>
        %dma_start3A_51 = arith.constant 0 : i32
        %dma_start3A_52 = tpu.memref_slice %arg4[%add3A_49, %dma_start3A_51] : memref<327680x64xf32, #tpu.memory_space<hbm>> -> memref<80x64xf32, #tpu.memory_space<hbm>>
        %dma_start3A_53 = arith.constant 0 : i32
        %dma_start3A_54 = tpu.memref_slice %arg4[%add3A_49, %dma_start3A_53] : memref<327680x64xf32, #tpu.memory_space<hbm>> -> memref<80x64xf32, #tpu.memory_space<hbm>>
        tpu.enqueue_dma source(%arg7 : memref<80x64xf32, #tpu.memory_space<vmem>>) target(%dma_start3A_54 : memref<80x64xf32, #tpu.memory_space<hbm>>) target_semaphore(%run_scoped3A : memref<!tpu.dma_semaphore, #tpu.memory_space<semaphore_mem>>)
        %dma_wait3A_55 = arith.constant 0 : i32
        %dma_wait3A_56 = tpu.memref_slice %arg4[%add3A_49, %dma_wait3A_55] : memref<327680x64xf32, #tpu.memory_space<hbm>> -> memref<80x64xf32, #tpu.memory_space<hbm>>
        %dma_wait3A_57 = arith.constant 0 : i32
        %dma_wait3A_58 = tpu.memref_slice %arg4[%add3A_49, %dma_wait3A_57] : memref<327680x64xf32, #tpu.memory_space<hbm>> -> memref<80x64xf32, #tpu.memory_space<hbm>>
        tpu.wait_dma2 semaphore(%run_scoped3A : memref<!tpu.dma_semaphore, #tpu.memory_space<semaphore_mem>>) src(%arg7 : memref<80x64xf32, #tpu.memory_space<vmem>>) dst(%dma_wait3A_58 : memref<80x64xf32, #tpu.memory_space<hbm>>)
        tpu.yield
      }) : () -> ()
      %scan3A_50 = arith.constant 0 : i32
      scf.yield %scan3A_50 : i32
    }
    %scan3A_14 = arith.constant 64 : i32
    return
  }
}

#map = affine_map<(d0, d1) -> (0, 0)>
#map1 = affine_map<(d0, d1) -> (0)>
module attributes {stable_mosaic.version = 14 : i64} {
  func.func @sck(%arg0: i32, %arg1: i32, %arg2: memref<16384x64xf32, #tpu.memory_space<hbm>>, %arg3: memref<327680xi32, #tpu.memory_space<hbm>>, %arg4: memref<327680x64xf32, #tpu.memory_space<hbm>>, %arg5: memref<10240xi32, #tpu.memory_space<vmem>>, %arg6: memref<80x64xf32, #tpu.memory_space<vmem>>, %arg7: memref<80x64xf32, #tpu.memory_space<vmem>>, %arg8: memref<!tpu.dma_semaphore, #tpu.memory_space<semaphore_mem>>, %arg9: memref<!tpu.dma_semaphore, #tpu.memory_space<semaphore_mem>>) attributes {dimension_semantics = [#tpu.dimension_semantics<core_parallel>, #tpu.dimension_semantics<subcore_parallel>], iteration_bounds = array<i64: 2, 16>, scalar_prefetch = 0 : i64, scratch_operands = 5 : i64, tpu.core_type = #tpu.core_type<sc_vector_subcore>, window_params = [{transform_indices = #map}, {transform_indices = #map1}, {transform_indices = #map}]} {
    %mul3A = arith.constant 2 : i32
    %mul3A_0 = arith.muli %arg1, %mul3A : i32
    %add3A = arith.addi %mul3A_0, %arg0 : i32
    %mul3A_1 = arith.constant 512 : i32
    %mul3A_2 = arith.muli %add3A, %mul3A_1 : i32
    %mul3A_3 = arith.constant 20 : i32
    %mul3A_4 = arith.muli %mul3A_2, %mul3A_3 : i32
    "tpu.region"() ({
      %run_scoped3A = tpu.sem_alloc : memref<!tpu.dma_semaphore, #tpu.memory_space<semaphore_mem>>
      %dma_start3A_15 = tpu.memref_slice %arg3[%mul3A_4] : memref<327680xi32, #tpu.memory_space<hbm>> -> memref<10240xi32, #tpu.memory_space<hbm>>
      %dma_start3A_16 = tpu.memref_slice %arg3[%mul3A_4] : memref<327680xi32, #tpu.memory_space<hbm>> -> memref<10240xi32, #tpu.memory_space<hbm>>
      tpu.enqueue_dma source(%dma_start3A_16 : memref<10240xi32, #tpu.memory_space<hbm>>) target(%arg5 : memref<10240xi32, #tpu.memory_space<vmem>>) target_semaphore(%run_scoped3A : memref<!tpu.dma_semaphore, #tpu.memory_space<semaphore_mem>>)
      %dma_wait3A = tpu.memref_slice %arg3[%mul3A_4] : memref<327680xi32, #tpu.memory_space<hbm>> -> memref<10240xi32, #tpu.memory_space<hbm>>
      %dma_wait3A_17 = tpu.memref_slice %arg3[%mul3A_4] : memref<327680xi32, #tpu.memory_space<hbm>> -> memref<10240xi32, #tpu.memory_space<hbm>>
      tpu.wait_dma2 semaphore(%run_scoped3A : memref<!tpu.dma_semaphore, #tpu.memory_space<semaphore_mem>>) src(%dma_wait3A_17 : memref<10240xi32, #tpu.memory_space<hbm>>) dst(%arg5 : memref<10240xi32, #tpu.memory_space<vmem>>)
      tpu.yield
    }) : () -> ()
    %dma_start3A = arith.constant 0 : i32
    %dma_start3A_5 = tpu.memref_slice %arg5[%dma_start3A] : memref<10240xi32, #tpu.memory_space<vmem>> -> memref<80xi32, #tpu.memory_space<vmem>>
    %dma_start3A_6 = arith.constant 0 : i32
    %dma_start3A_7 = arith.constant 0 : i32
    %dma_start3A_8 = tpu.memref_slice %arg2[%dma_start3A_6, %dma_start3A_7] : memref<16384x64xf32, #tpu.memory_space<hbm>> -> memref<16384x64xf32, #tpu.memory_space<hbm>>
    tpu.enqueue_indirect_dma source(%dma_start3A_8 : memref<16384x64xf32, #tpu.memory_space<hbm>>) target(%arg6 : memref<80x64xf32, #tpu.memory_space<vmem>>) offsets(%dma_start3A_5 : memref<80xi32, #tpu.memory_space<vmem>>) semaphore(%arg8 : memref<!tpu.dma_semaphore, #tpu.memory_space<semaphore_mem>>)
    %scan3A = arith.constant 0 : i32
    %scan3A_9 = arith.constant 0 : i32
    %scan3A_10 = arith.constant 64 : i32
    %scan3A_11 = arith.addi %scan3A_9, %scan3A_10 : i32
    %scan3A_12 = arith.constant 1 : i32
    %scan3A_13 = scf.for %scan3A_15 = %scan3A_9 to %scan3A_11 step %scan3A_12 iter_args(%scan3A_16 = %scan3A) -> (i32)  : i32 {
      %mul3A_17 = arith.constant 2 : i32
      %mul3A_18 = arith.muli %mul3A_17, %scan3A_15 : i32
      %add3A_19 = arith.constant 1 : i32
      %add3A_20 = arith.addi %mul3A_18, %add3A_19 : i32
      %mul3A_21 = arith.constant 80 : i32
      %mul3A_22 = arith.muli %add3A_20, %mul3A_21 : i32
      %dma_start3A_23 = tpu.memref_slice %arg5[%mul3A_22] : memref<10240xi32, #tpu.memory_space<vmem>> -> memref<80xi32, #tpu.memory_space<vmem>>
      %dma_start3A_24 = arith.constant 0 : i32
      %dma_start3A_25 = arith.constant 0 : i32
      %dma_start3A_26 = tpu.memref_slice %arg2[%dma_start3A_24, %dma_start3A_25] : memref<16384x64xf32, #tpu.memory_space<hbm>> -> memref<16384x64xf32, #tpu.memory_space<hbm>>
      tpu.enqueue_indirect_dma source(%dma_start3A_26 : memref<16384x64xf32, #tpu.memory_space<hbm>>) target(%arg7 : memref<80x64xf32, #tpu.memory_space<vmem>>) offsets(%dma_start3A_23 : memref<80xi32, #tpu.memory_space<vmem>>) semaphore(%arg9 : memref<!tpu.dma_semaphore, #tpu.memory_space<semaphore_mem>>)
      %dma_wait3A = arith.constant 0 : i32
      %dma_wait3A_27 = tpu.memref_slice %arg5[%dma_wait3A] : memref<10240xi32, #tpu.memory_space<vmem>> -> memref<80xi32, #tpu.memory_space<vmem>>
      %dma_wait3A_28 = arith.constant 0 : i32
      %dma_wait3A_29 = arith.constant 0 : i32
      %dma_wait3A_30 = tpu.memref_slice %arg2[%dma_wait3A_28, %dma_wait3A_29] : memref<16384x64xf32, #tpu.memory_space<hbm>> -> memref<16384x64xf32, #tpu.memory_space<hbm>>
      tpu.wait_indirect_dma semaphore(%arg8 : memref<!tpu.dma_semaphore, #tpu.memory_space<semaphore_mem>>) src(%dma_wait3A_30 : memref<16384x64xf32, #tpu.memory_space<hbm>>) dst(%arg6 : memref<80x64xf32, #tpu.memory_space<vmem>>)
      %mul3A_31 = arith.constant 20 : i32
      %mul3A_32 = arith.muli %mul3A_2, %mul3A_31 : i32
      %mul3A_33 = arith.constant 80 : i32
      %mul3A_34 = arith.muli %mul3A_18, %mul3A_33 : i32
      %add3A_35 = arith.addi %mul3A_32, %mul3A_34 : i32
      "tpu.region"() ({
        %run_scoped3A = tpu.sem_alloc : memref<!tpu.dma_semaphore, #tpu.memory_space<semaphore_mem>>
        %dma_start3A_51 = arith.constant 0 : i32
        %dma_start3A_52 = tpu.memref_slice %arg4[%add3A_35, %dma_start3A_51] : memref<327680x64xf32, #tpu.memory_space<hbm>> -> memref<80x64xf32, #tpu.memory_space<hbm>>
        %dma_start3A_53 = arith.constant 0 : i32
        %dma_start3A_54 = tpu.memref_slice %arg4[%add3A_35, %dma_start3A_53] : memref<327680x64xf32, #tpu.memory_space<hbm>> -> memref<80x64xf32, #tpu.memory_space<hbm>>
        tpu.enqueue_dma source(%arg6 : memref<80x64xf32, #tpu.memory_space<vmem>>) target(%dma_start3A_54 : memref<80x64xf32, #tpu.memory_space<hbm>>) target_semaphore(%run_scoped3A : memref<!tpu.dma_semaphore, #tpu.memory_space<semaphore_mem>>)
        %dma_wait3A_55 = arith.constant 0 : i32
        %dma_wait3A_56 = tpu.memref_slice %arg4[%add3A_35, %dma_wait3A_55] : memref<327680x64xf32, #tpu.memory_space<hbm>> -> memref<80x64xf32, #tpu.memory_space<hbm>>
        %dma_wait3A_57 = arith.constant 0 : i32
        %dma_wait3A_58 = tpu.memref_slice %arg4[%add3A_35, %dma_wait3A_57] : memref<327680x64xf32, #tpu.memory_space<hbm>> -> memref<80x64xf32, #tpu.memory_space<hbm>>
        tpu.wait_dma2 semaphore(%run_scoped3A : memref<!tpu.dma_semaphore, #tpu.memory_space<semaphore_mem>>) src(%arg6 : memref<80x64xf32, #tpu.memory_space<vmem>>) dst(%dma_wait3A_58 : memref<80x64xf32, #tpu.memory_space<hbm>>)
        tpu.yield
      }) : () -> ()
      %add3A_36 = arith.constant 1 : i32
      %add3A_37 = arith.addi %scan3A_15, %add3A_36 : i32
      %lt3A = arith.constant 64 : i32
      %lt3A_38 = arith.cmpi slt, %add3A_37, %lt3A : i32
      %convert_element_type3A = arith.extui %lt3A_38 : i1 to i32
      %cond3A = arith.constant 0 : i32
      %cond3A_39 = arith.cmpi ne, %convert_element_type3A, %cond3A : i32
      scf.if %cond3A_39 {
        %add3A_51 = arith.constant 2 : i32
        %add3A_52 = arith.addi %mul3A_18, %add3A_51 : i32
        %mul3A_53 = arith.constant 80 : i32
        %mul3A_54 = arith.muli %add3A_52, %mul3A_53 : i32
        %dma_start3A_55 = tpu.memref_slice %arg5[%mul3A_54] : memref<10240xi32, #tpu.memory_space<vmem>> -> memref<80xi32, #tpu.memory_space<vmem>>
        %dma_start3A_56 = arith.constant 0 : i32
        %dma_start3A_57 = arith.constant 0 : i32
        %dma_start3A_58 = tpu.memref_slice %arg2[%dma_start3A_56, %dma_start3A_57] : memref<16384x64xf32, #tpu.memory_space<hbm>> -> memref<16384x64xf32, #tpu.memory_space<hbm>>
        tpu.enqueue_indirect_dma source(%dma_start3A_58 : memref<16384x64xf32, #tpu.memory_space<hbm>>) target(%arg6 : memref<80x64xf32, #tpu.memory_space<vmem>>) offsets(%dma_start3A_55 : memref<80xi32, #tpu.memory_space<vmem>>) semaphore(%arg8 : memref<!tpu.dma_semaphore, #tpu.memory_space<semaphore_mem>>)
      } else {
      }
      %dma_wait3A_40 = arith.constant 0 : i32
      %dma_wait3A_41 = tpu.memref_slice %arg5[%dma_wait3A_40] : memref<10240xi32, #tpu.memory_space<vmem>> -> memref<80xi32, #tpu.memory_space<vmem>>
      %dma_wait3A_42 = arith.constant 0 : i32
      %dma_wait3A_43 = arith.constant 0 : i32
      %dma_wait3A_44 = tpu.memref_slice %arg2[%dma_wait3A_42, %dma_wait3A_43] : memref<16384x64xf32, #tpu.memory_space<hbm>> -> memref<16384x64xf32, #tpu.memory_space<hbm>>
      tpu.wait_indirect_dma semaphore(%arg9 : memref<!tpu.dma_semaphore, #tpu.memory_space<semaphore_mem>>) src(%dma_wait3A_44 : memref<16384x64xf32, #tpu.memory_space<hbm>>) dst(%arg7 : memref<80x64xf32, #tpu.memory_space<vmem>>)
      %mul3A_45 = arith.constant 20 : i32
      %mul3A_46 = arith.muli %mul3A_2, %mul3A_45 : i32
      %mul3A_47 = arith.constant 80 : i32
      %mul3A_48 = arith.muli %add3A_20, %mul3A_47 : i32
      %add3A_49 = arith.addi %mul3A_46, %mul3A_48 : i32
      "tpu.region"() ({
        %run_scoped3A = tpu.sem_alloc : memref<!tpu.dma_semaphore, #tpu.memory_space<semaphore_mem>>
        %dma_start3A_51 = arith.constant 0 : i32
        %dma_start3A_52 = tpu.memref_slice %arg4[%add3A_49, %dma_start3A_51] : memref<327680x64xf32, #tpu.memory_space<hbm>> -> memref<80x64xf32, #tpu.memory_space<hbm>>
        %dma_start3A_53 = arith.constant 0 : i32
        %dma_start3A_54 = tpu.memref_slice %arg4[%add3A_49, %dma_start3A_53] : memref<327680x64xf32, #tpu.memory_space<hbm>> -> memref<80x64xf32, #tpu.memory_space<hbm>>
        tpu.enqueue_dma source(%arg7 : memref<80x64xf32, #tpu.memory_space<vmem>>) target(%dma_start3A_54 : memref<80x64xf32, #tpu.memory_space<hbm>>) target_semaphore(%run_scoped3A : memref<!tpu.dma_semaphore, #tpu.memory_space<semaphore_mem>>)
        %dma_wait3A_55 = arith.constant 0 : i32
        %dma_wait3A_56 = tpu.memref_slice %arg4[%add3A_49, %dma_wait3A_55] : memref<327680x64xf32, #tpu.memory_space<hbm>> -> memref<80x64xf32, #tpu.memory_space<hbm>>
        %dma_wait3A_57 = arith.constant 0 : i32
        %dma_wait3A_58 = tpu.memref_slice %arg4[%add3A_49, %dma_wait3A_57] : memref<327680x64xf32, #tpu.memory_space<hbm>> -> memref<80x64xf32, #tpu.memory_space<hbm>>
        tpu.wait_dma2 semaphore(%run_scoped3A : memref<!tpu.dma_semaphore, #tpu.memory_space<semaphore_mem>>) src(%arg7 : memref<80x64xf32, #tpu.memory_space<vmem>>) dst(%dma_wait3A_58 : memref<80x64xf32, #tpu.memory_space<hbm>>)
        tpu.yield
      }) : () -> ()
      %scan3A_50 = arith.constant 0 : i32
      scf.yield %scan3A_50 : i32
    }
    %scan3A_14 = arith.constant 64 : i32
    return
  }
}

module attributes {stable_mosaic.version = 14 : i64} {
  func.func @_topk_kernel(%arg0: i32, %arg1: i32, %arg2: memref<1x2048x16xf32, #tpu.memory_space<vmem>>, %arg3: memref<1x256x16xf32, #tpu.memory_space<vmem>>, %arg4: memref<1x1x2048xf32, #tpu.memory_space<vmem>>, %arg5: memref<1x256x1xf32, #tpu.memory_space<vmem>>, %arg6: memref<1x256x20xi32, #tpu.memory_space<vmem>>) attributes {dimension_semantics = [#tpu.dimension_semantics<arbitrary>, #tpu.dimension_semantics<arbitrary>], iteration_bounds = array<i64: 8, 8>, scalar_prefetch = 0 : i64, scratch_operands = 0 : i64, tpu.core_type = #tpu.core_type<tc>, window_params = [{transform_indices = @transform_0, window_bounds = array<i64: 1, 2048, 16>}, {transform_indices = @transform_1, window_bounds = array<i64: 1, 256, 16>}, {transform_indices = @transform_2, window_bounds = array<i64: 1, 1, 2048>}, {transform_indices = @transform_3, window_bounds = array<i64: 1, 256, 1>}, {transform_indices = @transform_4, window_bounds = array<i64: 1, 256, 20>}]} {
    %get3A = arith.constant 0 : index
    %get3A_0 = arith.constant 0 : index
    %get3A_1 = arith.constant 0 : index
    %get3A_2 = vector.load %arg2[%get3A, %get3A_0, %get3A_1] : memref<1x2048x16xf32, #tpu.memory_space<vmem>>, vector<1x2048x16xf32>
    %get3A_3 = vector.shape_cast %get3A_2 : vector<1x2048x16xf32> to vector<2048x16xf32>
    %get3A_4 = arith.constant 0 : index
    %get3A_5 = arith.constant 0 : index
    %get3A_6 = arith.constant 0 : index
    %get3A_7 = vector.load %arg3[%get3A_4, %get3A_5, %get3A_6] : memref<1x256x16xf32, #tpu.memory_space<vmem>>, vector<1x256x16xf32>
    %get3A_8 = vector.shape_cast %get3A_7 : vector<1x256x16xf32> to vector<256x16xf32>
    %dot_general3A = arith.constant dense<0.000000e+00> : vector<256x2048xf32>
    %dot_general3A_9 = tpu.matmul %get3A_8, %get3A_3, %dot_general3A {dimension_numbers = #tpu.dot_dimension_numbers<[1], [1], [0], [0], [0, 0, 1, 0], [], []>, transpose_lhs_hint = false} : vector<256x16xf32>, vector<2048x16xf32>, vector<256x2048xf32> -> vector<256x2048xf32>
    %mul3A = arith.constant 2.000000e+00 : f32
    %mul3A_10 = vector.broadcast %mul3A : f32 to vector<256x2048xf32>
    %mul3A_11 = arith.mulf %mul3A_10, %dot_general3A_9 : vector<256x2048xf32>
    %get3A_12 = arith.constant 0 : index
    %get3A_13 = arith.constant 0 : index
    %get3A_14 = arith.constant 0 : index
    %get3A_15 = vector.load %arg5[%get3A_12, %get3A_13, %get3A_14] : memref<1x256x1xf32, #tpu.memory_space<vmem>>, vector<1x256x1xf32>
    %get3A_16 = vector.shape_cast %get3A_15 : vector<1x256x1xf32> to vector<256x1xf32>
    %sub3A = vector.broadcast %get3A_16 : vector<256x1xf32> to vector<256x2048xf32>
    %sub3A_17 = arith.subf %mul3A_11, %sub3A : vector<256x2048xf32>
    %get3A_18 = arith.constant 0 : index
    %get3A_19 = arith.constant 0 : index
    %get3A_20 = arith.constant 0 : index
    %get3A_21 = vector.load %arg4[%get3A_18, %get3A_19, %get3A_20] : memref<1x1x2048xf32, #tpu.memory_space<vmem>>, vector<1x1x2048xf32>
    %get3A_22 = vector.shape_cast %get3A_21 : vector<1x1x2048xf32> to vector<1x2048xf32>
    %sub3A_23 = vector.broadcast %get3A_22 : vector<1x2048xf32> to vector<256x2048xf32>
    %sub3A_24 = arith.subf %sub3A_17, %sub3A_23 : vector<256x2048xf32>
    %iota3A = tpu.iota {dimensions = array<i32: 1>} : vector<256x2048xi32>
    %reduce_max3A = arith.constant dense<0xFF800000> : vector<256xf32>
    %reduce_max3A_25 = vector.multi_reduction <maximumf>, %sub3A_24, %reduce_max3A [1] : vector<256x2048xf32> to vector<256xf32>
    %broadcast_in_dim3A = vector.shape_cast %reduce_max3A_25 : vector<256xf32> to vector<256x1xf32>
    %eq3A = vector.broadcast %broadcast_in_dim3A : vector<256x1xf32> to vector<256x2048xf32>
    %eq3A_26 = arith.cmpf oeq, %sub3A_24, %eq3A : vector<256x2048xf32>
    %jit3A = arith.constant 1073741824 : i32
    %broadcast_in_dim3A_27 = vector.broadcast %jit3A : i32 to vector<256x2048xi32>
    %select_n3A = arith.select %eq3A_26, %iota3A, %broadcast_in_dim3A_27 : vector<256x2048xi1>, vector<256x2048xi32>
    %reduce_min3A = arith.constant dense<2147483647> : vector<256xi32>
    %reduce_min3A_28 = vector.multi_reduction <minsi>, %select_n3A, %reduce_min3A [1] : vector<256x2048xi32> to vector<256xi32>
    %broadcast_in_dim3A_29 = vector.shape_cast %reduce_min3A_28 : vector<256xi32> to vector<256x1xi32>
    %eq3A_30 = vector.broadcast %broadcast_in_dim3A_29 : vector<256x1xi32> to vector<256x2048xi32>
    %eq3A_31 = arith.cmpi eq, %iota3A, %eq3A_30 : vector<256x2048xi32>
    %jit3A_32 = arith.constant -3.000000e+38 : f32
    %broadcast_in_dim3A_33 = vector.broadcast %jit3A_32 : f32 to vector<256x2048xf32>
    %select_n3A_34 = arith.select %eq3A_31, %broadcast_in_dim3A_33, %sub3A_24 : vector<256x2048xi1>, vector<256x2048xf32>
    %reduce_max3A_35 = arith.constant dense<0xFF800000> : vector<256xf32>
    %reduce_max3A_36 = vector.multi_reduction <maximumf>, %select_n3A_34, %reduce_max3A_35 [1] : vector<256x2048xf32> to vector<256xf32>
    %broadcast_in_dim3A_37 = vector.shape_cast %reduce_max3A_36 : vector<256xf32> to vector<256x1xf32>
    %eq3A_38 = vector.broadcast %broadcast_in_dim3A_37 : vector<256x1xf32> to vector<256x2048xf32>
    %eq3A_39 = arith.cmpf oeq, %select_n3A_34, %eq3A_38 : vector<256x2048xf32>
    %jit3A_40 = arith.constant 1073741824 : i32
    %broadcast_in_dim3A_41 = vector.broadcast %jit3A_40 : i32 to vector<256x2048xi32>
    %select_n3A_42 = arith.select %eq3A_39, %iota3A, %broadcast_in_dim3A_41 : vector<256x2048xi1>, vector<256x2048xi32>
    %reduce_min3A_43 = arith.constant dense<2147483647> : vector<256xi32>
    %reduce_min3A_44 = vector.multi_reduction <minsi>, %select_n3A_42, %reduce_min3A_43 [1] : vector<256x2048xi32> to vector<256xi32>
    %broadcast_in_dim3A_45 = vector.shape_cast %reduce_min3A_44 : vector<256xi32> to vector<256x1xi32>
    %eq3A_46 = vector.broadcast %broadcast_in_dim3A_45 : vector<256x1xi32> to vector<256x2048xi32>
    %eq3A_47 = arith.cmpi eq, %iota3A, %eq3A_46 : vector<256x2048xi32>
    %jit3A_48 = arith.constant -3.000000e+38 : f32
    %broadcast_in_dim3A_49 = vector.broadcast %jit3A_48 : f32 to vector<256x2048xf32>
    %select_n3A_50 = arith.select %eq3A_47, %broadcast_in_dim3A_49, %select_n3A_34 : vector<256x2048xi1>, vector<256x2048xf32>
    %reduce_max3A_51 = arith.constant dense<0xFF800000> : vector<256xf32>
    %reduce_max3A_52 = vector.multi_reduction <maximumf>, %select_n3A_50, %reduce_max3A_51 [1] : vector<256x2048xf32> to vector<256xf32>
    %broadcast_in_dim3A_53 = vector.shape_cast %reduce_max3A_52 : vector<256xf32> to vector<256x1xf32>
    %eq3A_54 = vector.broadcast %broadcast_in_dim3A_53 : vector<256x1xf32> to vector<256x2048xf32>
    %eq3A_55 = arith.cmpf oeq, %select_n3A_50, %eq3A_54 : vector<256x2048xf32>
    %jit3A_56 = arith.constant 1073741824 : i32
    %broadcast_in_dim3A_57 = vector.broadcast %jit3A_56 : i32 to vector<256x2048xi32>
    %select_n3A_58 = arith.select %eq3A_55, %iota3A, %broadcast_in_dim3A_57 : vector<256x2048xi1>, vector<256x2048xi32>
    %reduce_min3A_59 = arith.constant dense<2147483647> : vector<256xi32>
    %reduce_min3A_60 = vector.multi_reduction <minsi>, %select_n3A_58, %reduce_min3A_59 [1] : vector<256x2048xi32> to vector<256xi32>
    %broadcast_in_dim3A_61 = vector.shape_cast %reduce_min3A_60 : vector<256xi32> to vector<256x1xi32>
    %eq3A_62 = vector.broadcast %broadcast_in_dim3A_61 : vector<256x1xi32> to vector<256x2048xi32>
    %eq3A_63 = arith.cmpi eq, %iota3A, %eq3A_62 : vector<256x2048xi32>
    %jit3A_64 = arith.constant -3.000000e+38 : f32
    %broadcast_in_dim3A_65 = vector.broadcast %jit3A_64 : f32 to vector<256x2048xf32>
    %select_n3A_66 = arith.select %eq3A_63, %broadcast_in_dim3A_65, %select_n3A_50 : vector<256x2048xi1>, vector<256x2048xf32>
    %reduce_max3A_67 = arith.constant dense<0xFF800000> : vector<256xf32>
    %reduce_max3A_68 = vector.multi_reduction <maximumf>, %select_n3A_66, %reduce_max3A_67 [1] : vector<256x2048xf32> to vector<256xf32>
    %broadcast_in_dim3A_69 = vector.shape_cast %reduce_max3A_68 : vector<256xf32> to vector<256x1xf32>
    %eq3A_70 = vector.broadcast %broadcast_in_dim3A_69 : vector<256x1xf32> to vector<256x2048xf32>
    %eq3A_71 = arith.cmpf oeq, %select_n3A_66, %eq3A_70 : vector<256x2048xf32>
    %jit3A_72 = arith.constant 1073741824 : i32
    %broadcast_in_dim3A_73 = vector.broadcast %jit3A_72 : i32 to vector<256x2048xi32>
    %select_n3A_74 = arith.select %eq3A_71, %iota3A, %broadcast_in_dim3A_73 : vector<256x2048xi1>, vector<256x2048xi32>
    %reduce_min3A_75 = arith.constant dense<2147483647> : vector<256xi32>
    %reduce_min3A_76 = vector.multi_reduction <minsi>, %select_n3A_74, %reduce_min3A_75 [1] : vector<256x2048xi32> to vector<256xi32>
    %broadcast_in_dim3A_77 = vector.shape_cast %reduce_min3A_76 : vector<256xi32> to vector<256x1xi32>
    %eq3A_78 = vector.broadcast %broadcast_in_dim3A_77 : vector<256x1xi32> to vector<256x2048xi32>
    %eq3A_79 = arith.cmpi eq, %iota3A, %eq3A_78 : vector<256x2048xi32>
    %jit3A_80 = arith.constant -3.000000e+38 : f32
    %broadcast_in_dim3A_81 = vector.broadcast %jit3A_80 : f32 to vector<256x2048xf32>
    %select_n3A_82 = arith.select %eq3A_79, %broadcast_in_dim3A_81, %select_n3A_66 : vector<256x2048xi1>, vector<256x2048xf32>
    %reduce_max3A_83 = arith.constant dense<0xFF800000> : vector<256xf32>
    %reduce_max3A_84 = vector.multi_reduction <maximumf>, %select_n3A_82, %reduce_max3A_83 [1] : vector<256x2048xf32> to vector<256xf32>
    %broadcast_in_dim3A_85 = vector.shape_cast %reduce_max3A_84 : vector<256xf32> to vector<256x1xf32>
    %eq3A_86 = vector.broadcast %broadcast_in_dim3A_85 : vector<256x1xf32> to vector<256x2048xf32>
    %eq3A_87 = arith.cmpf oeq, %select_n3A_82, %eq3A_86 : vector<256x2048xf32>
    %jit3A_88 = arith.constant 1073741824 : i32
    %broadcast_in_dim3A_89 = vector.broadcast %jit3A_88 : i32 to vector<256x2048xi32>
    %select_n3A_90 = arith.select %eq3A_87, %iota3A, %broadcast_in_dim3A_89 : vector<256x2048xi1>, vector<256x2048xi32>
    %reduce_min3A_91 = arith.constant dense<2147483647> : vector<256xi32>
    %reduce_min3A_92 = vector.multi_reduction <minsi>, %select_n3A_90, %reduce_min3A_91 [1] : vector<256x2048xi32> to vector<256xi32>
    %broadcast_in_dim3A_93 = vector.shape_cast %reduce_min3A_92 : vector<256xi32> to vector<256x1xi32>
    %eq3A_94 = vector.broadcast %broadcast_in_dim3A_93 : vector<256x1xi32> to vector<256x2048xi32>
    %eq3A_95 = arith.cmpi eq, %iota3A, %eq3A_94 : vector<256x2048xi32>
    %jit3A_96 = arith.constant -3.000000e+38 : f32
    %broadcast_in_dim3A_97 = vector.broadcast %jit3A_96 : f32 to vector<256x2048xf32>
    %select_n3A_98 = arith.select %eq3A_95, %broadcast_in_dim3A_97, %select_n3A_82 : vector<256x2048xi1>, vector<256x2048xf32>
    %reduce_max3A_99 = arith.constant dense<0xFF800000> : vector<256xf32>
    %reduce_max3A_100 = vector.multi_reduction <maximumf>, %select_n3A_98, %reduce_max3A_99 [1] : vector<256x2048xf32> to vector<256xf32>
    %broadcast_in_dim3A_101 = vector.shape_cast %reduce_max3A_100 : vector<256xf32> to vector<256x1xf32>
    %eq3A_102 = vector.broadcast %broadcast_in_dim3A_101 : vector<256x1xf32> to vector<256x2048xf32>
    %eq3A_103 = arith.cmpf oeq, %select_n3A_98, %eq3A_102 : vector<256x2048xf32>
    %jit3A_104 = arith.constant 1073741824 : i32
    %broadcast_in_dim3A_105 = vector.broadcast %jit3A_104 : i32 to vector<256x2048xi32>
    %select_n3A_106 = arith.select %eq3A_103, %iota3A, %broadcast_in_dim3A_105 : vector<256x2048xi1>, vector<256x2048xi32>
    %reduce_min3A_107 = arith.constant dense<2147483647> : vector<256xi32>
    %reduce_min3A_108 = vector.multi_reduction <minsi>, %select_n3A_106, %reduce_min3A_107 [1] : vector<256x2048xi32> to vector<256xi32>
    %broadcast_in_dim3A_109 = vector.shape_cast %reduce_min3A_108 : vector<256xi32> to vector<256x1xi32>
    %eq3A_110 = vector.broadcast %broadcast_in_dim3A_109 : vector<256x1xi32> to vector<256x2048xi32>
    %eq3A_111 = arith.cmpi eq, %iota3A, %eq3A_110 : vector<256x2048xi32>
    %jit3A_112 = arith.constant -3.000000e+38 : f32
    %broadcast_in_dim3A_113 = vector.broadcast %jit3A_112 : f32 to vector<256x2048xf32>
    %select_n3A_114 = arith.select %eq3A_111, %broadcast_in_dim3A_113, %select_n3A_98 : vector<256x2048xi1>, vector<256x2048xf32>
    %reduce_max3A_115 = arith.constant dense<0xFF800000> : vector<256xf32>
    %reduce_max3A_116 = vector.multi_reduction <maximumf>, %select_n3A_114, %reduce_max3A_115 [1] : vector<256x2048xf32> to vector<256xf32>
    %broadcast_in_dim3A_117 = vector.shape_cast %reduce_max3A_116 : vector<256xf32> to vector<256x1xf32>
    %eq3A_118 = vector.broadcast %broadcast_in_dim3A_117 : vector<256x1xf32> to vector<256x2048xf32>
    %eq3A_119 = arith.cmpf oeq, %select_n3A_114, %eq3A_118 : vector<256x2048xf32>
    %jit3A_120 = arith.constant 1073741824 : i32
    %broadcast_in_dim3A_121 = vector.broadcast %jit3A_120 : i32 to vector<256x2048xi32>
    %select_n3A_122 = arith.select %eq3A_119, %iota3A, %broadcast_in_dim3A_121 : vector<256x2048xi1>, vector<256x2048xi32>
    %reduce_min3A_123 = arith.constant dense<2147483647> : vector<256xi32>
    %reduce_min3A_124 = vector.multi_reduction <minsi>, %select_n3A_122, %reduce_min3A_123 [1] : vector<256x2048xi32> to vector<256xi32>
    %broadcast_in_dim3A_125 = vector.shape_cast %reduce_min3A_124 : vector<256xi32> to vector<256x1xi32>
    %eq3A_126 = vector.broadcast %broadcast_in_dim3A_125 : vector<256x1xi32> to vector<256x2048xi32>
    %eq3A_127 = arith.cmpi eq, %iota3A, %eq3A_126 : vector<256x2048xi32>
    %jit3A_128 = arith.constant -3.000000e+38 : f32
    %broadcast_in_dim3A_129 = vector.broadcast %jit3A_128 : f32 to vector<256x2048xf32>
    %select_n3A_130 = arith.select %eq3A_127, %broadcast_in_dim3A_129, %select_n3A_114 : vector<256x2048xi1>, vector<256x2048xf32>
    %reduce_max3A_131 = arith.constant dense<0xFF800000> : vector<256xf32>
    %reduce_max3A_132 = vector.multi_reduction <maximumf>, %select_n3A_130, %reduce_max3A_131 [1] : vector<256x2048xf32> to vector<256xf32>
    %broadcast_in_dim3A_133 = vector.shape_cast %reduce_max3A_132 : vector<256xf32> to vector<256x1xf32>
    %eq3A_134 = vector.broadcast %broadcast_in_dim3A_133 : vector<256x1xf32> to vector<256x2048xf32>
    %eq3A_135 = arith.cmpf oeq, %select_n3A_130, %eq3A_134 : vector<256x2048xf32>
    %jit3A_136 = arith.constant 1073741824 : i32
    %broadcast_in_dim3A_137 = vector.broadcast %jit3A_136 : i32 to vector<256x2048xi32>
    %select_n3A_138 = arith.select %eq3A_135, %iota3A, %broadcast_in_dim3A_137 : vector<256x2048xi1>, vector<256x2048xi32>
    %reduce_min3A_139 = arith.constant dense<2147483647> : vector<256xi32>
    %reduce_min3A_140 = vector.multi_reduction <minsi>, %select_n3A_138, %reduce_min3A_139 [1] : vector<256x2048xi32> to vector<256xi32>
    %broadcast_in_dim3A_141 = vector.shape_cast %reduce_min3A_140 : vector<256xi32> to vector<256x1xi32>
    %eq3A_142 = vector.broadcast %broadcast_in_dim3A_141 : vector<256x1xi32> to vector<256x2048xi32>
    %eq3A_143 = arith.cmpi eq, %iota3A, %eq3A_142 : vector<256x2048xi32>
    %jit3A_144 = arith.constant -3.000000e+38 : f32
    %broadcast_in_dim3A_145 = vector.broadcast %jit3A_144 : f32 to vector<256x2048xf32>
    %select_n3A_146 = arith.select %eq3A_143, %broadcast_in_dim3A_145, %select_n3A_130 : vector<256x2048xi1>, vector<256x2048xf32>
    %reduce_max3A_147 = arith.constant dense<0xFF800000> : vector<256xf32>
    %reduce_max3A_148 = vector.multi_reduction <maximumf>, %select_n3A_146, %reduce_max3A_147 [1] : vector<256x2048xf32> to vector<256xf32>
    %broadcast_in_dim3A_149 = vector.shape_cast %reduce_max3A_148 : vector<256xf32> to vector<256x1xf32>
    %eq3A_150 = vector.broadcast %broadcast_in_dim3A_149 : vector<256x1xf32> to vector<256x2048xf32>
    %eq3A_151 = arith.cmpf oeq, %select_n3A_146, %eq3A_150 : vector<256x2048xf32>
    %jit3A_152 = arith.constant 1073741824 : i32
    %broadcast_in_dim3A_153 = vector.broadcast %jit3A_152 : i32 to vector<256x2048xi32>
    %select_n3A_154 = arith.select %eq3A_151, %iota3A, %broadcast_in_dim3A_153 : vector<256x2048xi1>, vector<256x2048xi32>
    %reduce_min3A_155 = arith.constant dense<2147483647> : vector<256xi32>
    %reduce_min3A_156 = vector.multi_reduction <minsi>, %select_n3A_154, %reduce_min3A_155 [1] : vector<256x2048xi32> to vector<256xi32>
    %broadcast_in_dim3A_157 = vector.shape_cast %reduce_min3A_156 : vector<256xi32> to vector<256x1xi32>
    %eq3A_158 = vector.broadcast %broadcast_in_dim3A_157 : vector<256x1xi32> to vector<256x2048xi32>
    %eq3A_159 = arith.cmpi eq, %iota3A, %eq3A_158 : vector<256x2048xi32>
    %jit3A_160 = arith.constant -3.000000e+38 : f32
    %broadcast_in_dim3A_161 = vector.broadcast %jit3A_160 : f32 to vector<256x2048xf32>
    %select_n3A_162 = arith.select %eq3A_159, %broadcast_in_dim3A_161, %select_n3A_146 : vector<256x2048xi1>, vector<256x2048xf32>
    %reduce_max3A_163 = arith.constant dense<0xFF800000> : vector<256xf32>
    %reduce_max3A_164 = vector.multi_reduction <maximumf>, %select_n3A_162, %reduce_max3A_163 [1] : vector<256x2048xf32> to vector<256xf32>
    %broadcast_in_dim3A_165 = vector.shape_cast %reduce_max3A_164 : vector<256xf32> to vector<256x1xf32>
    %eq3A_166 = vector.broadcast %broadcast_in_dim3A_165 : vector<256x1xf32> to vector<256x2048xf32>
    %eq3A_167 = arith.cmpf oeq, %select_n3A_162, %eq3A_166 : vector<256x2048xf32>
    %jit3A_168 = arith.constant 1073741824 : i32
    %broadcast_in_dim3A_169 = vector.broadcast %jit3A_168 : i32 to vector<256x2048xi32>
    %select_n3A_170 = arith.select %eq3A_167, %iota3A, %broadcast_in_dim3A_169 : vector<256x2048xi1>, vector<256x2048xi32>
    %reduce_min3A_171 = arith.constant dense<2147483647> : vector<256xi32>
    %reduce_min3A_172 = vector.multi_reduction <minsi>, %select_n3A_170, %reduce_min3A_171 [1] : vector<256x2048xi32> to vector<256xi32>
    %broadcast_in_dim3A_173 = vector.shape_cast %reduce_min3A_172 : vector<256xi32> to vector<256x1xi32>
    %eq3A_174 = vector.broadcast %broadcast_in_dim3A_173 : vector<256x1xi32> to vector<256x2048xi32>
    %eq3A_175 = arith.cmpi eq, %iota3A, %eq3A_174 : vector<256x2048xi32>
    %jit3A_176 = arith.constant -3.000000e+38 : f32
    %broadcast_in_dim3A_177 = vector.broadcast %jit3A_176 : f32 to vector<256x2048xf32>
    %select_n3A_178 = arith.select %eq3A_175, %broadcast_in_dim3A_177, %select_n3A_162 : vector<256x2048xi1>, vector<256x2048xf32>
    %reduce_max3A_179 = arith.constant dense<0xFF800000> : vector<256xf32>
    %reduce_max3A_180 = vector.multi_reduction <maximumf>, %select_n3A_178, %reduce_max3A_179 [1] : vector<256x2048xf32> to vector<256xf32>
    %broadcast_in_dim3A_181 = vector.shape_cast %reduce_max3A_180 : vector<256xf32> to vector<256x1xf32>
    %eq3A_182 = vector.broadcast %broadcast_in_dim3A_181 : vector<256x1xf32> to vector<256x2048xf32>
    %eq3A_183 = arith.cmpf oeq, %select_n3A_178, %eq3A_182 : vector<256x2048xf32>
    %jit3A_184 = arith.constant 1073741824 : i32
    %broadcast_in_dim3A_185 = vector.broadcast %jit3A_184 : i32 to vector<256x2048xi32>
    %select_n3A_186 = arith.select %eq3A_183, %iota3A, %broadcast_in_dim3A_185 : vector<256x2048xi1>, vector<256x2048xi32>
    %reduce_min3A_187 = arith.constant dense<2147483647> : vector<256xi32>
    %reduce_min3A_188 = vector.multi_reduction <minsi>, %select_n3A_186, %reduce_min3A_187 [1] : vector<256x2048xi32> to vector<256xi32>
    %broadcast_in_dim3A_189 = vector.shape_cast %reduce_min3A_188 : vector<256xi32> to vector<256x1xi32>
    %eq3A_190 = vector.broadcast %broadcast_in_dim3A_189 : vector<256x1xi32> to vector<256x2048xi32>
    %eq3A_191 = arith.cmpi eq, %iota3A, %eq3A_190 : vector<256x2048xi32>
    %jit3A_192 = arith.constant -3.000000e+38 : f32
    %broadcast_in_dim3A_193 = vector.broadcast %jit3A_192 : f32 to vector<256x2048xf32>
    %select_n3A_194 = arith.select %eq3A_191, %broadcast_in_dim3A_193, %select_n3A_178 : vector<256x2048xi1>, vector<256x2048xf32>
    %reduce_max3A_195 = arith.constant dense<0xFF800000> : vector<256xf32>
    %reduce_max3A_196 = vector.multi_reduction <maximumf>, %select_n3A_194, %reduce_max3A_195 [1] : vector<256x2048xf32> to vector<256xf32>
    %broadcast_in_dim3A_197 = vector.shape_cast %reduce_max3A_196 : vector<256xf32> to vector<256x1xf32>
    %eq3A_198 = vector.broadcast %broadcast_in_dim3A_197 : vector<256x1xf32> to vector<256x2048xf32>
    %eq3A_199 = arith.cmpf oeq, %select_n3A_194, %eq3A_198 : vector<256x2048xf32>
    %jit3A_200 = arith.constant 1073741824 : i32
    %broadcast_in_dim3A_201 = vector.broadcast %jit3A_200 : i32 to vector<256x2048xi32>
    %select_n3A_202 = arith.select %eq3A_199, %iota3A, %broadcast_in_dim3A_201 : vector<256x2048xi1>, vector<256x2048xi32>
    %reduce_min3A_203 = arith.constant dense<2147483647> : vector<256xi32>
    %reduce_min3A_204 = vector.multi_reduction <minsi>, %select_n3A_202, %reduce_min3A_203 [1] : vector<256x2048xi32> to vector<256xi32>
    %broadcast_in_dim3A_205 = vector.shape_cast %reduce_min3A_204 : vector<256xi32> to vector<256x1xi32>
    %eq3A_206 = vector.broadcast %broadcast_in_dim3A_205 : vector<256x1xi32> to vector<256x2048xi32>
    %eq3A_207 = arith.cmpi eq, %iota3A, %eq3A_206 : vector<256x2048xi32>
    %jit3A_208 = arith.constant -3.000000e+38 : f32
    %broadcast_in_dim3A_209 = vector.broadcast %jit3A_208 : f32 to vector<256x2048xf32>
    %select_n3A_210 = arith.select %eq3A_207, %broadcast_in_dim3A_209, %select_n3A_194 : vector<256x2048xi1>, vector<256x2048xf32>
    %reduce_max3A_211 = arith.constant dense<0xFF800000> : vector<256xf32>
    %reduce_max3A_212 = vector.multi_reduction <maximumf>, %select_n3A_210, %reduce_max3A_211 [1] : vector<256x2048xf32> to vector<256xf32>
    %broadcast_in_dim3A_213 = vector.shape_cast %reduce_max3A_212 : vector<256xf32> to vector<256x1xf32>
    %eq3A_214 = vector.broadcast %broadcast_in_dim3A_213 : vector<256x1xf32> to vector<256x2048xf32>
    %eq3A_215 = arith.cmpf oeq, %select_n3A_210, %eq3A_214 : vector<256x2048xf32>
    %jit3A_216 = arith.constant 1073741824 : i32
    %broadcast_in_dim3A_217 = vector.broadcast %jit3A_216 : i32 to vector<256x2048xi32>
    %select_n3A_218 = arith.select %eq3A_215, %iota3A, %broadcast_in_dim3A_217 : vector<256x2048xi1>, vector<256x2048xi32>
    %reduce_min3A_219 = arith.constant dense<2147483647> : vector<256xi32>
    %reduce_min3A_220 = vector.multi_reduction <minsi>, %select_n3A_218, %reduce_min3A_219 [1] : vector<256x2048xi32> to vector<256xi32>
    %broadcast_in_dim3A_221 = vector.shape_cast %reduce_min3A_220 : vector<256xi32> to vector<256x1xi32>
    %eq3A_222 = vector.broadcast %broadcast_in_dim3A_221 : vector<256x1xi32> to vector<256x2048xi32>
    %eq3A_223 = arith.cmpi eq, %iota3A, %eq3A_222 : vector<256x2048xi32>
    %jit3A_224 = arith.constant -3.000000e+38 : f32
    %broadcast_in_dim3A_225 = vector.broadcast %jit3A_224 : f32 to vector<256x2048xf32>
    %select_n3A_226 = arith.select %eq3A_223, %broadcast_in_dim3A_225, %select_n3A_210 : vector<256x2048xi1>, vector<256x2048xf32>
    %reduce_max3A_227 = arith.constant dense<0xFF800000> : vector<256xf32>
    %reduce_max3A_228 = vector.multi_reduction <maximumf>, %select_n3A_226, %reduce_max3A_227 [1] : vector<256x2048xf32> to vector<256xf32>
    %broadcast_in_dim3A_229 = vector.shape_cast %reduce_max3A_228 : vector<256xf32> to vector<256x1xf32>
    %eq3A_230 = vector.broadcast %broadcast_in_dim3A_229 : vector<256x1xf32> to vector<256x2048xf32>
    %eq3A_231 = arith.cmpf oeq, %select_n3A_226, %eq3A_230 : vector<256x2048xf32>
    %jit3A_232 = arith.constant 1073741824 : i32
    %broadcast_in_dim3A_233 = vector.broadcast %jit3A_232 : i32 to vector<256x2048xi32>
    %select_n3A_234 = arith.select %eq3A_231, %iota3A, %broadcast_in_dim3A_233 : vector<256x2048xi1>, vector<256x2048xi32>
    %reduce_min3A_235 = arith.constant dense<2147483647> : vector<256xi32>
    %reduce_min3A_236 = vector.multi_reduction <minsi>, %select_n3A_234, %reduce_min3A_235 [1] : vector<256x2048xi32> to vector<256xi32>
    %broadcast_in_dim3A_237 = vector.shape_cast %reduce_min3A_236 : vector<256xi32> to vector<256x1xi32>
    %eq3A_238 = vector.broadcast %broadcast_in_dim3A_237 : vector<256x1xi32> to vector<256x2048xi32>
    %eq3A_239 = arith.cmpi eq, %iota3A, %eq3A_238 : vector<256x2048xi32>
    %jit3A_240 = arith.constant -3.000000e+38 : f32
    %broadcast_in_dim3A_241 = vector.broadcast %jit3A_240 : f32 to vector<256x2048xf32>
    %select_n3A_242 = arith.select %eq3A_239, %broadcast_in_dim3A_241, %select_n3A_226 : vector<256x2048xi1>, vector<256x2048xf32>
    %reduce_max3A_243 = arith.constant dense<0xFF800000> : vector<256xf32>
    %reduce_max3A_244 = vector.multi_reduction <maximumf>, %select_n3A_242, %reduce_max3A_243 [1] : vector<256x2048xf32> to vector<256xf32>
    %broadcast_in_dim3A_245 = vector.shape_cast %reduce_max3A_244 : vector<256xf32> to vector<256x1xf32>
    %eq3A_246 = vector.broadcast %broadcast_in_dim3A_245 : vector<256x1xf32> to vector<256x2048xf32>
    %eq3A_247 = arith.cmpf oeq, %select_n3A_242, %eq3A_246 : vector<256x2048xf32>
    %jit3A_248 = arith.constant 1073741824 : i32
    %broadcast_in_dim3A_249 = vector.broadcast %jit3A_248 : i32 to vector<256x2048xi32>
    %select_n3A_250 = arith.select %eq3A_247, %iota3A, %broadcast_in_dim3A_249 : vector<256x2048xi1>, vector<256x2048xi32>
    %reduce_min3A_251 = arith.constant dense<2147483647> : vector<256xi32>
    %reduce_min3A_252 = vector.multi_reduction <minsi>, %select_n3A_250, %reduce_min3A_251 [1] : vector<256x2048xi32> to vector<256xi32>
    %broadcast_in_dim3A_253 = vector.shape_cast %reduce_min3A_252 : vector<256xi32> to vector<256x1xi32>
    %eq3A_254 = vector.broadcast %broadcast_in_dim3A_253 : vector<256x1xi32> to vector<256x2048xi32>
    %eq3A_255 = arith.cmpi eq, %iota3A, %eq3A_254 : vector<256x2048xi32>
    %jit3A_256 = arith.constant -3.000000e+38 : f32
    %broadcast_in_dim3A_257 = vector.broadcast %jit3A_256 : f32 to vector<256x2048xf32>
    %select_n3A_258 = arith.select %eq3A_255, %broadcast_in_dim3A_257, %select_n3A_242 : vector<256x2048xi1>, vector<256x2048xf32>
    %reduce_max3A_259 = arith.constant dense<0xFF800000> : vector<256xf32>
    %reduce_max3A_260 = vector.multi_reduction <maximumf>, %select_n3A_258, %reduce_max3A_259 [1] : vector<256x2048xf32> to vector<256xf32>
    %broadcast_in_dim3A_261 = vector.shape_cast %reduce_max3A_260 : vector<256xf32> to vector<256x1xf32>
    %eq3A_262 = vector.broadcast %broadcast_in_dim3A_261 : vector<256x1xf32> to vector<256x2048xf32>
    %eq3A_263 = arith.cmpf oeq, %select_n3A_258, %eq3A_262 : vector<256x2048xf32>
    %jit3A_264 = arith.constant 1073741824 : i32
    %broadcast_in_dim3A_265 = vector.broadcast %jit3A_264 : i32 to vector<256x2048xi32>
    %select_n3A_266 = arith.select %eq3A_263, %iota3A, %broadcast_in_dim3A_265 : vector<256x2048xi1>, vector<256x2048xi32>
    %reduce_min3A_267 = arith.constant dense<2147483647> : vector<256xi32>
    %reduce_min3A_268 = vector.multi_reduction <minsi>, %select_n3A_266, %reduce_min3A_267 [1] : vector<256x2048xi32> to vector<256xi32>
    %broadcast_in_dim3A_269 = vector.shape_cast %reduce_min3A_268 : vector<256xi32> to vector<256x1xi32>
    %eq3A_270 = vector.broadcast %broadcast_in_dim3A_269 : vector<256x1xi32> to vector<256x2048xi32>
    %eq3A_271 = arith.cmpi eq, %iota3A, %eq3A_270 : vector<256x2048xi32>
    %jit3A_272 = arith.constant -3.000000e+38 : f32
    %broadcast_in_dim3A_273 = vector.broadcast %jit3A_272 : f32 to vector<256x2048xf32>
    %select_n3A_274 = arith.select %eq3A_271, %broadcast_in_dim3A_273, %select_n3A_258 : vector<256x2048xi1>, vector<256x2048xf32>
    %reduce_max3A_275 = arith.constant dense<0xFF800000> : vector<256xf32>
    %reduce_max3A_276 = vector.multi_reduction <maximumf>, %select_n3A_274, %reduce_max3A_275 [1] : vector<256x2048xf32> to vector<256xf32>
    %broadcast_in_dim3A_277 = vector.shape_cast %reduce_max3A_276 : vector<256xf32> to vector<256x1xf32>
    %eq3A_278 = vector.broadcast %broadcast_in_dim3A_277 : vector<256x1xf32> to vector<256x2048xf32>
    %eq3A_279 = arith.cmpf oeq, %select_n3A_274, %eq3A_278 : vector<256x2048xf32>
    %jit3A_280 = arith.constant 1073741824 : i32
    %broadcast_in_dim3A_281 = vector.broadcast %jit3A_280 : i32 to vector<256x2048xi32>
    %select_n3A_282 = arith.select %eq3A_279, %iota3A, %broadcast_in_dim3A_281 : vector<256x2048xi1>, vector<256x2048xi32>
    %reduce_min3A_283 = arith.constant dense<2147483647> : vector<256xi32>
    %reduce_min3A_284 = vector.multi_reduction <minsi>, %select_n3A_282, %reduce_min3A_283 [1] : vector<256x2048xi32> to vector<256xi32>
    %broadcast_in_dim3A_285 = vector.shape_cast %reduce_min3A_284 : vector<256xi32> to vector<256x1xi32>
    %eq3A_286 = vector.broadcast %broadcast_in_dim3A_285 : vector<256x1xi32> to vector<256x2048xi32>
    %eq3A_287 = arith.cmpi eq, %iota3A, %eq3A_286 : vector<256x2048xi32>
    %jit3A_288 = arith.constant -3.000000e+38 : f32
    %broadcast_in_dim3A_289 = vector.broadcast %jit3A_288 : f32 to vector<256x2048xf32>
    %select_n3A_290 = arith.select %eq3A_287, %broadcast_in_dim3A_289, %select_n3A_274 : vector<256x2048xi1>, vector<256x2048xf32>
    %reduce_max3A_291 = arith.constant dense<0xFF800000> : vector<256xf32>
    %reduce_max3A_292 = vector.multi_reduction <maximumf>, %select_n3A_290, %reduce_max3A_291 [1] : vector<256x2048xf32> to vector<256xf32>
    %broadcast_in_dim3A_293 = vector.shape_cast %reduce_max3A_292 : vector<256xf32> to vector<256x1xf32>
    %eq3A_294 = vector.broadcast %broadcast_in_dim3A_293 : vector<256x1xf32> to vector<256x2048xf32>
    %eq3A_295 = arith.cmpf oeq, %select_n3A_290, %eq3A_294 : vector<256x2048xf32>
    %jit3A_296 = arith.constant 1073741824 : i32
    %broadcast_in_dim3A_297 = vector.broadcast %jit3A_296 : i32 to vector<256x2048xi32>
    %select_n3A_298 = arith.select %eq3A_295, %iota3A, %broadcast_in_dim3A_297 : vector<256x2048xi1>, vector<256x2048xi32>
    %reduce_min3A_299 = arith.constant dense<2147483647> : vector<256xi32>
    %reduce_min3A_300 = vector.multi_reduction <minsi>, %select_n3A_298, %reduce_min3A_299 [1] : vector<256x2048xi32> to vector<256xi32>
    %broadcast_in_dim3A_301 = vector.shape_cast %reduce_min3A_300 : vector<256xi32> to vector<256x1xi32>
    %eq3A_302 = vector.broadcast %broadcast_in_dim3A_301 : vector<256x1xi32> to vector<256x2048xi32>
    %eq3A_303 = arith.cmpi eq, %iota3A, %eq3A_302 : vector<256x2048xi32>
    %jit3A_304 = arith.constant -3.000000e+38 : f32
    %broadcast_in_dim3A_305 = vector.broadcast %jit3A_304 : f32 to vector<256x2048xf32>
    %select_n3A_306 = arith.select %eq3A_303, %broadcast_in_dim3A_305, %select_n3A_290 : vector<256x2048xi1>, vector<256x2048xf32>
    %reduce_max3A_307 = arith.constant dense<0xFF800000> : vector<256xf32>
    %reduce_max3A_308 = vector.multi_reduction <maximumf>, %select_n3A_306, %reduce_max3A_307 [1] : vector<256x2048xf32> to vector<256xf32>
    %broadcast_in_dim3A_309 = vector.shape_cast %reduce_max3A_308 : vector<256xf32> to vector<256x1xf32>
    %eq3A_310 = vector.broadcast %broadcast_in_dim3A_309 : vector<256x1xf32> to vector<256x2048xf32>
    %eq3A_311 = arith.cmpf oeq, %select_n3A_306, %eq3A_310 : vector<256x2048xf32>
    %jit3A_312 = arith.constant 1073741824 : i32
    %broadcast_in_dim3A_313 = vector.broadcast %jit3A_312 : i32 to vector<256x2048xi32>
    %select_n3A_314 = arith.select %eq3A_311, %iota3A, %broadcast_in_dim3A_313 : vector<256x2048xi1>, vector<256x2048xi32>
    %reduce_min3A_315 = arith.constant dense<2147483647> : vector<256xi32>
    %reduce_min3A_316 = vector.multi_reduction <minsi>, %select_n3A_314, %reduce_min3A_315 [1] : vector<256x2048xi32> to vector<256xi32>
    %broadcast_in_dim3A_317 = vector.shape_cast %reduce_min3A_316 : vector<256xi32> to vector<256x1xi32>
    %eq3A_318 = vector.broadcast %broadcast_in_dim3A_317 : vector<256x1xi32> to vector<256x2048xi32>
    %eq3A_319 = arith.cmpi eq, %iota3A, %eq3A_318 : vector<256x2048xi32>
    %jit3A_320 = arith.constant -3.000000e+38 : f32
    %broadcast_in_dim3A_321 = vector.broadcast %jit3A_320 : f32 to vector<256x2048xf32>
    %select_n3A_322 = arith.select %eq3A_319, %broadcast_in_dim3A_321, %select_n3A_306 : vector<256x2048xi1>, vector<256x2048xf32>
    %reduce_max3A_323 = arith.constant dense<0xFF800000> : vector<256xf32>
    %reduce_max3A_324 = vector.multi_reduction <maximumf>, %select_n3A_322, %reduce_max3A_323 [1] : vector<256x2048xf32> to vector<256xf32>
    %broadcast_in_dim3A_325 = vector.shape_cast %reduce_max3A_324 : vector<256xf32> to vector<256x1xf32>
    %eq3A_326 = vector.broadcast %broadcast_in_dim3A_325 : vector<256x1xf32> to vector<256x2048xf32>
    %eq3A_327 = arith.cmpf oeq, %select_n3A_322, %eq3A_326 : vector<256x2048xf32>
    %jit3A_328 = arith.constant 1073741824 : i32
    %broadcast_in_dim3A_329 = vector.broadcast %jit3A_328 : i32 to vector<256x2048xi32>
    %select_n3A_330 = arith.select %eq3A_327, %iota3A, %broadcast_in_dim3A_329 : vector<256x2048xi1>, vector<256x2048xi32>
    %reduce_min3A_331 = arith.constant dense<2147483647> : vector<256xi32>
    %reduce_min3A_332 = vector.multi_reduction <minsi>, %select_n3A_330, %reduce_min3A_331 [1] : vector<256x2048xi32> to vector<256xi32>
    %broadcast_in_dim3A_333 = vector.shape_cast %reduce_min3A_332 : vector<256xi32> to vector<256x1xi32>
    %concatenate3A = tpu.concatenate %broadcast_in_dim3A_29, %broadcast_in_dim3A_45, %broadcast_in_dim3A_61, %broadcast_in_dim3A_77, %broadcast_in_dim3A_93, %broadcast_in_dim3A_109, %broadcast_in_dim3A_125, %broadcast_in_dim3A_141, %broadcast_in_dim3A_157, %broadcast_in_dim3A_173, %broadcast_in_dim3A_189, %broadcast_in_dim3A_205, %broadcast_in_dim3A_221, %broadcast_in_dim3A_237, %broadcast_in_dim3A_253, %broadcast_in_dim3A_269, %broadcast_in_dim3A_285, %broadcast_in_dim3A_301, %broadcast_in_dim3A_317, %broadcast_in_dim3A_333 in 1 : vector<256x1xi32>, vector<256x1xi32>, vector<256x1xi32>, vector<256x1xi32>, vector<256x1xi32>, vector<256x1xi32>, vector<256x1xi32>, vector<256x1xi32>, vector<256x1xi32>, vector<256x1xi32>, vector<256x1xi32>, vector<256x1xi32>, vector<256x1xi32>, vector<256x1xi32>, vector<256x1xi32>, vector<256x1xi32>, vector<256x1xi32>, vector<256x1xi32>, vector<256x1xi32>, vector<256x1xi32> -> vector<256x20xi32>
    %mul3A_334 = arith.constant 2048 : i32
    %mul3A_335 = arith.muli %arg0, %mul3A_334 : i32
    %add3A = vector.broadcast %mul3A_335 : i32 to vector<256x20xi32>
    %add3A_336 = arith.addi %concatenate3A, %add3A : vector<256x20xi32>
    %swap3A = arith.constant 0 : index
    %swap3A_337 = arith.constant 0 : index
    %swap3A_338 = arith.constant 0 : index
    %swap3A_339 = vector.load %arg6[%swap3A, %swap3A_337, %swap3A_338] : memref<1x256x20xi32, #tpu.memory_space<vmem>>, vector<1x256x20xi32>
    %swap3A_340 = vector.shape_cast %swap3A_339 : vector<1x256x20xi32> to vector<256x20xi32>
    %swap3A_341 = vector.shape_cast %add3A_336 : vector<256x20xi32> to vector<1x256x20xi32>
    tpu.vector_store %arg6[%swap3A, %swap3A_337, %swap3A_338], %swap3A_341 {strides = array<i32>} : memref<1x256x20xi32, #tpu.memory_space<vmem>>, vector<1x256x20xi32>,
    return
  }
  func.func @transform_0(%arg0: i32, %arg1: i32) -> (i32, i32, i32) {
    %c0_i32 = arith.constant 0 : i32
    %c0_i32_0 = arith.constant 0 : i32
    %c0_i32_1 = arith.constant 0 : i32
    return %arg0, %c0_i32, %c0_i32_0 : i32, i32, i32
  }
  func.func @transform_1(%arg0: i32, %arg1: i32) -> (i32, i32, i32) {
    %c0_i32 = arith.constant 0 : i32
    %c0_i32_0 = arith.constant 0 : i32
    return %arg0, %arg1, %c0_i32 : i32, i32, i32
  }
  func.func @transform_2(%arg0: i32, %arg1: i32) -> (i32, i32, i32) {
    %c0_i32 = arith.constant 0 : i32
    %c0_i32_0 = arith.constant 0 : i32
    %c0_i32_1 = arith.constant 0 : i32
    return %arg0, %c0_i32, %c0_i32_0 : i32, i32, i32
  }
  func.func @transform_3(%arg0: i32, %arg1: i32) -> (i32, i32, i32) {
    %c0_i32 = arith.constant 0 : i32
    %c0_i32_0 = arith.constant 0 : i32
    return %arg0, %arg1, %c0_i32 : i32, i32, i32
  }
  func.func @transform_4(%arg0: i32, %arg1: i32) -> (i32, i32, i32) {
    %c0_i32 = arith.constant 0 : i32
    %c0_i32_0 = arith.constant 0 : i32
    return %arg0, %arg1, %c0_i32 : i32, i32, i32
  }
}

module attributes {stable_mosaic.version = 14 : i64} {
  func.func @_edge_kernel(%arg0: i32, %arg1: memref<2560x16xf32, #tpu.memory_space<vmem>>, %arg2: memref<128x16xf32, #tpu.memory_space<vmem>>, %arg3: memref<32x64xbf16, #tpu.memory_space<vmem>>, %arg4: memref<2560x64xf32, #tpu.memory_space<vmem>>, %arg5: memref<128x64xf32, #tpu.memory_space<vmem>>) attributes {dimension_semantics = [#tpu.dimension_semantics<arbitrary>], iteration_bounds = array<i64: 128>, scalar_prefetch = 0 : i64, scratch_operands = 0 : i64, tpu.core_type = #tpu.core_type<tc>, window_params = [{transform_indices = @transform_0, window_bounds = array<i64: 2560, 16>}, {transform_indices = @transform_1, window_bounds = array<i64: 128, 16>}, {pipeline_mode = #tpu.pipeline_mode<synchronous>, transform_indices = @transform_2, window_bounds = array<i64: 32, 64>}, {transform_indices = @transform_3, window_bounds = array<i64: 2560, 64>}, {transform_indices = @transform_4, window_bounds = array<i64: 128, 64>}]} {
    %get3A = arith.constant 0 : index
    %get3A_0 = arith.constant 0 : index
    %get3A_1 = vector.load %arg1[%get3A, %get3A_0] : memref<2560x16xf32, #tpu.memory_space<vmem>>, vector<2560x16xf32>
    %get3A_2 = arith.constant 0 : index
    %get3A_3 = arith.constant 0 : index
    %get3A_4 = vector.load %arg2[%get3A_2, %get3A_3] : memref<128x16xf32, #tpu.memory_space<vmem>>, vector<128x16xf32>
    %reshape3A = vector.shape_cast %get3A_1 : vector<2560x16xf32> to vector<128x20x16xf32>
    %broadcast_in_dim3A = vector.shape_cast %get3A_4 : vector<128x16xf32> to vector<128x1x16xf32>
    %broadcast_in_dim3A_5 = vector.shape_cast %broadcast_in_dim3A : vector<128x1x16xf32> to vector<128x1x16xf32>
    %broadcast_in_dim3A_6 = vector.broadcast %broadcast_in_dim3A_5 : vector<128x1x16xf32> to vector<128x20x16xf32>
    %sub3A = arith.subf %reshape3A, %broadcast_in_dim3A_6 : vector<128x20x16xf32>
    %concatenate3A = tpu.concatenate %sub3A, %broadcast_in_dim3A_6 in 2 : vector<128x20x16xf32>, vector<128x20x16xf32> -> vector<128x20x32xf32>
    %reshape3A_7 = vector.shape_cast %concatenate3A : vector<128x20x32xf32> to vector<2560x32xf32>
    %convert_element_type3A = arith.truncf %reshape3A_7 : vector<2560x32xf32> to vector<2560x32xbf16>
    %get3A_8 = arith.constant 0 : index
    %get3A_9 = arith.constant 0 : index
    %get3A_10 = vector.load %arg3[%get3A_8, %get3A_9] : memref<32x64xbf16, #tpu.memory_space<vmem>>, vector<32x64xbf16>
    %dot_general3A = arith.constant dense<0.000000e+00> : vector<2560x64xf32>
    %dot_general3A_11 = tpu.matmul %convert_element_type3A, %get3A_10, %dot_general3A {dimension_numbers = #tpu.dot_dimension_numbers<[1], [0], [0], [1], [0, 0, 1, 1], [], []>, transpose_lhs_hint = false} : vector<2560x32xbf16>, vector<32x64xbf16>, vector<2560x64xf32> -> vector<2560x64xf32>
    %swap3A = arith.constant 0 : index
    %swap3A_12 = arith.constant 0 : index
    %swap3A_13 = vector.load %arg4[%swap3A, %swap3A_12] : memref<2560x64xf32, #tpu.memory_space<vmem>>, vector<2560x64xf32>
    tpu.vector_store %arg4[%swap3A, %swap3A_12], %dot_general3A_11 {strides = array<i32>} : memref<2560x64xf32, #tpu.memory_space<vmem>>, vector<2560x64xf32>,
    %reshape3A_14 = vector.shape_cast %dot_general3A_11 : vector<2560x64xf32> to vector<128x20x64xf32>
    %reduce_max3A = arith.constant dense<0xFF800000> : vector<128x64xf32>
    %reduce_max3A_15 = vector.multi_reduction <maximumf>, %reshape3A_14, %reduce_max3A [1] : vector<128x20x64xf32> to vector<128x64xf32>
    %swap3A_16 = arith.constant 0 : index
    %swap3A_17 = arith.constant 0 : index
    %swap3A_18 = vector.load %arg5[%swap3A_16, %swap3A_17] : memref<128x64xf32, #tpu.memory_space<vmem>>, vector<128x64xf32>
    tpu.vector_store %arg5[%swap3A_16, %swap3A_17], %reduce_max3A_15 {strides = array<i32>} : memref<128x64xf32, #tpu.memory_space<vmem>>, vector<128x64xf32>,
    return
  }
  func.func @transform_0(%arg0: i32) -> (i32, i32) {
    %c0_i32 = arith.constant 0 : i32
    %c0_i32_0 = arith.constant 0 : i32
    return %arg0, %c0_i32 : i32, i32
  }
  func.func @transform_1(%arg0: i32) -> (i32, i32) {
    %c0_i32 = arith.constant 0 : i32
    %c0_i32_0 = arith.constant 0 : i32
    return %arg0, %c0_i32 : i32, i32
  }
  func.func @transform_2(%arg0: i32) -> (i32, i32) {
    %c0_i32 = arith.constant 0 : i32
    %c0_i32_0 = arith.constant 0 : i32
    %c0_i32_1 = arith.constant 0 : i32
    return %c0_i32, %c0_i32_0 : i32, i32
  }
  func.func @transform_3(%arg0: i32) -> (i32, i32) {
    %c0_i32 = arith.constant 0 : i32
    %c0_i32_0 = arith.constant 0 : i32
    return %arg0, %c0_i32 : i32, i32
  }
  func.func @transform_4(%arg0: i32) -> (i32, i32) {
    %c0_i32 = arith.constant 0 : i32
    %c0_i32_0 = arith.constant 0 : i32
    return %arg0, %c0_i32 : i32, i32
  }
}

module attributes {stable_mosaic.version = 14 : i64} {
  func.func @_topk_kernel(%arg0: i32, %arg1: i32, %arg2: memref<1x2048x64xf32, #tpu.memory_space<vmem>>, %arg3: memref<1x256x64xf32, #tpu.memory_space<vmem>>, %arg4: memref<1x1x2048xf32, #tpu.memory_space<vmem>>, %arg5: memref<1x256x1xf32, #tpu.memory_space<vmem>>, %arg6: memref<1x256x20xi32, #tpu.memory_space<vmem>>) attributes {dimension_semantics = [#tpu.dimension_semantics<arbitrary>, #tpu.dimension_semantics<arbitrary>], iteration_bounds = array<i64: 8, 8>, scalar_prefetch = 0 : i64, scratch_operands = 0 : i64, tpu.core_type = #tpu.core_type<tc>, window_params = [{transform_indices = @transform_0, window_bounds = array<i64: 1, 2048, 64>}, {transform_indices = @transform_1, window_bounds = array<i64: 1, 256, 64>}, {transform_indices = @transform_2, window_bounds = array<i64: 1, 1, 2048>}, {transform_indices = @transform_3, window_bounds = array<i64: 1, 256, 1>}, {transform_indices = @transform_4, window_bounds = array<i64: 1, 256, 20>}]} {
    %get3A = arith.constant 0 : index
    %get3A_0 = arith.constant 0 : index
    %get3A_1 = arith.constant 0 : index
    %get3A_2 = vector.load %arg2[%get3A, %get3A_0, %get3A_1] : memref<1x2048x64xf32, #tpu.memory_space<vmem>>, vector<1x2048x64xf32>
    %get3A_3 = vector.shape_cast %get3A_2 : vector<1x2048x64xf32> to vector<2048x64xf32>
    %get3A_4 = arith.constant 0 : index
    %get3A_5 = arith.constant 0 : index
    %get3A_6 = arith.constant 0 : index
    %get3A_7 = vector.load %arg3[%get3A_4, %get3A_5, %get3A_6] : memref<1x256x64xf32, #tpu.memory_space<vmem>>, vector<1x256x64xf32>
    %get3A_8 = vector.shape_cast %get3A_7 : vector<1x256x64xf32> to vector<256x64xf32>
    %dot_general3A = arith.constant dense<0.000000e+00> : vector<256x2048xf32>
    %dot_general3A_9 = tpu.matmul %get3A_8, %get3A_3, %dot_general3A {dimension_numbers = #tpu.dot_dimension_numbers<[1], [1], [0], [0], [0, 0, 1, 0], [], []>, transpose_lhs_hint = false} : vector<256x64xf32>, vector<2048x64xf32>, vector<256x2048xf32> -> vector<256x2048xf32>
    %mul3A = arith.constant 2.000000e+00 : f32
    %mul3A_10 = vector.broadcast %mul3A : f32 to vector<256x2048xf32>
    %mul3A_11 = arith.mulf %mul3A_10, %dot_general3A_9 : vector<256x2048xf32>
    %get3A_12 = arith.constant 0 : index
    %get3A_13 = arith.constant 0 : index
    %get3A_14 = arith.constant 0 : index
    %get3A_15 = vector.load %arg5[%get3A_12, %get3A_13, %get3A_14] : memref<1x256x1xf32, #tpu.memory_space<vmem>>, vector<1x256x1xf32>
    %get3A_16 = vector.shape_cast %get3A_15 : vector<1x256x1xf32> to vector<256x1xf32>
    %sub3A = vector.broadcast %get3A_16 : vector<256x1xf32> to vector<256x2048xf32>
    %sub3A_17 = arith.subf %mul3A_11, %sub3A : vector<256x2048xf32>
    %get3A_18 = arith.constant 0 : index
    %get3A_19 = arith.constant 0 : index
    %get3A_20 = arith.constant 0 : index
    %get3A_21 = vector.load %arg4[%get3A_18, %get3A_19, %get3A_20] : memref<1x1x2048xf32, #tpu.memory_space<vmem>>, vector<1x1x2048xf32>
    %get3A_22 = vector.shape_cast %get3A_21 : vector<1x1x2048xf32> to vector<1x2048xf32>
    %sub3A_23 = vector.broadcast %get3A_22 : vector<1x2048xf32> to vector<256x2048xf32>
    %sub3A_24 = arith.subf %sub3A_17, %sub3A_23 : vector<256x2048xf32>
    %iota3A = tpu.iota {dimensions = array<i32: 1>} : vector<256x2048xi32>
    %reduce_max3A = arith.constant dense<0xFF800000> : vector<256xf32>
    %reduce_max3A_25 = vector.multi_reduction <maximumf>, %sub3A_24, %reduce_max3A [1] : vector<256x2048xf32> to vector<256xf32>
    %broadcast_in_dim3A = vector.shape_cast %reduce_max3A_25 : vector<256xf32> to vector<256x1xf32>
    %eq3A = vector.broadcast %broadcast_in_dim3A : vector<256x1xf32> to vector<256x2048xf32>
    %eq3A_26 = arith.cmpf oeq, %sub3A_24, %eq3A : vector<256x2048xf32>
    %jit3A = arith.constant 1073741824 : i32
    %broadcast_in_dim3A_27 = vector.broadcast %jit3A : i32 to vector<256x2048xi32>
    %select_n3A = arith.select %eq3A_26, %iota3A, %broadcast_in_dim3A_27 : vector<256x2048xi1>, vector<256x2048xi32>
    %reduce_min3A = arith.constant dense<2147483647> : vector<256xi32>
    %reduce_min3A_28 = vector.multi_reduction <minsi>, %select_n3A, %reduce_min3A [1] : vector<256x2048xi32> to vector<256xi32>
    %broadcast_in_dim3A_29 = vector.shape_cast %reduce_min3A_28 : vector<256xi32> to vector<256x1xi32>
    %eq3A_30 = vector.broadcast %broadcast_in_dim3A_29 : vector<256x1xi32> to vector<256x2048xi32>
    %eq3A_31 = arith.cmpi eq, %iota3A, %eq3A_30 : vector<256x2048xi32>
    %jit3A_32 = arith.constant -3.000000e+38 : f32
    %broadcast_in_dim3A_33 = vector.broadcast %jit3A_32 : f32 to vector<256x2048xf32>
    %select_n3A_34 = arith.select %eq3A_31, %broadcast_in_dim3A_33, %sub3A_24 : vector<256x2048xi1>, vector<256x2048xf32>
    %reduce_max3A_35 = arith.constant dense<0xFF800000> : vector<256xf32>
    %reduce_max3A_36 = vector.multi_reduction <maximumf>, %select_n3A_34, %reduce_max3A_35 [1] : vector<256x2048xf32> to vector<256xf32>
    %broadcast_in_dim3A_37 = vector.shape_cast %reduce_max3A_36 : vector<256xf32> to vector<256x1xf32>
    %eq3A_38 = vector.broadcast %broadcast_in_dim3A_37 : vector<256x1xf32> to vector<256x2048xf32>
    %eq3A_39 = arith.cmpf oeq, %select_n3A_34, %eq3A_38 : vector<256x2048xf32>
    %jit3A_40 = arith.constant 1073741824 : i32
    %broadcast_in_dim3A_41 = vector.broadcast %jit3A_40 : i32 to vector<256x2048xi32>
    %select_n3A_42 = arith.select %eq3A_39, %iota3A, %broadcast_in_dim3A_41 : vector<256x2048xi1>, vector<256x2048xi32>
    %reduce_min3A_43 = arith.constant dense<2147483647> : vector<256xi32>
    %reduce_min3A_44 = vector.multi_reduction <minsi>, %select_n3A_42, %reduce_min3A_43 [1] : vector<256x2048xi32> to vector<256xi32>
    %broadcast_in_dim3A_45 = vector.shape_cast %reduce_min3A_44 : vector<256xi32> to vector<256x1xi32>
    %eq3A_46 = vector.broadcast %broadcast_in_dim3A_45 : vector<256x1xi32> to vector<256x2048xi32>
    %eq3A_47 = arith.cmpi eq, %iota3A, %eq3A_46 : vector<256x2048xi32>
    %jit3A_48 = arith.constant -3.000000e+38 : f32
    %broadcast_in_dim3A_49 = vector.broadcast %jit3A_48 : f32 to vector<256x2048xf32>
    %select_n3A_50 = arith.select %eq3A_47, %broadcast_in_dim3A_49, %select_n3A_34 : vector<256x2048xi1>, vector<256x2048xf32>
    %reduce_max3A_51 = arith.constant dense<0xFF800000> : vector<256xf32>
    %reduce_max3A_52 = vector.multi_reduction <maximumf>, %select_n3A_50, %reduce_max3A_51 [1] : vector<256x2048xf32> to vector<256xf32>
    %broadcast_in_dim3A_53 = vector.shape_cast %reduce_max3A_52 : vector<256xf32> to vector<256x1xf32>
    %eq3A_54 = vector.broadcast %broadcast_in_dim3A_53 : vector<256x1xf32> to vector<256x2048xf32>
    %eq3A_55 = arith.cmpf oeq, %select_n3A_50, %eq3A_54 : vector<256x2048xf32>
    %jit3A_56 = arith.constant 1073741824 : i32
    %broadcast_in_dim3A_57 = vector.broadcast %jit3A_56 : i32 to vector<256x2048xi32>
    %select_n3A_58 = arith.select %eq3A_55, %iota3A, %broadcast_in_dim3A_57 : vector<256x2048xi1>, vector<256x2048xi32>
    %reduce_min3A_59 = arith.constant dense<2147483647> : vector<256xi32>
    %reduce_min3A_60 = vector.multi_reduction <minsi>, %select_n3A_58, %reduce_min3A_59 [1] : vector<256x2048xi32> to vector<256xi32>
    %broadcast_in_dim3A_61 = vector.shape_cast %reduce_min3A_60 : vector<256xi32> to vector<256x1xi32>
    %eq3A_62 = vector.broadcast %broadcast_in_dim3A_61 : vector<256x1xi32> to vector<256x2048xi32>
    %eq3A_63 = arith.cmpi eq, %iota3A, %eq3A_62 : vector<256x2048xi32>
    %jit3A_64 = arith.constant -3.000000e+38 : f32
    %broadcast_in_dim3A_65 = vector.broadcast %jit3A_64 : f32 to vector<256x2048xf32>
    %select_n3A_66 = arith.select %eq3A_63, %broadcast_in_dim3A_65, %select_n3A_50 : vector<256x2048xi1>, vector<256x2048xf32>
    %reduce_max3A_67 = arith.constant dense<0xFF800000> : vector<256xf32>
    %reduce_max3A_68 = vector.multi_reduction <maximumf>, %select_n3A_66, %reduce_max3A_67 [1] : vector<256x2048xf32> to vector<256xf32>
    %broadcast_in_dim3A_69 = vector.shape_cast %reduce_max3A_68 : vector<256xf32> to vector<256x1xf32>
    %eq3A_70 = vector.broadcast %broadcast_in_dim3A_69 : vector<256x1xf32> to vector<256x2048xf32>
    %eq3A_71 = arith.cmpf oeq, %select_n3A_66, %eq3A_70 : vector<256x2048xf32>
    %jit3A_72 = arith.constant 1073741824 : i32
    %broadcast_in_dim3A_73 = vector.broadcast %jit3A_72 : i32 to vector<256x2048xi32>
    %select_n3A_74 = arith.select %eq3A_71, %iota3A, %broadcast_in_dim3A_73 : vector<256x2048xi1>, vector<256x2048xi32>
    %reduce_min3A_75 = arith.constant dense<2147483647> : vector<256xi32>
    %reduce_min3A_76 = vector.multi_reduction <minsi>, %select_n3A_74, %reduce_min3A_75 [1] : vector<256x2048xi32> to vector<256xi32>
    %broadcast_in_dim3A_77 = vector.shape_cast %reduce_min3A_76 : vector<256xi32> to vector<256x1xi32>
    %eq3A_78 = vector.broadcast %broadcast_in_dim3A_77 : vector<256x1xi32> to vector<256x2048xi32>
    %eq3A_79 = arith.cmpi eq, %iota3A, %eq3A_78 : vector<256x2048xi32>
    %jit3A_80 = arith.constant -3.000000e+38 : f32
    %broadcast_in_dim3A_81 = vector.broadcast %jit3A_80 : f32 to vector<256x2048xf32>
    %select_n3A_82 = arith.select %eq3A_79, %broadcast_in_dim3A_81, %select_n3A_66 : vector<256x2048xi1>, vector<256x2048xf32>
    %reduce_max3A_83 = arith.constant dense<0xFF800000> : vector<256xf32>
    %reduce_max3A_84 = vector.multi_reduction <maximumf>, %select_n3A_82, %reduce_max3A_83 [1] : vector<256x2048xf32> to vector<256xf32>
    %broadcast_in_dim3A_85 = vector.shape_cast %reduce_max3A_84 : vector<256xf32> to vector<256x1xf32>
    %eq3A_86 = vector.broadcast %broadcast_in_dim3A_85 : vector<256x1xf32> to vector<256x2048xf32>
    %eq3A_87 = arith.cmpf oeq, %select_n3A_82, %eq3A_86 : vector<256x2048xf32>
    %jit3A_88 = arith.constant 1073741824 : i32
    %broadcast_in_dim3A_89 = vector.broadcast %jit3A_88 : i32 to vector<256x2048xi32>
    %select_n3A_90 = arith.select %eq3A_87, %iota3A, %broadcast_in_dim3A_89 : vector<256x2048xi1>, vector<256x2048xi32>
    %reduce_min3A_91 = arith.constant dense<2147483647> : vector<256xi32>
    %reduce_min3A_92 = vector.multi_reduction <minsi>, %select_n3A_90, %reduce_min3A_91 [1] : vector<256x2048xi32> to vector<256xi32>
    %broadcast_in_dim3A_93 = vector.shape_cast %reduce_min3A_92 : vector<256xi32> to vector<256x1xi32>
    %eq3A_94 = vector.broadcast %broadcast_in_dim3A_93 : vector<256x1xi32> to vector<256x2048xi32>
    %eq3A_95 = arith.cmpi eq, %iota3A, %eq3A_94 : vector<256x2048xi32>
    %jit3A_96 = arith.constant -3.000000e+38 : f32
    %broadcast_in_dim3A_97 = vector.broadcast %jit3A_96 : f32 to vector<256x2048xf32>
    %select_n3A_98 = arith.select %eq3A_95, %broadcast_in_dim3A_97, %select_n3A_82 : vector<256x2048xi1>, vector<256x2048xf32>
    %reduce_max3A_99 = arith.constant dense<0xFF800000> : vector<256xf32>
    %reduce_max3A_100 = vector.multi_reduction <maximumf>, %select_n3A_98, %reduce_max3A_99 [1] : vector<256x2048xf32> to vector<256xf32>
    %broadcast_in_dim3A_101 = vector.shape_cast %reduce_max3A_100 : vector<256xf32> to vector<256x1xf32>
    %eq3A_102 = vector.broadcast %broadcast_in_dim3A_101 : vector<256x1xf32> to vector<256x2048xf32>
    %eq3A_103 = arith.cmpf oeq, %select_n3A_98, %eq3A_102 : vector<256x2048xf32>
    %jit3A_104 = arith.constant 1073741824 : i32
    %broadcast_in_dim3A_105 = vector.broadcast %jit3A_104 : i32 to vector<256x2048xi32>
    %select_n3A_106 = arith.select %eq3A_103, %iota3A, %broadcast_in_dim3A_105 : vector<256x2048xi1>, vector<256x2048xi32>
    %reduce_min3A_107 = arith.constant dense<2147483647> : vector<256xi32>
    %reduce_min3A_108 = vector.multi_reduction <minsi>, %select_n3A_106, %reduce_min3A_107 [1] : vector<256x2048xi32> to vector<256xi32>
    %broadcast_in_dim3A_109 = vector.shape_cast %reduce_min3A_108 : vector<256xi32> to vector<256x1xi32>
    %eq3A_110 = vector.broadcast %broadcast_in_dim3A_109 : vector<256x1xi32> to vector<256x2048xi32>
    %eq3A_111 = arith.cmpi eq, %iota3A, %eq3A_110 : vector<256x2048xi32>
    %jit3A_112 = arith.constant -3.000000e+38 : f32
    %broadcast_in_dim3A_113 = vector.broadcast %jit3A_112 : f32 to vector<256x2048xf32>
    %select_n3A_114 = arith.select %eq3A_111, %broadcast_in_dim3A_113, %select_n3A_98 : vector<256x2048xi1>, vector<256x2048xf32>
    %reduce_max3A_115 = arith.constant dense<0xFF800000> : vector<256xf32>
    %reduce_max3A_116 = vector.multi_reduction <maximumf>, %select_n3A_114, %reduce_max3A_115 [1] : vector<256x2048xf32> to vector<256xf32>
    %broadcast_in_dim3A_117 = vector.shape_cast %reduce_max3A_116 : vector<256xf32> to vector<256x1xf32>
    %eq3A_118 = vector.broadcast %broadcast_in_dim3A_117 : vector<256x1xf32> to vector<256x2048xf32>
    %eq3A_119 = arith.cmpf oeq, %select_n3A_114, %eq3A_118 : vector<256x2048xf32>
    %jit3A_120 = arith.constant 1073741824 : i32
    %broadcast_in_dim3A_121 = vector.broadcast %jit3A_120 : i32 to vector<256x2048xi32>
    %select_n3A_122 = arith.select %eq3A_119, %iota3A, %broadcast_in_dim3A_121 : vector<256x2048xi1>, vector<256x2048xi32>
    %reduce_min3A_123 = arith.constant dense<2147483647> : vector<256xi32>
    %reduce_min3A_124 = vector.multi_reduction <minsi>, %select_n3A_122, %reduce_min3A_123 [1] : vector<256x2048xi32> to vector<256xi32>
    %broadcast_in_dim3A_125 = vector.shape_cast %reduce_min3A_124 : vector<256xi32> to vector<256x1xi32>
    %eq3A_126 = vector.broadcast %broadcast_in_dim3A_125 : vector<256x1xi32> to vector<256x2048xi32>
    %eq3A_127 = arith.cmpi eq, %iota3A, %eq3A_126 : vector<256x2048xi32>
    %jit3A_128 = arith.constant -3.000000e+38 : f32
    %broadcast_in_dim3A_129 = vector.broadcast %jit3A_128 : f32 to vector<256x2048xf32>
    %select_n3A_130 = arith.select %eq3A_127, %broadcast_in_dim3A_129, %select_n3A_114 : vector<256x2048xi1>, vector<256x2048xf32>
    %reduce_max3A_131 = arith.constant dense<0xFF800000> : vector<256xf32>
    %reduce_max3A_132 = vector.multi_reduction <maximumf>, %select_n3A_130, %reduce_max3A_131 [1] : vector<256x2048xf32> to vector<256xf32>
    %broadcast_in_dim3A_133 = vector.shape_cast %reduce_max3A_132 : vector<256xf32> to vector<256x1xf32>
    %eq3A_134 = vector.broadcast %broadcast_in_dim3A_133 : vector<256x1xf32> to vector<256x2048xf32>
    %eq3A_135 = arith.cmpf oeq, %select_n3A_130, %eq3A_134 : vector<256x2048xf32>
    %jit3A_136 = arith.constant 1073741824 : i32
    %broadcast_in_dim3A_137 = vector.broadcast %jit3A_136 : i32 to vector<256x2048xi32>
    %select_n3A_138 = arith.select %eq3A_135, %iota3A, %broadcast_in_dim3A_137 : vector<256x2048xi1>, vector<256x2048xi32>
    %reduce_min3A_139 = arith.constant dense<2147483647> : vector<256xi32>
    %reduce_min3A_140 = vector.multi_reduction <minsi>, %select_n3A_138, %reduce_min3A_139 [1] : vector<256x2048xi32> to vector<256xi32>
    %broadcast_in_dim3A_141 = vector.shape_cast %reduce_min3A_140 : vector<256xi32> to vector<256x1xi32>
    %eq3A_142 = vector.broadcast %broadcast_in_dim3A_141 : vector<256x1xi32> to vector<256x2048xi32>
    %eq3A_143 = arith.cmpi eq, %iota3A, %eq3A_142 : vector<256x2048xi32>
    %jit3A_144 = arith.constant -3.000000e+38 : f32
    %broadcast_in_dim3A_145 = vector.broadcast %jit3A_144 : f32 to vector<256x2048xf32>
    %select_n3A_146 = arith.select %eq3A_143, %broadcast_in_dim3A_145, %select_n3A_130 : vector<256x2048xi1>, vector<256x2048xf32>
    %reduce_max3A_147 = arith.constant dense<0xFF800000> : vector<256xf32>
    %reduce_max3A_148 = vector.multi_reduction <maximumf>, %select_n3A_146, %reduce_max3A_147 [1] : vector<256x2048xf32> to vector<256xf32>
    %broadcast_in_dim3A_149 = vector.shape_cast %reduce_max3A_148 : vector<256xf32> to vector<256x1xf32>
    %eq3A_150 = vector.broadcast %broadcast_in_dim3A_149 : vector<256x1xf32> to vector<256x2048xf32>
    %eq3A_151 = arith.cmpf oeq, %select_n3A_146, %eq3A_150 : vector<256x2048xf32>
    %jit3A_152 = arith.constant 1073741824 : i32
    %broadcast_in_dim3A_153 = vector.broadcast %jit3A_152 : i32 to vector<256x2048xi32>
    %select_n3A_154 = arith.select %eq3A_151, %iota3A, %broadcast_in_dim3A_153 : vector<256x2048xi1>, vector<256x2048xi32>
    %reduce_min3A_155 = arith.constant dense<2147483647> : vector<256xi32>
    %reduce_min3A_156 = vector.multi_reduction <minsi>, %select_n3A_154, %reduce_min3A_155 [1] : vector<256x2048xi32> to vector<256xi32>
    %broadcast_in_dim3A_157 = vector.shape_cast %reduce_min3A_156 : vector<256xi32> to vector<256x1xi32>
    %eq3A_158 = vector.broadcast %broadcast_in_dim3A_157 : vector<256x1xi32> to vector<256x2048xi32>
    %eq3A_159 = arith.cmpi eq, %iota3A, %eq3A_158 : vector<256x2048xi32>
    %jit3A_160 = arith.constant -3.000000e+38 : f32
    %broadcast_in_dim3A_161 = vector.broadcast %jit3A_160 : f32 to vector<256x2048xf32>
    %select_n3A_162 = arith.select %eq3A_159, %broadcast_in_dim3A_161, %select_n3A_146 : vector<256x2048xi1>, vector<256x2048xf32>
    %reduce_max3A_163 = arith.constant dense<0xFF800000> : vector<256xf32>
    %reduce_max3A_164 = vector.multi_reduction <maximumf>, %select_n3A_162, %reduce_max3A_163 [1] : vector<256x2048xf32> to vector<256xf32>
    %broadcast_in_dim3A_165 = vector.shape_cast %reduce_max3A_164 : vector<256xf32> to vector<256x1xf32>
    %eq3A_166 = vector.broadcast %broadcast_in_dim3A_165 : vector<256x1xf32> to vector<256x2048xf32>
    %eq3A_167 = arith.cmpf oeq, %select_n3A_162, %eq3A_166 : vector<256x2048xf32>
    %jit3A_168 = arith.constant 1073741824 : i32
    %broadcast_in_dim3A_169 = vector.broadcast %jit3A_168 : i32 to vector<256x2048xi32>
    %select_n3A_170 = arith.select %eq3A_167, %iota3A, %broadcast_in_dim3A_169 : vector<256x2048xi1>, vector<256x2048xi32>
    %reduce_min3A_171 = arith.constant dense<2147483647> : vector<256xi32>
    %reduce_min3A_172 = vector.multi_reduction <minsi>, %select_n3A_170, %reduce_min3A_171 [1] : vector<256x2048xi32> to vector<256xi32>
    %broadcast_in_dim3A_173 = vector.shape_cast %reduce_min3A_172 : vector<256xi32> to vector<256x1xi32>
    %eq3A_174 = vector.broadcast %broadcast_in_dim3A_173 : vector<256x1xi32> to vector<256x2048xi32>
    %eq3A_175 = arith.cmpi eq, %iota3A, %eq3A_174 : vector<256x2048xi32>
    %jit3A_176 = arith.constant -3.000000e+38 : f32
    %broadcast_in_dim3A_177 = vector.broadcast %jit3A_176 : f32 to vector<256x2048xf32>
    %select_n3A_178 = arith.select %eq3A_175, %broadcast_in_dim3A_177, %select_n3A_162 : vector<256x2048xi1>, vector<256x2048xf32>
    %reduce_max3A_179 = arith.constant dense<0xFF800000> : vector<256xf32>
    %reduce_max3A_180 = vector.multi_reduction <maximumf>, %select_n3A_178, %reduce_max3A_179 [1] : vector<256x2048xf32> to vector<256xf32>
    %broadcast_in_dim3A_181 = vector.shape_cast %reduce_max3A_180 : vector<256xf32> to vector<256x1xf32>
    %eq3A_182 = vector.broadcast %broadcast_in_dim3A_181 : vector<256x1xf32> to vector<256x2048xf32>
    %eq3A_183 = arith.cmpf oeq, %select_n3A_178, %eq3A_182 : vector<256x2048xf32>
    %jit3A_184 = arith.constant 1073741824 : i32
    %broadcast_in_dim3A_185 = vector.broadcast %jit3A_184 : i32 to vector<256x2048xi32>
    %select_n3A_186 = arith.select %eq3A_183, %iota3A, %broadcast_in_dim3A_185 : vector<256x2048xi1>, vector<256x2048xi32>
    %reduce_min3A_187 = arith.constant dense<2147483647> : vector<256xi32>
    %reduce_min3A_188 = vector.multi_reduction <minsi>, %select_n3A_186, %reduce_min3A_187 [1] : vector<256x2048xi32> to vector<256xi32>
    %broadcast_in_dim3A_189 = vector.shape_cast %reduce_min3A_188 : vector<256xi32> to vector<256x1xi32>
    %eq3A_190 = vector.broadcast %broadcast_in_dim3A_189 : vector<256x1xi32> to vector<256x2048xi32>
    %eq3A_191 = arith.cmpi eq, %iota3A, %eq3A_190 : vector<256x2048xi32>
    %jit3A_192 = arith.constant -3.000000e+38 : f32
    %broadcast_in_dim3A_193 = vector.broadcast %jit3A_192 : f32 to vector<256x2048xf32>
    %select_n3A_194 = arith.select %eq3A_191, %broadcast_in_dim3A_193, %select_n3A_178 : vector<256x2048xi1>, vector<256x2048xf32>
    %reduce_max3A_195 = arith.constant dense<0xFF800000> : vector<256xf32>
    %reduce_max3A_196 = vector.multi_reduction <maximumf>, %select_n3A_194, %reduce_max3A_195 [1] : vector<256x2048xf32> to vector<256xf32>
    %broadcast_in_dim3A_197 = vector.shape_cast %reduce_max3A_196 : vector<256xf32> to vector<256x1xf32>
    %eq3A_198 = vector.broadcast %broadcast_in_dim3A_197 : vector<256x1xf32> to vector<256x2048xf32>
    %eq3A_199 = arith.cmpf oeq, %select_n3A_194, %eq3A_198 : vector<256x2048xf32>
    %jit3A_200 = arith.constant 1073741824 : i32
    %broadcast_in_dim3A_201 = vector.broadcast %jit3A_200 : i32 to vector<256x2048xi32>
    %select_n3A_202 = arith.select %eq3A_199, %iota3A, %broadcast_in_dim3A_201 : vector<256x2048xi1>, vector<256x2048xi32>
    %reduce_min3A_203 = arith.constant dense<2147483647> : vector<256xi32>
    %reduce_min3A_204 = vector.multi_reduction <minsi>, %select_n3A_202, %reduce_min3A_203 [1] : vector<256x2048xi32> to vector<256xi32>
    %broadcast_in_dim3A_205 = vector.shape_cast %reduce_min3A_204 : vector<256xi32> to vector<256x1xi32>
    %eq3A_206 = vector.broadcast %broadcast_in_dim3A_205 : vector<256x1xi32> to vector<256x2048xi32>
    %eq3A_207 = arith.cmpi eq, %iota3A, %eq3A_206 : vector<256x2048xi32>
    %jit3A_208 = arith.constant -3.000000e+38 : f32
    %broadcast_in_dim3A_209 = vector.broadcast %jit3A_208 : f32 to vector<256x2048xf32>
    %select_n3A_210 = arith.select %eq3A_207, %broadcast_in_dim3A_209, %select_n3A_194 : vector<256x2048xi1>, vector<256x2048xf32>
    %reduce_max3A_211 = arith.constant dense<0xFF800000> : vector<256xf32>
    %reduce_max3A_212 = vector.multi_reduction <maximumf>, %select_n3A_210, %reduce_max3A_211 [1] : vector<256x2048xf32> to vector<256xf32>
    %broadcast_in_dim3A_213 = vector.shape_cast %reduce_max3A_212 : vector<256xf32> to vector<256x1xf32>
    %eq3A_214 = vector.broadcast %broadcast_in_dim3A_213 : vector<256x1xf32> to vector<256x2048xf32>
    %eq3A_215 = arith.cmpf oeq, %select_n3A_210, %eq3A_214 : vector<256x2048xf32>
    %jit3A_216 = arith.constant 1073741824 : i32
    %broadcast_in_dim3A_217 = vector.broadcast %jit3A_216 : i32 to vector<256x2048xi32>
    %select_n3A_218 = arith.select %eq3A_215, %iota3A, %broadcast_in_dim3A_217 : vector<256x2048xi1>, vector<256x2048xi32>
    %reduce_min3A_219 = arith.constant dense<2147483647> : vector<256xi32>
    %reduce_min3A_220 = vector.multi_reduction <minsi>, %select_n3A_218, %reduce_min3A_219 [1] : vector<256x2048xi32> to vector<256xi32>
    %broadcast_in_dim3A_221 = vector.shape_cast %reduce_min3A_220 : vector<256xi32> to vector<256x1xi32>
    %eq3A_222 = vector.broadcast %broadcast_in_dim3A_221 : vector<256x1xi32> to vector<256x2048xi32>
    %eq3A_223 = arith.cmpi eq, %iota3A, %eq3A_222 : vector<256x2048xi32>
    %jit3A_224 = arith.constant -3.000000e+38 : f32
    %broadcast_in_dim3A_225 = vector.broadcast %jit3A_224 : f32 to vector<256x2048xf32>
    %select_n3A_226 = arith.select %eq3A_223, %broadcast_in_dim3A_225, %select_n3A_210 : vector<256x2048xi1>, vector<256x2048xf32>
    %reduce_max3A_227 = arith.constant dense<0xFF800000> : vector<256xf32>
    %reduce_max3A_228 = vector.multi_reduction <maximumf>, %select_n3A_226, %reduce_max3A_227 [1] : vector<256x2048xf32> to vector<256xf32>
    %broadcast_in_dim3A_229 = vector.shape_cast %reduce_max3A_228 : vector<256xf32> to vector<256x1xf32>
    %eq3A_230 = vector.broadcast %broadcast_in_dim3A_229 : vector<256x1xf32> to vector<256x2048xf32>
    %eq3A_231 = arith.cmpf oeq, %select_n3A_226, %eq3A_230 : vector<256x2048xf32>
    %jit3A_232 = arith.constant 1073741824 : i32
    %broadcast_in_dim3A_233 = vector.broadcast %jit3A_232 : i32 to vector<256x2048xi32>
    %select_n3A_234 = arith.select %eq3A_231, %iota3A, %broadcast_in_dim3A_233 : vector<256x2048xi1>, vector<256x2048xi32>
    %reduce_min3A_235 = arith.constant dense<2147483647> : vector<256xi32>
    %reduce_min3A_236 = vector.multi_reduction <minsi>, %select_n3A_234, %reduce_min3A_235 [1] : vector<256x2048xi32> to vector<256xi32>
    %broadcast_in_dim3A_237 = vector.shape_cast %reduce_min3A_236 : vector<256xi32> to vector<256x1xi32>
    %eq3A_238 = vector.broadcast %broadcast_in_dim3A_237 : vector<256x1xi32> to vector<256x2048xi32>
    %eq3A_239 = arith.cmpi eq, %iota3A, %eq3A_238 : vector<256x2048xi32>
    %jit3A_240 = arith.constant -3.000000e+38 : f32
    %broadcast_in_dim3A_241 = vector.broadcast %jit3A_240 : f32 to vector<256x2048xf32>
    %select_n3A_242 = arith.select %eq3A_239, %broadcast_in_dim3A_241, %select_n3A_226 : vector<256x2048xi1>, vector<256x2048xf32>
    %reduce_max3A_243 = arith.constant dense<0xFF800000> : vector<256xf32>
    %reduce_max3A_244 = vector.multi_reduction <maximumf>, %select_n3A_242, %reduce_max3A_243 [1] : vector<256x2048xf32> to vector<256xf32>
    %broadcast_in_dim3A_245 = vector.shape_cast %reduce_max3A_244 : vector<256xf32> to vector<256x1xf32>
    %eq3A_246 = vector.broadcast %broadcast_in_dim3A_245 : vector<256x1xf32> to vector<256x2048xf32>
    %eq3A_247 = arith.cmpf oeq, %select_n3A_242, %eq3A_246 : vector<256x2048xf32>
    %jit3A_248 = arith.constant 1073741824 : i32
    %broadcast_in_dim3A_249 = vector.broadcast %jit3A_248 : i32 to vector<256x2048xi32>
    %select_n3A_250 = arith.select %eq3A_247, %iota3A, %broadcast_in_dim3A_249 : vector<256x2048xi1>, vector<256x2048xi32>
    %reduce_min3A_251 = arith.constant dense<2147483647> : vector<256xi32>
    %reduce_min3A_252 = vector.multi_reduction <minsi>, %select_n3A_250, %reduce_min3A_251 [1] : vector<256x2048xi32> to vector<256xi32>
    %broadcast_in_dim3A_253 = vector.shape_cast %reduce_min3A_252 : vector<256xi32> to vector<256x1xi32>
    %eq3A_254 = vector.broadcast %broadcast_in_dim3A_253 : vector<256x1xi32> to vector<256x2048xi32>
    %eq3A_255 = arith.cmpi eq, %iota3A, %eq3A_254 : vector<256x2048xi32>
    %jit3A_256 = arith.constant -3.000000e+38 : f32
    %broadcast_in_dim3A_257 = vector.broadcast %jit3A_256 : f32 to vector<256x2048xf32>
    %select_n3A_258 = arith.select %eq3A_255, %broadcast_in_dim3A_257, %select_n3A_242 : vector<256x2048xi1>, vector<256x2048xf32>
    %reduce_max3A_259 = arith.constant dense<0xFF800000> : vector<256xf32>
    %reduce_max3A_260 = vector.multi_reduction <maximumf>, %select_n3A_258, %reduce_max3A_259 [1] : vector<256x2048xf32> to vector<256xf32>
    %broadcast_in_dim3A_261 = vector.shape_cast %reduce_max3A_260 : vector<256xf32> to vector<256x1xf32>
    %eq3A_262 = vector.broadcast %broadcast_in_dim3A_261 : vector<256x1xf32> to vector<256x2048xf32>
    %eq3A_263 = arith.cmpf oeq, %select_n3A_258, %eq3A_262 : vector<256x2048xf32>
    %jit3A_264 = arith.constant 1073741824 : i32
    %broadcast_in_dim3A_265 = vector.broadcast %jit3A_264 : i32 to vector<256x2048xi32>
    %select_n3A_266 = arith.select %eq3A_263, %iota3A, %broadcast_in_dim3A_265 : vector<256x2048xi1>, vector<256x2048xi32>
    %reduce_min3A_267 = arith.constant dense<2147483647> : vector<256xi32>
    %reduce_min3A_268 = vector.multi_reduction <minsi>, %select_n3A_266, %reduce_min3A_267 [1] : vector<256x2048xi32> to vector<256xi32>
    %broadcast_in_dim3A_269 = vector.shape_cast %reduce_min3A_268 : vector<256xi32> to vector<256x1xi32>
    %eq3A_270 = vector.broadcast %broadcast_in_dim3A_269 : vector<256x1xi32> to vector<256x2048xi32>
    %eq3A_271 = arith.cmpi eq, %iota3A, %eq3A_270 : vector<256x2048xi32>
    %jit3A_272 = arith.constant -3.000000e+38 : f32
    %broadcast_in_dim3A_273 = vector.broadcast %jit3A_272 : f32 to vector<256x2048xf32>
    %select_n3A_274 = arith.select %eq3A_271, %broadcast_in_dim3A_273, %select_n3A_258 : vector<256x2048xi1>, vector<256x2048xf32>
    %reduce_max3A_275 = arith.constant dense<0xFF800000> : vector<256xf32>
    %reduce_max3A_276 = vector.multi_reduction <maximumf>, %select_n3A_274, %reduce_max3A_275 [1] : vector<256x2048xf32> to vector<256xf32>
    %broadcast_in_dim3A_277 = vector.shape_cast %reduce_max3A_276 : vector<256xf32> to vector<256x1xf32>
    %eq3A_278 = vector.broadcast %broadcast_in_dim3A_277 : vector<256x1xf32> to vector<256x2048xf32>
    %eq3A_279 = arith.cmpf oeq, %select_n3A_274, %eq3A_278 : vector<256x2048xf32>
    %jit3A_280 = arith.constant 1073741824 : i32
    %broadcast_in_dim3A_281 = vector.broadcast %jit3A_280 : i32 to vector<256x2048xi32>
    %select_n3A_282 = arith.select %eq3A_279, %iota3A, %broadcast_in_dim3A_281 : vector<256x2048xi1>, vector<256x2048xi32>
    %reduce_min3A_283 = arith.constant dense<2147483647> : vector<256xi32>
    %reduce_min3A_284 = vector.multi_reduction <minsi>, %select_n3A_282, %reduce_min3A_283 [1] : vector<256x2048xi32> to vector<256xi32>
    %broadcast_in_dim3A_285 = vector.shape_cast %reduce_min3A_284 : vector<256xi32> to vector<256x1xi32>
    %eq3A_286 = vector.broadcast %broadcast_in_dim3A_285 : vector<256x1xi32> to vector<256x2048xi32>
    %eq3A_287 = arith.cmpi eq, %iota3A, %eq3A_286 : vector<256x2048xi32>
    %jit3A_288 = arith.constant -3.000000e+38 : f32
    %broadcast_in_dim3A_289 = vector.broadcast %jit3A_288 : f32 to vector<256x2048xf32>
    %select_n3A_290 = arith.select %eq3A_287, %broadcast_in_dim3A_289, %select_n3A_274 : vector<256x2048xi1>, vector<256x2048xf32>
    %reduce_max3A_291 = arith.constant dense<0xFF800000> : vector<256xf32>
    %reduce_max3A_292 = vector.multi_reduction <maximumf>, %select_n3A_290, %reduce_max3A_291 [1] : vector<256x2048xf32> to vector<256xf32>
    %broadcast_in_dim3A_293 = vector.shape_cast %reduce_max3A_292 : vector<256xf32> to vector<256x1xf32>
    %eq3A_294 = vector.broadcast %broadcast_in_dim3A_293 : vector<256x1xf32> to vector<256x2048xf32>
    %eq3A_295 = arith.cmpf oeq, %select_n3A_290, %eq3A_294 : vector<256x2048xf32>
    %jit3A_296 = arith.constant 1073741824 : i32
    %broadcast_in_dim3A_297 = vector.broadcast %jit3A_296 : i32 to vector<256x2048xi32>
    %select_n3A_298 = arith.select %eq3A_295, %iota3A, %broadcast_in_dim3A_297 : vector<256x2048xi1>, vector<256x2048xi32>
    %reduce_min3A_299 = arith.constant dense<2147483647> : vector<256xi32>
    %reduce_min3A_300 = vector.multi_reduction <minsi>, %select_n3A_298, %reduce_min3A_299 [1] : vector<256x2048xi32> to vector<256xi32>
    %broadcast_in_dim3A_301 = vector.shape_cast %reduce_min3A_300 : vector<256xi32> to vector<256x1xi32>
    %eq3A_302 = vector.broadcast %broadcast_in_dim3A_301 : vector<256x1xi32> to vector<256x2048xi32>
    %eq3A_303 = arith.cmpi eq, %iota3A, %eq3A_302 : vector<256x2048xi32>
    %jit3A_304 = arith.constant -3.000000e+38 : f32
    %broadcast_in_dim3A_305 = vector.broadcast %jit3A_304 : f32 to vector<256x2048xf32>
    %select_n3A_306 = arith.select %eq3A_303, %broadcast_in_dim3A_305, %select_n3A_290 : vector<256x2048xi1>, vector<256x2048xf32>
    %reduce_max3A_307 = arith.constant dense<0xFF800000> : vector<256xf32>
    %reduce_max3A_308 = vector.multi_reduction <maximumf>, %select_n3A_306, %reduce_max3A_307 [1] : vector<256x2048xf32> to vector<256xf32>
    %broadcast_in_dim3A_309 = vector.shape_cast %reduce_max3A_308 : vector<256xf32> to vector<256x1xf32>
    %eq3A_310 = vector.broadcast %broadcast_in_dim3A_309 : vector<256x1xf32> to vector<256x2048xf32>
    %eq3A_311 = arith.cmpf oeq, %select_n3A_306, %eq3A_310 : vector<256x2048xf32>
    %jit3A_312 = arith.constant 1073741824 : i32
    %broadcast_in_dim3A_313 = vector.broadcast %jit3A_312 : i32 to vector<256x2048xi32>
    %select_n3A_314 = arith.select %eq3A_311, %iota3A, %broadcast_in_dim3A_313 : vector<256x2048xi1>, vector<256x2048xi32>
    %reduce_min3A_315 = arith.constant dense<2147483647> : vector<256xi32>
    %reduce_min3A_316 = vector.multi_reduction <minsi>, %select_n3A_314, %reduce_min3A_315 [1] : vector<256x2048xi32> to vector<256xi32>
    %broadcast_in_dim3A_317 = vector.shape_cast %reduce_min3A_316 : vector<256xi32> to vector<256x1xi32>
    %eq3A_318 = vector.broadcast %broadcast_in_dim3A_317 : vector<256x1xi32> to vector<256x2048xi32>
    %eq3A_319 = arith.cmpi eq, %iota3A, %eq3A_318 : vector<256x2048xi32>
    %jit3A_320 = arith.constant -3.000000e+38 : f32
    %broadcast_in_dim3A_321 = vector.broadcast %jit3A_320 : f32 to vector<256x2048xf32>
    %select_n3A_322 = arith.select %eq3A_319, %broadcast_in_dim3A_321, %select_n3A_306 : vector<256x2048xi1>, vector<256x2048xf32>
    %reduce_max3A_323 = arith.constant dense<0xFF800000> : vector<256xf32>
    %reduce_max3A_324 = vector.multi_reduction <maximumf>, %select_n3A_322, %reduce_max3A_323 [1] : vector<256x2048xf32> to vector<256xf32>
    %broadcast_in_dim3A_325 = vector.shape_cast %reduce_max3A_324 : vector<256xf32> to vector<256x1xf32>
    %eq3A_326 = vector.broadcast %broadcast_in_dim3A_325 : vector<256x1xf32> to vector<256x2048xf32>
    %eq3A_327 = arith.cmpf oeq, %select_n3A_322, %eq3A_326 : vector<256x2048xf32>
    %jit3A_328 = arith.constant 1073741824 : i32
    %broadcast_in_dim3A_329 = vector.broadcast %jit3A_328 : i32 to vector<256x2048xi32>
    %select_n3A_330 = arith.select %eq3A_327, %iota3A, %broadcast_in_dim3A_329 : vector<256x2048xi1>, vector<256x2048xi32>
    %reduce_min3A_331 = arith.constant dense<2147483647> : vector<256xi32>
    %reduce_min3A_332 = vector.multi_reduction <minsi>, %select_n3A_330, %reduce_min3A_331 [1] : vector<256x2048xi32> to vector<256xi32>
    %broadcast_in_dim3A_333 = vector.shape_cast %reduce_min3A_332 : vector<256xi32> to vector<256x1xi32>
    %concatenate3A = tpu.concatenate %broadcast_in_dim3A_29, %broadcast_in_dim3A_45, %broadcast_in_dim3A_61, %broadcast_in_dim3A_77, %broadcast_in_dim3A_93, %broadcast_in_dim3A_109, %broadcast_in_dim3A_125, %broadcast_in_dim3A_141, %broadcast_in_dim3A_157, %broadcast_in_dim3A_173, %broadcast_in_dim3A_189, %broadcast_in_dim3A_205, %broadcast_in_dim3A_221, %broadcast_in_dim3A_237, %broadcast_in_dim3A_253, %broadcast_in_dim3A_269, %broadcast_in_dim3A_285, %broadcast_in_dim3A_301, %broadcast_in_dim3A_317, %broadcast_in_dim3A_333 in 1 : vector<256x1xi32>, vector<256x1xi32>, vector<256x1xi32>, vector<256x1xi32>, vector<256x1xi32>, vector<256x1xi32>, vector<256x1xi32>, vector<256x1xi32>, vector<256x1xi32>, vector<256x1xi32>, vector<256x1xi32>, vector<256x1xi32>, vector<256x1xi32>, vector<256x1xi32>, vector<256x1xi32>, vector<256x1xi32>, vector<256x1xi32>, vector<256x1xi32>, vector<256x1xi32>, vector<256x1xi32> -> vector<256x20xi32>
    %mul3A_334 = arith.constant 2048 : i32
    %mul3A_335 = arith.muli %arg0, %mul3A_334 : i32
    %add3A = vector.broadcast %mul3A_335 : i32 to vector<256x20xi32>
    %add3A_336 = arith.addi %concatenate3A, %add3A : vector<256x20xi32>
    %swap3A = arith.constant 0 : index
    %swap3A_337 = arith.constant 0 : index
    %swap3A_338 = arith.constant 0 : index
    %swap3A_339 = vector.load %arg6[%swap3A, %swap3A_337, %swap3A_338] : memref<1x256x20xi32, #tpu.memory_space<vmem>>, vector<1x256x20xi32>
    %swap3A_340 = vector.shape_cast %swap3A_339 : vector<1x256x20xi32> to vector<256x20xi32>
    %swap3A_341 = vector.shape_cast %add3A_336 : vector<256x20xi32> to vector<1x256x20xi32>
    tpu.vector_store %arg6[%swap3A, %swap3A_337, %swap3A_338], %swap3A_341 {strides = array<i32>} : memref<1x256x20xi32, #tpu.memory_space<vmem>>, vector<1x256x20xi32>,
    return
  }
  func.func @transform_0(%arg0: i32, %arg1: i32) -> (i32, i32, i32) {
    %c0_i32 = arith.constant 0 : i32
    %c0_i32_0 = arith.constant 0 : i32
    %c0_i32_1 = arith.constant 0 : i32
    return %arg0, %c0_i32, %c0_i32_0 : i32, i32, i32
  }
  func.func @transform_1(%arg0: i32, %arg1: i32) -> (i32, i32, i32) {
    %c0_i32 = arith.constant 0 : i32
    %c0_i32_0 = arith.constant 0 : i32
    return %arg0, %arg1, %c0_i32 : i32, i32, i32
  }
  func.func @transform_2(%arg0: i32, %arg1: i32) -> (i32, i32, i32) {
    %c0_i32 = arith.constant 0 : i32
    %c0_i32_0 = arith.constant 0 : i32
    %c0_i32_1 = arith.constant 0 : i32
    return %arg0, %c0_i32, %c0_i32_0 : i32, i32, i32
  }
  func.func @transform_3(%arg0: i32, %arg1: i32) -> (i32, i32, i32) {
    %c0_i32 = arith.constant 0 : i32
    %c0_i32_0 = arith.constant 0 : i32
    return %arg0, %arg1, %c0_i32 : i32, i32, i32
  }
  func.func @transform_4(%arg0: i32, %arg1: i32) -> (i32, i32, i32) {
    %c0_i32 = arith.constant 0 : i32
    %c0_i32_0 = arith.constant 0 : i32
    return %arg0, %arg1, %c0_i32 : i32, i32, i32
  }
}

module attributes {stable_mosaic.version = 14 : i64} {
  func.func @_edge_kernel(%arg0: i32, %arg1: memref<2560x64xf32, #tpu.memory_space<vmem>>, %arg2: memref<128x64xf32, #tpu.memory_space<vmem>>, %arg3: memref<128x64xbf16, #tpu.memory_space<vmem>>, %arg4: memref<2560x64xf32, #tpu.memory_space<vmem>>, %arg5: memref<128x64xf32, #tpu.memory_space<vmem>>) attributes {dimension_semantics = [#tpu.dimension_semantics<arbitrary>], iteration_bounds = array<i64: 128>, scalar_prefetch = 0 : i64, scratch_operands = 0 : i64, tpu.core_type = #tpu.core_type<tc>, window_params = [{transform_indices = @transform_0, window_bounds = array<i64: 2560, 64>}, {transform_indices = @transform_1, window_bounds = array<i64: 128, 64>}, {pipeline_mode = #tpu.pipeline_mode<synchronous>, transform_indices = @transform_2, window_bounds = array<i64: 128, 64>}, {transform_indices = @transform_3, window_bounds = array<i64: 2560, 64>}, {transform_indices = @transform_4, window_bounds = array<i64: 128, 64>}]} {
    %get3A = arith.constant 0 : index
    %get3A_0 = arith.constant 0 : index
    %get3A_1 = vector.load %arg1[%get3A, %get3A_0] : memref<2560x64xf32, #tpu.memory_space<vmem>>, vector<2560x64xf32>
    %get3A_2 = arith.constant 0 : index
    %get3A_3 = arith.constant 0 : index
    %get3A_4 = vector.load %arg2[%get3A_2, %get3A_3] : memref<128x64xf32, #tpu.memory_space<vmem>>, vector<128x64xf32>
    %reshape3A = vector.shape_cast %get3A_1 : vector<2560x64xf32> to vector<128x20x64xf32>
    %broadcast_in_dim3A = vector.shape_cast %get3A_4 : vector<128x64xf32> to vector<128x1x64xf32>
    %broadcast_in_dim3A_5 = vector.shape_cast %broadcast_in_dim3A : vector<128x1x64xf32> to vector<128x1x64xf32>
    %broadcast_in_dim3A_6 = vector.broadcast %broadcast_in_dim3A_5 : vector<128x1x64xf32> to vector<128x20x64xf32>
    %sub3A = arith.subf %reshape3A, %broadcast_in_dim3A_6 : vector<128x20x64xf32>
    %concatenate3A = tpu.concatenate %sub3A, %broadcast_in_dim3A_6 in 2 : vector<128x20x64xf32>, vector<128x20x64xf32> -> vector<128x20x128xf32>
    %reshape3A_7 = vector.shape_cast %concatenate3A : vector<128x20x128xf32> to vector<2560x128xf32>
    %convert_element_type3A = arith.truncf %reshape3A_7 : vector<2560x128xf32> to vector<2560x128xbf16>
    %get3A_8 = arith.constant 0 : index
    %get3A_9 = arith.constant 0 : index
    %get3A_10 = vector.load %arg3[%get3A_8, %get3A_9] : memref<128x64xbf16, #tpu.memory_space<vmem>>, vector<128x64xbf16>
    %dot_general3A = arith.constant dense<0.000000e+00> : vector<2560x64xf32>
    %dot_general3A_11 = tpu.matmul %convert_element_type3A, %get3A_10, %dot_general3A {dimension_numbers = #tpu.dot_dimension_numbers<[1], [0], [0], [1], [0, 0, 1, 1], [], []>, transpose_lhs_hint = false} : vector<2560x128xbf16>, vector<128x64xbf16>, vector<2560x64xf32> -> vector<2560x64xf32>
    %swap3A = arith.constant 0 : index
    %swap3A_12 = arith.constant 0 : index
    %swap3A_13 = vector.load %arg4[%swap3A, %swap3A_12] : memref<2560x64xf32, #tpu.memory_space<vmem>>, vector<2560x64xf32>
    tpu.vector_store %arg4[%swap3A, %swap3A_12], %dot_general3A_11 {strides = array<i32>} : memref<2560x64xf32, #tpu.memory_space<vmem>>, vector<2560x64xf32>,
    %reshape3A_14 = vector.shape_cast %dot_general3A_11 : vector<2560x64xf32> to vector<128x20x64xf32>
    %reduce_max3A = arith.constant dense<0xFF800000> : vector<128x64xf32>
    %reduce_max3A_15 = vector.multi_reduction <maximumf>, %reshape3A_14, %reduce_max3A [1] : vector<128x20x64xf32> to vector<128x64xf32>
    %swap3A_16 = arith.constant 0 : index
    %swap3A_17 = arith.constant 0 : index
    %swap3A_18 = vector.load %arg5[%swap3A_16, %swap3A_17] : memref<128x64xf32, #tpu.memory_space<vmem>>, vector<128x64xf32>
    tpu.vector_store %arg5[%swap3A_16, %swap3A_17], %reduce_max3A_15 {strides = array<i32>} : memref<128x64xf32, #tpu.memory_space<vmem>>, vector<128x64xf32>,
    return
  }
  func.func @transform_0(%arg0: i32) -> (i32, i32) {
    %c0_i32 = arith.constant 0 : i32
    %c0_i32_0 = arith.constant 0 : i32
    return %arg0, %c0_i32 : i32, i32
  }
  func.func @transform_1(%arg0: i32) -> (i32, i32) {
    %c0_i32 = arith.constant 0 : i32
    %c0_i32_0 = arith.constant 0 : i32
    return %arg0, %c0_i32 : i32, i32
  }
  func.func @transform_2(%arg0: i32) -> (i32, i32) {
    %c0_i32 = arith.constant 0 : i32
    %c0_i32_0 = arith.constant 0 : i32
    %c0_i32_1 = arith.constant 0 : i32
    return %c0_i32, %c0_i32_0 : i32, i32
  }
  func.func @transform_3(%arg0: i32) -> (i32, i32) {
    %c0_i32 = arith.constant 0 : i32
    %c0_i32_0 = arith.constant 0 : i32
    return %arg0, %c0_i32 : i32, i32
  }
  func.func @transform_4(%arg0: i32) -> (i32, i32) {
    %c0_i32 = arith.constant 0 : i32
    %c0_i32_0 = arith.constant 0 : i32
    return %arg0, %c0_i32 : i32, i32
  }
}

module attributes {stable_mosaic.version = 14 : i64} {
  func.func @_edge_kernel(%arg0: i32, %arg1: memref<2560x64xf32, #tpu.memory_space<vmem>>, %arg2: memref<128x64xf32, #tpu.memory_space<vmem>>, %arg3: memref<128x128xbf16, #tpu.memory_space<vmem>>, %arg4: memref<2560x128xf32, #tpu.memory_space<vmem>>, %arg5: memref<128x128xf32, #tpu.memory_space<vmem>>) attributes {dimension_semantics = [#tpu.dimension_semantics<arbitrary>], iteration_bounds = array<i64: 128>, scalar_prefetch = 0 : i64, scratch_operands = 0 : i64, tpu.core_type = #tpu.core_type<tc>, window_params = [{transform_indices = @transform_0, window_bounds = array<i64: 2560, 64>}, {transform_indices = @transform_1, window_bounds = array<i64: 128, 64>}, {pipeline_mode = #tpu.pipeline_mode<synchronous>, transform_indices = @transform_2, window_bounds = array<i64: 128, 128>}, {transform_indices = @transform_3, window_bounds = array<i64: 2560, 128>}, {transform_indices = @transform_4, window_bounds = array<i64: 128, 128>}]} {
    %get3A = arith.constant 0 : index
    %get3A_0 = arith.constant 0 : index
    %get3A_1 = vector.load %arg1[%get3A, %get3A_0] : memref<2560x64xf32, #tpu.memory_space<vmem>>, vector<2560x64xf32>
    %get3A_2 = arith.constant 0 : index
    %get3A_3 = arith.constant 0 : index
    %get3A_4 = vector.load %arg2[%get3A_2, %get3A_3] : memref<128x64xf32, #tpu.memory_space<vmem>>, vector<128x64xf32>
    %reshape3A = vector.shape_cast %get3A_1 : vector<2560x64xf32> to vector<128x20x64xf32>
    %broadcast_in_dim3A = vector.shape_cast %get3A_4 : vector<128x64xf32> to vector<128x1x64xf32>
    %broadcast_in_dim3A_5 = vector.shape_cast %broadcast_in_dim3A : vector<128x1x64xf32> to vector<128x1x64xf32>
    %broadcast_in_dim3A_6 = vector.broadcast %broadcast_in_dim3A_5 : vector<128x1x64xf32> to vector<128x20x64xf32>
    %sub3A = arith.subf %reshape3A, %broadcast_in_dim3A_6 : vector<128x20x64xf32>
    %concatenate3A = tpu.concatenate %sub3A, %broadcast_in_dim3A_6 in 2 : vector<128x20x64xf32>, vector<128x20x64xf32> -> vector<128x20x128xf32>
    %reshape3A_7 = vector.shape_cast %concatenate3A : vector<128x20x128xf32> to vector<2560x128xf32>
    %convert_element_type3A = arith.truncf %reshape3A_7 : vector<2560x128xf32> to vector<2560x128xbf16>
    %get3A_8 = arith.constant 0 : index
    %get3A_9 = arith.constant 0 : index
    %get3A_10 = vector.load %arg3[%get3A_8, %get3A_9] : memref<128x128xbf16, #tpu.memory_space<vmem>>, vector<128x128xbf16>
    %dot_general3A = arith.constant dense<0.000000e+00> : vector<2560x128xf32>
    %dot_general3A_11 = tpu.matmul %convert_element_type3A, %get3A_10, %dot_general3A {dimension_numbers = #tpu.dot_dimension_numbers<[1], [0], [0], [1], [0, 0, 1, 1], [], []>, transpose_lhs_hint = false} : vector<2560x128xbf16>, vector<128x128xbf16>, vector<2560x128xf32> -> vector<2560x128xf32>
    %swap3A = arith.constant 0 : index
    %swap3A_12 = arith.constant 0 : index
    %swap3A_13 = vector.load %arg4[%swap3A, %swap3A_12] : memref<2560x128xf32, #tpu.memory_space<vmem>>, vector<2560x128xf32>
    tpu.vector_store %arg4[%swap3A, %swap3A_12], %dot_general3A_11 {strides = array<i32>} : memref<2560x128xf32, #tpu.memory_space<vmem>>, vector<2560x128xf32>,
    %reshape3A_14 = vector.shape_cast %dot_general3A_11 : vector<2560x128xf32> to vector<128x20x128xf32>
    %reduce_max3A = arith.constant dense<0xFF800000> : vector<128x128xf32>
    %reduce_max3A_15 = vector.multi_reduction <maximumf>, %reshape3A_14, %reduce_max3A [1] : vector<128x20x128xf32> to vector<128x128xf32>
    %swap3A_16 = arith.constant 0 : index
    %swap3A_17 = arith.constant 0 : index
    %swap3A_18 = vector.load %arg5[%swap3A_16, %swap3A_17] : memref<128x128xf32, #tpu.memory_space<vmem>>, vector<128x128xf32>
    tpu.vector_store %arg5[%swap3A_16, %swap3A_17], %reduce_max3A_15 {strides = array<i32>} : memref<128x128xf32, #tpu.memory_space<vmem>>, vector<128x128xf32>,
    return
  }
  func.func @transform_0(%arg0: i32) -> (i32, i32) {
    %c0_i32 = arith.constant 0 : i32
    %c0_i32_0 = arith.constant 0 : i32
    return %arg0, %c0_i32 : i32, i32
  }
  func.func @transform_1(%arg0: i32) -> (i32, i32) {
    %c0_i32 = arith.constant 0 : i32
    %c0_i32_0 = arith.constant 0 : i32
    return %arg0, %c0_i32 : i32, i32
  }
  func.func @transform_2(%arg0: i32) -> (i32, i32) {
    %c0_i32 = arith.constant 0 : i32
    %c0_i32_0 = arith.constant 0 : i32
    %c0_i32_1 = arith.constant 0 : i32
    return %c0_i32, %c0_i32_0 : i32, i32
  }
  func.func @transform_3(%arg0: i32) -> (i32, i32) {
    %c0_i32 = arith.constant 0 : i32
    %c0_i32_0 = arith.constant 0 : i32
    return %arg0, %c0_i32 : i32, i32
  }
  func.func @transform_4(%arg0: i32) -> (i32, i32) {
    %c0_i32 = arith.constant 0 : i32
    %c0_i32_0 = arith.constant 0 : i32
    return %arg0, %c0_i32 : i32, i32
  }
}

module attributes {stable_mosaic.version = 14 : i64} {
  func.func @_topk_kernel(%arg0: i32, %arg1: i32, %arg2: memref<1x2048x128xf32, #tpu.memory_space<vmem>>, %arg3: memref<1x256x128xf32, #tpu.memory_space<vmem>>, %arg4: memref<1x1x2048xf32, #tpu.memory_space<vmem>>, %arg5: memref<1x256x1xf32, #tpu.memory_space<vmem>>, %arg6: memref<1x256x20xi32, #tpu.memory_space<vmem>>) attributes {dimension_semantics = [#tpu.dimension_semantics<arbitrary>, #tpu.dimension_semantics<arbitrary>], iteration_bounds = array<i64: 8, 8>, scalar_prefetch = 0 : i64, scratch_operands = 0 : i64, tpu.core_type = #tpu.core_type<tc>, window_params = [{transform_indices = @transform_0, window_bounds = array<i64: 1, 2048, 128>}, {transform_indices = @transform_1, window_bounds = array<i64: 1, 256, 128>}, {transform_indices = @transform_2, window_bounds = array<i64: 1, 1, 2048>}, {transform_indices = @transform_3, window_bounds = array<i64: 1, 256, 1>}, {transform_indices = @transform_4, window_bounds = array<i64: 1, 256, 20>}]} {
    %get3A = arith.constant 0 : index
    %get3A_0 = arith.constant 0 : index
    %get3A_1 = arith.constant 0 : index
    %get3A_2 = vector.load %arg2[%get3A, %get3A_0, %get3A_1] : memref<1x2048x128xf32, #tpu.memory_space<vmem>>, vector<1x2048x128xf32>
    %get3A_3 = vector.shape_cast %get3A_2 : vector<1x2048x128xf32> to vector<2048x128xf32>
    %get3A_4 = arith.constant 0 : index
    %get3A_5 = arith.constant 0 : index
    %get3A_6 = arith.constant 0 : index
    %get3A_7 = vector.load %arg3[%get3A_4, %get3A_5, %get3A_6] : memref<1x256x128xf32, #tpu.memory_space<vmem>>, vector<1x256x128xf32>
    %get3A_8 = vector.shape_cast %get3A_7 : vector<1x256x128xf32> to vector<256x128xf32>
    %dot_general3A = arith.constant dense<0.000000e+00> : vector<256x2048xf32>
    %dot_general3A_9 = tpu.matmul %get3A_8, %get3A_3, %dot_general3A {dimension_numbers = #tpu.dot_dimension_numbers<[1], [1], [0], [0], [0, 0, 1, 0], [], []>, transpose_lhs_hint = false} : vector<256x128xf32>, vector<2048x128xf32>, vector<256x2048xf32> -> vector<256x2048xf32>
    %mul3A = arith.constant 2.000000e+00 : f32
    %mul3A_10 = vector.broadcast %mul3A : f32 to vector<256x2048xf32>
    %mul3A_11 = arith.mulf %mul3A_10, %dot_general3A_9 : vector<256x2048xf32>
    %get3A_12 = arith.constant 0 : index
    %get3A_13 = arith.constant 0 : index
    %get3A_14 = arith.constant 0 : index
    %get3A_15 = vector.load %arg5[%get3A_12, %get3A_13, %get3A_14] : memref<1x256x1xf32, #tpu.memory_space<vmem>>, vector<1x256x1xf32>
    %get3A_16 = vector.shape_cast %get3A_15 : vector<1x256x1xf32> to vector<256x1xf32>
    %sub3A = vector.broadcast %get3A_16 : vector<256x1xf32> to vector<256x2048xf32>
    %sub3A_17 = arith.subf %mul3A_11, %sub3A : vector<256x2048xf32>
    %get3A_18 = arith.constant 0 : index
    %get3A_19 = arith.constant 0 : index
    %get3A_20 = arith.constant 0 : index
    %get3A_21 = vector.load %arg4[%get3A_18, %get3A_19, %get3A_20] : memref<1x1x2048xf32, #tpu.memory_space<vmem>>, vector<1x1x2048xf32>
    %get3A_22 = vector.shape_cast %get3A_21 : vector<1x1x2048xf32> to vector<1x2048xf32>
    %sub3A_23 = vector.broadcast %get3A_22 : vector<1x2048xf32> to vector<256x2048xf32>
    %sub3A_24 = arith.subf %sub3A_17, %sub3A_23 : vector<256x2048xf32>
    %iota3A = tpu.iota {dimensions = array<i32: 1>} : vector<256x2048xi32>
    %reduce_max3A = arith.constant dense<0xFF800000> : vector<256xf32>
    %reduce_max3A_25 = vector.multi_reduction <maximumf>, %sub3A_24, %reduce_max3A [1] : vector<256x2048xf32> to vector<256xf32>
    %broadcast_in_dim3A = vector.shape_cast %reduce_max3A_25 : vector<256xf32> to vector<256x1xf32>
    %eq3A = vector.broadcast %broadcast_in_dim3A : vector<256x1xf32> to vector<256x2048xf32>
    %eq3A_26 = arith.cmpf oeq, %sub3A_24, %eq3A : vector<256x2048xf32>
    %jit3A = arith.constant 1073741824 : i32
    %broadcast_in_dim3A_27 = vector.broadcast %jit3A : i32 to vector<256x2048xi32>
    %select_n3A = arith.select %eq3A_26, %iota3A, %broadcast_in_dim3A_27 : vector<256x2048xi1>, vector<256x2048xi32>
    %reduce_min3A = arith.constant dense<2147483647> : vector<256xi32>
    %reduce_min3A_28 = vector.multi_reduction <minsi>, %select_n3A, %reduce_min3A [1] : vector<256x2048xi32> to vector<256xi32>
    %broadcast_in_dim3A_29 = vector.shape_cast %reduce_min3A_28 : vector<256xi32> to vector<256x1xi32>
    %eq3A_30 = vector.broadcast %broadcast_in_dim3A_29 : vector<256x1xi32> to vector<256x2048xi32>
    %eq3A_31 = arith.cmpi eq, %iota3A, %eq3A_30 : vector<256x2048xi32>
    %jit3A_32 = arith.constant -3.000000e+38 : f32
    %broadcast_in_dim3A_33 = vector.broadcast %jit3A_32 : f32 to vector<256x2048xf32>
    %select_n3A_34 = arith.select %eq3A_31, %broadcast_in_dim3A_33, %sub3A_24 : vector<256x2048xi1>, vector<256x2048xf32>
    %reduce_max3A_35 = arith.constant dense<0xFF800000> : vector<256xf32>
    %reduce_max3A_36 = vector.multi_reduction <maximumf>, %select_n3A_34, %reduce_max3A_35 [1] : vector<256x2048xf32> to vector<256xf32>
    %broadcast_in_dim3A_37 = vector.shape_cast %reduce_max3A_36 : vector<256xf32> to vector<256x1xf32>
    %eq3A_38 = vector.broadcast %broadcast_in_dim3A_37 : vector<256x1xf32> to vector<256x2048xf32>
    %eq3A_39 = arith.cmpf oeq, %select_n3A_34, %eq3A_38 : vector<256x2048xf32>
    %jit3A_40 = arith.constant 1073741824 : i32
    %broadcast_in_dim3A_41 = vector.broadcast %jit3A_40 : i32 to vector<256x2048xi32>
    %select_n3A_42 = arith.select %eq3A_39, %iota3A, %broadcast_in_dim3A_41 : vector<256x2048xi1>, vector<256x2048xi32>
    %reduce_min3A_43 = arith.constant dense<2147483647> : vector<256xi32>
    %reduce_min3A_44 = vector.multi_reduction <minsi>, %select_n3A_42, %reduce_min3A_43 [1] : vector<256x2048xi32> to vector<256xi32>
    %broadcast_in_dim3A_45 = vector.shape_cast %reduce_min3A_44 : vector<256xi32> to vector<256x1xi32>
    %eq3A_46 = vector.broadcast %broadcast_in_dim3A_45 : vector<256x1xi32> to vector<256x2048xi32>
    %eq3A_47 = arith.cmpi eq, %iota3A, %eq3A_46 : vector<256x2048xi32>
    %jit3A_48 = arith.constant -3.000000e+38 : f32
    %broadcast_in_dim3A_49 = vector.broadcast %jit3A_48 : f32 to vector<256x2048xf32>
    %select_n3A_50 = arith.select %eq3A_47, %broadcast_in_dim3A_49, %select_n3A_34 : vector<256x2048xi1>, vector<256x2048xf32>
    %reduce_max3A_51 = arith.constant dense<0xFF800000> : vector<256xf32>
    %reduce_max3A_52 = vector.multi_reduction <maximumf>, %select_n3A_50, %reduce_max3A_51 [1] : vector<256x2048xf32> to vector<256xf32>
    %broadcast_in_dim3A_53 = vector.shape_cast %reduce_max3A_52 : vector<256xf32> to vector<256x1xf32>
    %eq3A_54 = vector.broadcast %broadcast_in_dim3A_53 : vector<256x1xf32> to vector<256x2048xf32>
    %eq3A_55 = arith.cmpf oeq, %select_n3A_50, %eq3A_54 : vector<256x2048xf32>
    %jit3A_56 = arith.constant 1073741824 : i32
    %broadcast_in_dim3A_57 = vector.broadcast %jit3A_56 : i32 to vector<256x2048xi32>
    %select_n3A_58 = arith.select %eq3A_55, %iota3A, %broadcast_in_dim3A_57 : vector<256x2048xi1>, vector<256x2048xi32>
    %reduce_min3A_59 = arith.constant dense<2147483647> : vector<256xi32>
    %reduce_min3A_60 = vector.multi_reduction <minsi>, %select_n3A_58, %reduce_min3A_59 [1] : vector<256x2048xi32> to vector<256xi32>
    %broadcast_in_dim3A_61 = vector.shape_cast %reduce_min3A_60 : vector<256xi32> to vector<256x1xi32>
    %eq3A_62 = vector.broadcast %broadcast_in_dim3A_61 : vector<256x1xi32> to vector<256x2048xi32>
    %eq3A_63 = arith.cmpi eq, %iota3A, %eq3A_62 : vector<256x2048xi32>
    %jit3A_64 = arith.constant -3.000000e+38 : f32
    %broadcast_in_dim3A_65 = vector.broadcast %jit3A_64 : f32 to vector<256x2048xf32>
    %select_n3A_66 = arith.select %eq3A_63, %broadcast_in_dim3A_65, %select_n3A_50 : vector<256x2048xi1>, vector<256x2048xf32>
    %reduce_max3A_67 = arith.constant dense<0xFF800000> : vector<256xf32>
    %reduce_max3A_68 = vector.multi_reduction <maximumf>, %select_n3A_66, %reduce_max3A_67 [1] : vector<256x2048xf32> to vector<256xf32>
    %broadcast_in_dim3A_69 = vector.shape_cast %reduce_max3A_68 : vector<256xf32> to vector<256x1xf32>
    %eq3A_70 = vector.broadcast %broadcast_in_dim3A_69 : vector<256x1xf32> to vector<256x2048xf32>
    %eq3A_71 = arith.cmpf oeq, %select_n3A_66, %eq3A_70 : vector<256x2048xf32>
    %jit3A_72 = arith.constant 1073741824 : i32
    %broadcast_in_dim3A_73 = vector.broadcast %jit3A_72 : i32 to vector<256x2048xi32>
    %select_n3A_74 = arith.select %eq3A_71, %iota3A, %broadcast_in_dim3A_73 : vector<256x2048xi1>, vector<256x2048xi32>
    %reduce_min3A_75 = arith.constant dense<2147483647> : vector<256xi32>
    %reduce_min3A_76 = vector.multi_reduction <minsi>, %select_n3A_74, %reduce_min3A_75 [1] : vector<256x2048xi32> to vector<256xi32>
    %broadcast_in_dim3A_77 = vector.shape_cast %reduce_min3A_76 : vector<256xi32> to vector<256x1xi32>
    %eq3A_78 = vector.broadcast %broadcast_in_dim3A_77 : vector<256x1xi32> to vector<256x2048xi32>
    %eq3A_79 = arith.cmpi eq, %iota3A, %eq3A_78 : vector<256x2048xi32>
    %jit3A_80 = arith.constant -3.000000e+38 : f32
    %broadcast_in_dim3A_81 = vector.broadcast %jit3A_80 : f32 to vector<256x2048xf32>
    %select_n3A_82 = arith.select %eq3A_79, %broadcast_in_dim3A_81, %select_n3A_66 : vector<256x2048xi1>, vector<256x2048xf32>
    %reduce_max3A_83 = arith.constant dense<0xFF800000> : vector<256xf32>
    %reduce_max3A_84 = vector.multi_reduction <maximumf>, %select_n3A_82, %reduce_max3A_83 [1] : vector<256x2048xf32> to vector<256xf32>
    %broadcast_in_dim3A_85 = vector.shape_cast %reduce_max3A_84 : vector<256xf32> to vector<256x1xf32>
    %eq3A_86 = vector.broadcast %broadcast_in_dim3A_85 : vector<256x1xf32> to vector<256x2048xf32>
    %eq3A_87 = arith.cmpf oeq, %select_n3A_82, %eq3A_86 : vector<256x2048xf32>
    %jit3A_88 = arith.constant 1073741824 : i32
    %broadcast_in_dim3A_89 = vector.broadcast %jit3A_88 : i32 to vector<256x2048xi32>
    %select_n3A_90 = arith.select %eq3A_87, %iota3A, %broadcast_in_dim3A_89 : vector<256x2048xi1>, vector<256x2048xi32>
    %reduce_min3A_91 = arith.constant dense<2147483647> : vector<256xi32>
    %reduce_min3A_92 = vector.multi_reduction <minsi>, %select_n3A_90, %reduce_min3A_91 [1] : vector<256x2048xi32> to vector<256xi32>
    %broadcast_in_dim3A_93 = vector.shape_cast %reduce_min3A_92 : vector<256xi32> to vector<256x1xi32>
    %eq3A_94 = vector.broadcast %broadcast_in_dim3A_93 : vector<256x1xi32> to vector<256x2048xi32>
    %eq3A_95 = arith.cmpi eq, %iota3A, %eq3A_94 : vector<256x2048xi32>
    %jit3A_96 = arith.constant -3.000000e+38 : f32
    %broadcast_in_dim3A_97 = vector.broadcast %jit3A_96 : f32 to vector<256x2048xf32>
    %select_n3A_98 = arith.select %eq3A_95, %broadcast_in_dim3A_97, %select_n3A_82 : vector<256x2048xi1>, vector<256x2048xf32>
    %reduce_max3A_99 = arith.constant dense<0xFF800000> : vector<256xf32>
    %reduce_max3A_100 = vector.multi_reduction <maximumf>, %select_n3A_98, %reduce_max3A_99 [1] : vector<256x2048xf32> to vector<256xf32>
    %broadcast_in_dim3A_101 = vector.shape_cast %reduce_max3A_100 : vector<256xf32> to vector<256x1xf32>
    %eq3A_102 = vector.broadcast %broadcast_in_dim3A_101 : vector<256x1xf32> to vector<256x2048xf32>
    %eq3A_103 = arith.cmpf oeq, %select_n3A_98, %eq3A_102 : vector<256x2048xf32>
    %jit3A_104 = arith.constant 1073741824 : i32
    %broadcast_in_dim3A_105 = vector.broadcast %jit3A_104 : i32 to vector<256x2048xi32>
    %select_n3A_106 = arith.select %eq3A_103, %iota3A, %broadcast_in_dim3A_105 : vector<256x2048xi1>, vector<256x2048xi32>
    %reduce_min3A_107 = arith.constant dense<2147483647> : vector<256xi32>
    %reduce_min3A_108 = vector.multi_reduction <minsi>, %select_n3A_106, %reduce_min3A_107 [1] : vector<256x2048xi32> to vector<256xi32>
    %broadcast_in_dim3A_109 = vector.shape_cast %reduce_min3A_108 : vector<256xi32> to vector<256x1xi32>
    %eq3A_110 = vector.broadcast %broadcast_in_dim3A_109 : vector<256x1xi32> to vector<256x2048xi32>
    %eq3A_111 = arith.cmpi eq, %iota3A, %eq3A_110 : vector<256x2048xi32>
    %jit3A_112 = arith.constant -3.000000e+38 : f32
    %broadcast_in_dim3A_113 = vector.broadcast %jit3A_112 : f32 to vector<256x2048xf32>
    %select_n3A_114 = arith.select %eq3A_111, %broadcast_in_dim3A_113, %select_n3A_98 : vector<256x2048xi1>, vector<256x2048xf32>
    %reduce_max3A_115 = arith.constant dense<0xFF800000> : vector<256xf32>
    %reduce_max3A_116 = vector.multi_reduction <maximumf>, %select_n3A_114, %reduce_max3A_115 [1] : vector<256x2048xf32> to vector<256xf32>
    %broadcast_in_dim3A_117 = vector.shape_cast %reduce_max3A_116 : vector<256xf32> to vector<256x1xf32>
    %eq3A_118 = vector.broadcast %broadcast_in_dim3A_117 : vector<256x1xf32> to vector<256x2048xf32>
    %eq3A_119 = arith.cmpf oeq, %select_n3A_114, %eq3A_118 : vector<256x2048xf32>
    %jit3A_120 = arith.constant 1073741824 : i32
    %broadcast_in_dim3A_121 = vector.broadcast %jit3A_120 : i32 to vector<256x2048xi32>
    %select_n3A_122 = arith.select %eq3A_119, %iota3A, %broadcast_in_dim3A_121 : vector<256x2048xi1>, vector<256x2048xi32>
    %reduce_min3A_123 = arith.constant dense<2147483647> : vector<256xi32>
    %reduce_min3A_124 = vector.multi_reduction <minsi>, %select_n3A_122, %reduce_min3A_123 [1] : vector<256x2048xi32> to vector<256xi32>
    %broadcast_in_dim3A_125 = vector.shape_cast %reduce_min3A_124 : vector<256xi32> to vector<256x1xi32>
    %eq3A_126 = vector.broadcast %broadcast_in_dim3A_125 : vector<256x1xi32> to vector<256x2048xi32>
    %eq3A_127 = arith.cmpi eq, %iota3A, %eq3A_126 : vector<256x2048xi32>
    %jit3A_128 = arith.constant -3.000000e+38 : f32
    %broadcast_in_dim3A_129 = vector.broadcast %jit3A_128 : f32 to vector<256x2048xf32>
    %select_n3A_130 = arith.select %eq3A_127, %broadcast_in_dim3A_129, %select_n3A_114 : vector<256x2048xi1>, vector<256x2048xf32>
    %reduce_max3A_131 = arith.constant dense<0xFF800000> : vector<256xf32>
    %reduce_max3A_132 = vector.multi_reduction <maximumf>, %select_n3A_130, %reduce_max3A_131 [1] : vector<256x2048xf32> to vector<256xf32>
    %broadcast_in_dim3A_133 = vector.shape_cast %reduce_max3A_132 : vector<256xf32> to vector<256x1xf32>
    %eq3A_134 = vector.broadcast %broadcast_in_dim3A_133 : vector<256x1xf32> to vector<256x2048xf32>
    %eq3A_135 = arith.cmpf oeq, %select_n3A_130, %eq3A_134 : vector<256x2048xf32>
    %jit3A_136 = arith.constant 1073741824 : i32
    %broadcast_in_dim3A_137 = vector.broadcast %jit3A_136 : i32 to vector<256x2048xi32>
    %select_n3A_138 = arith.select %eq3A_135, %iota3A, %broadcast_in_dim3A_137 : vector<256x2048xi1>, vector<256x2048xi32>
    %reduce_min3A_139 = arith.constant dense<2147483647> : vector<256xi32>
    %reduce_min3A_140 = vector.multi_reduction <minsi>, %select_n3A_138, %reduce_min3A_139 [1] : vector<256x2048xi32> to vector<256xi32>
    %broadcast_in_dim3A_141 = vector.shape_cast %reduce_min3A_140 : vector<256xi32> to vector<256x1xi32>
    %eq3A_142 = vector.broadcast %broadcast_in_dim3A_141 : vector<256x1xi32> to vector<256x2048xi32>
    %eq3A_143 = arith.cmpi eq, %iota3A, %eq3A_142 : vector<256x2048xi32>
    %jit3A_144 = arith.constant -3.000000e+38 : f32
    %broadcast_in_dim3A_145 = vector.broadcast %jit3A_144 : f32 to vector<256x2048xf32>
    %select_n3A_146 = arith.select %eq3A_143, %broadcast_in_dim3A_145, %select_n3A_130 : vector<256x2048xi1>, vector<256x2048xf32>
    %reduce_max3A_147 = arith.constant dense<0xFF800000> : vector<256xf32>
    %reduce_max3A_148 = vector.multi_reduction <maximumf>, %select_n3A_146, %reduce_max3A_147 [1] : vector<256x2048xf32> to vector<256xf32>
    %broadcast_in_dim3A_149 = vector.shape_cast %reduce_max3A_148 : vector<256xf32> to vector<256x1xf32>
    %eq3A_150 = vector.broadcast %broadcast_in_dim3A_149 : vector<256x1xf32> to vector<256x2048xf32>
    %eq3A_151 = arith.cmpf oeq, %select_n3A_146, %eq3A_150 : vector<256x2048xf32>
    %jit3A_152 = arith.constant 1073741824 : i32
    %broadcast_in_dim3A_153 = vector.broadcast %jit3A_152 : i32 to vector<256x2048xi32>
    %select_n3A_154 = arith.select %eq3A_151, %iota3A, %broadcast_in_dim3A_153 : vector<256x2048xi1>, vector<256x2048xi32>
    %reduce_min3A_155 = arith.constant dense<2147483647> : vector<256xi32>
    %reduce_min3A_156 = vector.multi_reduction <minsi>, %select_n3A_154, %reduce_min3A_155 [1] : vector<256x2048xi32> to vector<256xi32>
    %broadcast_in_dim3A_157 = vector.shape_cast %reduce_min3A_156 : vector<256xi32> to vector<256x1xi32>
    %eq3A_158 = vector.broadcast %broadcast_in_dim3A_157 : vector<256x1xi32> to vector<256x2048xi32>
    %eq3A_159 = arith.cmpi eq, %iota3A, %eq3A_158 : vector<256x2048xi32>
    %jit3A_160 = arith.constant -3.000000e+38 : f32
    %broadcast_in_dim3A_161 = vector.broadcast %jit3A_160 : f32 to vector<256x2048xf32>
    %select_n3A_162 = arith.select %eq3A_159, %broadcast_in_dim3A_161, %select_n3A_146 : vector<256x2048xi1>, vector<256x2048xf32>
    %reduce_max3A_163 = arith.constant dense<0xFF800000> : vector<256xf32>
    %reduce_max3A_164 = vector.multi_reduction <maximumf>, %select_n3A_162, %reduce_max3A_163 [1] : vector<256x2048xf32> to vector<256xf32>
    %broadcast_in_dim3A_165 = vector.shape_cast %reduce_max3A_164 : vector<256xf32> to vector<256x1xf32>
    %eq3A_166 = vector.broadcast %broadcast_in_dim3A_165 : vector<256x1xf32> to vector<256x2048xf32>
    %eq3A_167 = arith.cmpf oeq, %select_n3A_162, %eq3A_166 : vector<256x2048xf32>
    %jit3A_168 = arith.constant 1073741824 : i32
    %broadcast_in_dim3A_169 = vector.broadcast %jit3A_168 : i32 to vector<256x2048xi32>
    %select_n3A_170 = arith.select %eq3A_167, %iota3A, %broadcast_in_dim3A_169 : vector<256x2048xi1>, vector<256x2048xi32>
    %reduce_min3A_171 = arith.constant dense<2147483647> : vector<256xi32>
    %reduce_min3A_172 = vector.multi_reduction <minsi>, %select_n3A_170, %reduce_min3A_171 [1] : vector<256x2048xi32> to vector<256xi32>
    %broadcast_in_dim3A_173 = vector.shape_cast %reduce_min3A_172 : vector<256xi32> to vector<256x1xi32>
    %eq3A_174 = vector.broadcast %broadcast_in_dim3A_173 : vector<256x1xi32> to vector<256x2048xi32>
    %eq3A_175 = arith.cmpi eq, %iota3A, %eq3A_174 : vector<256x2048xi32>
    %jit3A_176 = arith.constant -3.000000e+38 : f32
    %broadcast_in_dim3A_177 = vector.broadcast %jit3A_176 : f32 to vector<256x2048xf32>
    %select_n3A_178 = arith.select %eq3A_175, %broadcast_in_dim3A_177, %select_n3A_162 : vector<256x2048xi1>, vector<256x2048xf32>
    %reduce_max3A_179 = arith.constant dense<0xFF800000> : vector<256xf32>
    %reduce_max3A_180 = vector.multi_reduction <maximumf>, %select_n3A_178, %reduce_max3A_179 [1] : vector<256x2048xf32> to vector<256xf32>
    %broadcast_in_dim3A_181 = vector.shape_cast %reduce_max3A_180 : vector<256xf32> to vector<256x1xf32>
    %eq3A_182 = vector.broadcast %broadcast_in_dim3A_181 : vector<256x1xf32> to vector<256x2048xf32>
    %eq3A_183 = arith.cmpf oeq, %select_n3A_178, %eq3A_182 : vector<256x2048xf32>
    %jit3A_184 = arith.constant 1073741824 : i32
    %broadcast_in_dim3A_185 = vector.broadcast %jit3A_184 : i32 to vector<256x2048xi32>
    %select_n3A_186 = arith.select %eq3A_183, %iota3A, %broadcast_in_dim3A_185 : vector<256x2048xi1>, vector<256x2048xi32>
    %reduce_min3A_187 = arith.constant dense<2147483647> : vector<256xi32>
    %reduce_min3A_188 = vector.multi_reduction <minsi>, %select_n3A_186, %reduce_min3A_187 [1] : vector<256x2048xi32> to vector<256xi32>
    %broadcast_in_dim3A_189 = vector.shape_cast %reduce_min3A_188 : vector<256xi32> to vector<256x1xi32>
    %eq3A_190 = vector.broadcast %broadcast_in_dim3A_189 : vector<256x1xi32> to vector<256x2048xi32>
    %eq3A_191 = arith.cmpi eq, %iota3A, %eq3A_190 : vector<256x2048xi32>
    %jit3A_192 = arith.constant -3.000000e+38 : f32
    %broadcast_in_dim3A_193 = vector.broadcast %jit3A_192 : f32 to vector<256x2048xf32>
    %select_n3A_194 = arith.select %eq3A_191, %broadcast_in_dim3A_193, %select_n3A_178 : vector<256x2048xi1>, vector<256x2048xf32>
    %reduce_max3A_195 = arith.constant dense<0xFF800000> : vector<256xf32>
    %reduce_max3A_196 = vector.multi_reduction <maximumf>, %select_n3A_194, %reduce_max3A_195 [1] : vector<256x2048xf32> to vector<256xf32>
    %broadcast_in_dim3A_197 = vector.shape_cast %reduce_max3A_196 : vector<256xf32> to vector<256x1xf32>
    %eq3A_198 = vector.broadcast %broadcast_in_dim3A_197 : vector<256x1xf32> to vector<256x2048xf32>
    %eq3A_199 = arith.cmpf oeq, %select_n3A_194, %eq3A_198 : vector<256x2048xf32>
    %jit3A_200 = arith.constant 1073741824 : i32
    %broadcast_in_dim3A_201 = vector.broadcast %jit3A_200 : i32 to vector<256x2048xi32>
    %select_n3A_202 = arith.select %eq3A_199, %iota3A, %broadcast_in_dim3A_201 : vector<256x2048xi1>, vector<256x2048xi32>
    %reduce_min3A_203 = arith.constant dense<2147483647> : vector<256xi32>
    %reduce_min3A_204 = vector.multi_reduction <minsi>, %select_n3A_202, %reduce_min3A_203 [1] : vector<256x2048xi32> to vector<256xi32>
    %broadcast_in_dim3A_205 = vector.shape_cast %reduce_min3A_204 : vector<256xi32> to vector<256x1xi32>
    %eq3A_206 = vector.broadcast %broadcast_in_dim3A_205 : vector<256x1xi32> to vector<256x2048xi32>
    %eq3A_207 = arith.cmpi eq, %iota3A, %eq3A_206 : vector<256x2048xi32>
    %jit3A_208 = arith.constant -3.000000e+38 : f32
    %broadcast_in_dim3A_209 = vector.broadcast %jit3A_208 : f32 to vector<256x2048xf32>
    %select_n3A_210 = arith.select %eq3A_207, %broadcast_in_dim3A_209, %select_n3A_194 : vector<256x2048xi1>, vector<256x2048xf32>
    %reduce_max3A_211 = arith.constant dense<0xFF800000> : vector<256xf32>
    %reduce_max3A_212 = vector.multi_reduction <maximumf>, %select_n3A_210, %reduce_max3A_211 [1] : vector<256x2048xf32> to vector<256xf32>
    %broadcast_in_dim3A_213 = vector.shape_cast %reduce_max3A_212 : vector<256xf32> to vector<256x1xf32>
    %eq3A_214 = vector.broadcast %broadcast_in_dim3A_213 : vector<256x1xf32> to vector<256x2048xf32>
    %eq3A_215 = arith.cmpf oeq, %select_n3A_210, %eq3A_214 : vector<256x2048xf32>
    %jit3A_216 = arith.constant 1073741824 : i32
    %broadcast_in_dim3A_217 = vector.broadcast %jit3A_216 : i32 to vector<256x2048xi32>
    %select_n3A_218 = arith.select %eq3A_215, %iota3A, %broadcast_in_dim3A_217 : vector<256x2048xi1>, vector<256x2048xi32>
    %reduce_min3A_219 = arith.constant dense<2147483647> : vector<256xi32>
    %reduce_min3A_220 = vector.multi_reduction <minsi>, %select_n3A_218, %reduce_min3A_219 [1] : vector<256x2048xi32> to vector<256xi32>
    %broadcast_in_dim3A_221 = vector.shape_cast %reduce_min3A_220 : vector<256xi32> to vector<256x1xi32>
    %eq3A_222 = vector.broadcast %broadcast_in_dim3A_221 : vector<256x1xi32> to vector<256x2048xi32>
    %eq3A_223 = arith.cmpi eq, %iota3A, %eq3A_222 : vector<256x2048xi32>
    %jit3A_224 = arith.constant -3.000000e+38 : f32
    %broadcast_in_dim3A_225 = vector.broadcast %jit3A_224 : f32 to vector<256x2048xf32>
    %select_n3A_226 = arith.select %eq3A_223, %broadcast_in_dim3A_225, %select_n3A_210 : vector<256x2048xi1>, vector<256x2048xf32>
    %reduce_max3A_227 = arith.constant dense<0xFF800000> : vector<256xf32>
    %reduce_max3A_228 = vector.multi_reduction <maximumf>, %select_n3A_226, %reduce_max3A_227 [1] : vector<256x2048xf32> to vector<256xf32>
    %broadcast_in_dim3A_229 = vector.shape_cast %reduce_max3A_228 : vector<256xf32> to vector<256x1xf32>
    %eq3A_230 = vector.broadcast %broadcast_in_dim3A_229 : vector<256x1xf32> to vector<256x2048xf32>
    %eq3A_231 = arith.cmpf oeq, %select_n3A_226, %eq3A_230 : vector<256x2048xf32>
    %jit3A_232 = arith.constant 1073741824 : i32
    %broadcast_in_dim3A_233 = vector.broadcast %jit3A_232 : i32 to vector<256x2048xi32>
    %select_n3A_234 = arith.select %eq3A_231, %iota3A, %broadcast_in_dim3A_233 : vector<256x2048xi1>, vector<256x2048xi32>
    %reduce_min3A_235 = arith.constant dense<2147483647> : vector<256xi32>
    %reduce_min3A_236 = vector.multi_reduction <minsi>, %select_n3A_234, %reduce_min3A_235 [1] : vector<256x2048xi32> to vector<256xi32>
    %broadcast_in_dim3A_237 = vector.shape_cast %reduce_min3A_236 : vector<256xi32> to vector<256x1xi32>
    %eq3A_238 = vector.broadcast %broadcast_in_dim3A_237 : vector<256x1xi32> to vector<256x2048xi32>
    %eq3A_239 = arith.cmpi eq, %iota3A, %eq3A_238 : vector<256x2048xi32>
    %jit3A_240 = arith.constant -3.000000e+38 : f32
    %broadcast_in_dim3A_241 = vector.broadcast %jit3A_240 : f32 to vector<256x2048xf32>
    %select_n3A_242 = arith.select %eq3A_239, %broadcast_in_dim3A_241, %select_n3A_226 : vector<256x2048xi1>, vector<256x2048xf32>
    %reduce_max3A_243 = arith.constant dense<0xFF800000> : vector<256xf32>
    %reduce_max3A_244 = vector.multi_reduction <maximumf>, %select_n3A_242, %reduce_max3A_243 [1] : vector<256x2048xf32> to vector<256xf32>
    %broadcast_in_dim3A_245 = vector.shape_cast %reduce_max3A_244 : vector<256xf32> to vector<256x1xf32>
    %eq3A_246 = vector.broadcast %broadcast_in_dim3A_245 : vector<256x1xf32> to vector<256x2048xf32>
    %eq3A_247 = arith.cmpf oeq, %select_n3A_242, %eq3A_246 : vector<256x2048xf32>
    %jit3A_248 = arith.constant 1073741824 : i32
    %broadcast_in_dim3A_249 = vector.broadcast %jit3A_248 : i32 to vector<256x2048xi32>
    %select_n3A_250 = arith.select %eq3A_247, %iota3A, %broadcast_in_dim3A_249 : vector<256x2048xi1>, vector<256x2048xi32>
    %reduce_min3A_251 = arith.constant dense<2147483647> : vector<256xi32>
    %reduce_min3A_252 = vector.multi_reduction <minsi>, %select_n3A_250, %reduce_min3A_251 [1] : vector<256x2048xi32> to vector<256xi32>
    %broadcast_in_dim3A_253 = vector.shape_cast %reduce_min3A_252 : vector<256xi32> to vector<256x1xi32>
    %eq3A_254 = vector.broadcast %broadcast_in_dim3A_253 : vector<256x1xi32> to vector<256x2048xi32>
    %eq3A_255 = arith.cmpi eq, %iota3A, %eq3A_254 : vector<256x2048xi32>
    %jit3A_256 = arith.constant -3.000000e+38 : f32
    %broadcast_in_dim3A_257 = vector.broadcast %jit3A_256 : f32 to vector<256x2048xf32>
    %select_n3A_258 = arith.select %eq3A_255, %broadcast_in_dim3A_257, %select_n3A_242 : vector<256x2048xi1>, vector<256x2048xf32>
    %reduce_max3A_259 = arith.constant dense<0xFF800000> : vector<256xf32>
    %reduce_max3A_260 = vector.multi_reduction <maximumf>, %select_n3A_258, %reduce_max3A_259 [1] : vector<256x2048xf32> to vector<256xf32>
    %broadcast_in_dim3A_261 = vector.shape_cast %reduce_max3A_260 : vector<256xf32> to vector<256x1xf32>
    %eq3A_262 = vector.broadcast %broadcast_in_dim3A_261 : vector<256x1xf32> to vector<256x2048xf32>
    %eq3A_263 = arith.cmpf oeq, %select_n3A_258, %eq3A_262 : vector<256x2048xf32>
    %jit3A_264 = arith.constant 1073741824 : i32
    %broadcast_in_dim3A_265 = vector.broadcast %jit3A_264 : i32 to vector<256x2048xi32>
    %select_n3A_266 = arith.select %eq3A_263, %iota3A, %broadcast_in_dim3A_265 : vector<256x2048xi1>, vector<256x2048xi32>
    %reduce_min3A_267 = arith.constant dense<2147483647> : vector<256xi32>
    %reduce_min3A_268 = vector.multi_reduction <minsi>, %select_n3A_266, %reduce_min3A_267 [1] : vector<256x2048xi32> to vector<256xi32>
    %broadcast_in_dim3A_269 = vector.shape_cast %reduce_min3A_268 : vector<256xi32> to vector<256x1xi32>
    %eq3A_270 = vector.broadcast %broadcast_in_dim3A_269 : vector<256x1xi32> to vector<256x2048xi32>
    %eq3A_271 = arith.cmpi eq, %iota3A, %eq3A_270 : vector<256x2048xi32>
    %jit3A_272 = arith.constant -3.000000e+38 : f32
    %broadcast_in_dim3A_273 = vector.broadcast %jit3A_272 : f32 to vector<256x2048xf32>
    %select_n3A_274 = arith.select %eq3A_271, %broadcast_in_dim3A_273, %select_n3A_258 : vector<256x2048xi1>, vector<256x2048xf32>
    %reduce_max3A_275 = arith.constant dense<0xFF800000> : vector<256xf32>
    %reduce_max3A_276 = vector.multi_reduction <maximumf>, %select_n3A_274, %reduce_max3A_275 [1] : vector<256x2048xf32> to vector<256xf32>
    %broadcast_in_dim3A_277 = vector.shape_cast %reduce_max3A_276 : vector<256xf32> to vector<256x1xf32>
    %eq3A_278 = vector.broadcast %broadcast_in_dim3A_277 : vector<256x1xf32> to vector<256x2048xf32>
    %eq3A_279 = arith.cmpf oeq, %select_n3A_274, %eq3A_278 : vector<256x2048xf32>
    %jit3A_280 = arith.constant 1073741824 : i32
    %broadcast_in_dim3A_281 = vector.broadcast %jit3A_280 : i32 to vector<256x2048xi32>
    %select_n3A_282 = arith.select %eq3A_279, %iota3A, %broadcast_in_dim3A_281 : vector<256x2048xi1>, vector<256x2048xi32>
    %reduce_min3A_283 = arith.constant dense<2147483647> : vector<256xi32>
    %reduce_min3A_284 = vector.multi_reduction <minsi>, %select_n3A_282, %reduce_min3A_283 [1] : vector<256x2048xi32> to vector<256xi32>
    %broadcast_in_dim3A_285 = vector.shape_cast %reduce_min3A_284 : vector<256xi32> to vector<256x1xi32>
    %eq3A_286 = vector.broadcast %broadcast_in_dim3A_285 : vector<256x1xi32> to vector<256x2048xi32>
    %eq3A_287 = arith.cmpi eq, %iota3A, %eq3A_286 : vector<256x2048xi32>
    %jit3A_288 = arith.constant -3.000000e+38 : f32
    %broadcast_in_dim3A_289 = vector.broadcast %jit3A_288 : f32 to vector<256x2048xf32>
    %select_n3A_290 = arith.select %eq3A_287, %broadcast_in_dim3A_289, %select_n3A_274 : vector<256x2048xi1>, vector<256x2048xf32>
    %reduce_max3A_291 = arith.constant dense<0xFF800000> : vector<256xf32>
    %reduce_max3A_292 = vector.multi_reduction <maximumf>, %select_n3A_290, %reduce_max3A_291 [1] : vector<256x2048xf32> to vector<256xf32>
    %broadcast_in_dim3A_293 = vector.shape_cast %reduce_max3A_292 : vector<256xf32> to vector<256x1xf32>
    %eq3A_294 = vector.broadcast %broadcast_in_dim3A_293 : vector<256x1xf32> to vector<256x2048xf32>
    %eq3A_295 = arith.cmpf oeq, %select_n3A_290, %eq3A_294 : vector<256x2048xf32>
    %jit3A_296 = arith.constant 1073741824 : i32
    %broadcast_in_dim3A_297 = vector.broadcast %jit3A_296 : i32 to vector<256x2048xi32>
    %select_n3A_298 = arith.select %eq3A_295, %iota3A, %broadcast_in_dim3A_297 : vector<256x2048xi1>, vector<256x2048xi32>
    %reduce_min3A_299 = arith.constant dense<2147483647> : vector<256xi32>
    %reduce_min3A_300 = vector.multi_reduction <minsi>, %select_n3A_298, %reduce_min3A_299 [1] : vector<256x2048xi32> to vector<256xi32>
    %broadcast_in_dim3A_301 = vector.shape_cast %reduce_min3A_300 : vector<256xi32> to vector<256x1xi32>
    %eq3A_302 = vector.broadcast %broadcast_in_dim3A_301 : vector<256x1xi32> to vector<256x2048xi32>
    %eq3A_303 = arith.cmpi eq, %iota3A, %eq3A_302 : vector<256x2048xi32>
    %jit3A_304 = arith.constant -3.000000e+38 : f32
    %broadcast_in_dim3A_305 = vector.broadcast %jit3A_304 : f32 to vector<256x2048xf32>
    %select_n3A_306 = arith.select %eq3A_303, %broadcast_in_dim3A_305, %select_n3A_290 : vector<256x2048xi1>, vector<256x2048xf32>
    %reduce_max3A_307 = arith.constant dense<0xFF800000> : vector<256xf32>
    %reduce_max3A_308 = vector.multi_reduction <maximumf>, %select_n3A_306, %reduce_max3A_307 [1] : vector<256x2048xf32> to vector<256xf32>
    %broadcast_in_dim3A_309 = vector.shape_cast %reduce_max3A_308 : vector<256xf32> to vector<256x1xf32>
    %eq3A_310 = vector.broadcast %broadcast_in_dim3A_309 : vector<256x1xf32> to vector<256x2048xf32>
    %eq3A_311 = arith.cmpf oeq, %select_n3A_306, %eq3A_310 : vector<256x2048xf32>
    %jit3A_312 = arith.constant 1073741824 : i32
    %broadcast_in_dim3A_313 = vector.broadcast %jit3A_312 : i32 to vector<256x2048xi32>
    %select_n3A_314 = arith.select %eq3A_311, %iota3A, %broadcast_in_dim3A_313 : vector<256x2048xi1>, vector<256x2048xi32>
    %reduce_min3A_315 = arith.constant dense<2147483647> : vector<256xi32>
    %reduce_min3A_316 = vector.multi_reduction <minsi>, %select_n3A_314, %reduce_min3A_315 [1] : vector<256x2048xi32> to vector<256xi32>
    %broadcast_in_dim3A_317 = vector.shape_cast %reduce_min3A_316 : vector<256xi32> to vector<256x1xi32>
    %eq3A_318 = vector.broadcast %broadcast_in_dim3A_317 : vector<256x1xi32> to vector<256x2048xi32>
    %eq3A_319 = arith.cmpi eq, %iota3A, %eq3A_318 : vector<256x2048xi32>
    %jit3A_320 = arith.constant -3.000000e+38 : f32
    %broadcast_in_dim3A_321 = vector.broadcast %jit3A_320 : f32 to vector<256x2048xf32>
    %select_n3A_322 = arith.select %eq3A_319, %broadcast_in_dim3A_321, %select_n3A_306 : vector<256x2048xi1>, vector<256x2048xf32>
    %reduce_max3A_323 = arith.constant dense<0xFF800000> : vector<256xf32>
    %reduce_max3A_324 = vector.multi_reduction <maximumf>, %select_n3A_322, %reduce_max3A_323 [1] : vector<256x2048xf32> to vector<256xf32>
    %broadcast_in_dim3A_325 = vector.shape_cast %reduce_max3A_324 : vector<256xf32> to vector<256x1xf32>
    %eq3A_326 = vector.broadcast %broadcast_in_dim3A_325 : vector<256x1xf32> to vector<256x2048xf32>
    %eq3A_327 = arith.cmpf oeq, %select_n3A_322, %eq3A_326 : vector<256x2048xf32>
    %jit3A_328 = arith.constant 1073741824 : i32
    %broadcast_in_dim3A_329 = vector.broadcast %jit3A_328 : i32 to vector<256x2048xi32>
    %select_n3A_330 = arith.select %eq3A_327, %iota3A, %broadcast_in_dim3A_329 : vector<256x2048xi1>, vector<256x2048xi32>
    %reduce_min3A_331 = arith.constant dense<2147483647> : vector<256xi32>
    %reduce_min3A_332 = vector.multi_reduction <minsi>, %select_n3A_330, %reduce_min3A_331 [1] : vector<256x2048xi32> to vector<256xi32>
    %broadcast_in_dim3A_333 = vector.shape_cast %reduce_min3A_332 : vector<256xi32> to vector<256x1xi32>
    %concatenate3A = tpu.concatenate %broadcast_in_dim3A_29, %broadcast_in_dim3A_45, %broadcast_in_dim3A_61, %broadcast_in_dim3A_77, %broadcast_in_dim3A_93, %broadcast_in_dim3A_109, %broadcast_in_dim3A_125, %broadcast_in_dim3A_141, %broadcast_in_dim3A_157, %broadcast_in_dim3A_173, %broadcast_in_dim3A_189, %broadcast_in_dim3A_205, %broadcast_in_dim3A_221, %broadcast_in_dim3A_237, %broadcast_in_dim3A_253, %broadcast_in_dim3A_269, %broadcast_in_dim3A_285, %broadcast_in_dim3A_301, %broadcast_in_dim3A_317, %broadcast_in_dim3A_333 in 1 : vector<256x1xi32>, vector<256x1xi32>, vector<256x1xi32>, vector<256x1xi32>, vector<256x1xi32>, vector<256x1xi32>, vector<256x1xi32>, vector<256x1xi32>, vector<256x1xi32>, vector<256x1xi32>, vector<256x1xi32>, vector<256x1xi32>, vector<256x1xi32>, vector<256x1xi32>, vector<256x1xi32>, vector<256x1xi32>, vector<256x1xi32>, vector<256x1xi32>, vector<256x1xi32>, vector<256x1xi32> -> vector<256x20xi32>
    %mul3A_334 = arith.constant 2048 : i32
    %mul3A_335 = arith.muli %arg0, %mul3A_334 : i32
    %add3A = vector.broadcast %mul3A_335 : i32 to vector<256x20xi32>
    %add3A_336 = arith.addi %concatenate3A, %add3A : vector<256x20xi32>
    %swap3A = arith.constant 0 : index
    %swap3A_337 = arith.constant 0 : index
    %swap3A_338 = arith.constant 0 : index
    %swap3A_339 = vector.load %arg6[%swap3A, %swap3A_337, %swap3A_338] : memref<1x256x20xi32, #tpu.memory_space<vmem>>, vector<1x256x20xi32>
    %swap3A_340 = vector.shape_cast %swap3A_339 : vector<1x256x20xi32> to vector<256x20xi32>
    %swap3A_341 = vector.shape_cast %add3A_336 : vector<256x20xi32> to vector<1x256x20xi32>
    tpu.vector_store %arg6[%swap3A, %swap3A_337, %swap3A_338], %swap3A_341 {strides = array<i32>} : memref<1x256x20xi32, #tpu.memory_space<vmem>>, vector<1x256x20xi32>,
    return
  }
  func.func @transform_0(%arg0: i32, %arg1: i32) -> (i32, i32, i32) {
    %c0_i32 = arith.constant 0 : i32
    %c0_i32_0 = arith.constant 0 : i32
    %c0_i32_1 = arith.constant 0 : i32
    return %arg0, %c0_i32, %c0_i32_0 : i32, i32, i32
  }
  func.func @transform_1(%arg0: i32, %arg1: i32) -> (i32, i32, i32) {
    %c0_i32 = arith.constant 0 : i32
    %c0_i32_0 = arith.constant 0 : i32
    return %arg0, %arg1, %c0_i32 : i32, i32, i32
  }
  func.func @transform_2(%arg0: i32, %arg1: i32) -> (i32, i32, i32) {
    %c0_i32 = arith.constant 0 : i32
    %c0_i32_0 = arith.constant 0 : i32
    %c0_i32_1 = arith.constant 0 : i32
    return %arg0, %c0_i32, %c0_i32_0 : i32, i32, i32
  }
  func.func @transform_3(%arg0: i32, %arg1: i32) -> (i32, i32, i32) {
    %c0_i32 = arith.constant 0 : i32
    %c0_i32_0 = arith.constant 0 : i32
    return %arg0, %arg1, %c0_i32 : i32, i32, i32
  }
  func.func @transform_4(%arg0: i32, %arg1: i32) -> (i32, i32, i32) {
    %c0_i32 = arith.constant 0 : i32
    %c0_i32_0 = arith.constant 0 : i32
    return %arg0, %arg1, %c0_i32 : i32, i32, i32
  }
}

module attributes {stable_mosaic.version = 14 : i64} {
  func.func @_edge_kernel(%arg0: i32, %arg1: memref<2560x128xf32, #tpu.memory_space<vmem>>, %arg2: memref<128x128xf32, #tpu.memory_space<vmem>>, %arg3: memref<256x128xbf16, #tpu.memory_space<vmem>>, %arg4: memref<2560x128xf32, #tpu.memory_space<vmem>>, %arg5: memref<128x128xf32, #tpu.memory_space<vmem>>) attributes {dimension_semantics = [#tpu.dimension_semantics<arbitrary>], iteration_bounds = array<i64: 128>, scalar_prefetch = 0 : i64, scratch_operands = 0 : i64, tpu.core_type = #tpu.core_type<tc>, window_params = [{transform_indices = @transform_0, window_bounds = array<i64: 2560, 128>}, {transform_indices = @transform_1, window_bounds = array<i64: 128, 128>}, {pipeline_mode = #tpu.pipeline_mode<synchronous>, transform_indices = @transform_2, window_bounds = array<i64: 256, 128>}, {transform_indices = @transform_3, window_bounds = array<i64: 2560, 128>}, {transform_indices = @transform_4, window_bounds = array<i64: 128, 128>}]} {
    %get3A = arith.constant 0 : index
    %get3A_0 = arith.constant 0 : index
    %get3A_1 = vector.load %arg1[%get3A, %get3A_0] : memref<2560x128xf32, #tpu.memory_space<vmem>>, vector<2560x128xf32>
    %get3A_2 = arith.constant 0 : index
    %get3A_3 = arith.constant 0 : index
    %get3A_4 = vector.load %arg2[%get3A_2, %get3A_3] : memref<128x128xf32, #tpu.memory_space<vmem>>, vector<128x128xf32>
    %reshape3A = vector.shape_cast %get3A_1 : vector<2560x128xf32> to vector<128x20x128xf32>
    %broadcast_in_dim3A = vector.shape_cast %get3A_4 : vector<128x128xf32> to vector<128x1x128xf32>
    %broadcast_in_dim3A_5 = vector.shape_cast %broadcast_in_dim3A : vector<128x1x128xf32> to vector<128x1x128xf32>
    %broadcast_in_dim3A_6 = vector.broadcast %broadcast_in_dim3A_5 : vector<128x1x128xf32> to vector<128x20x128xf32>
    %sub3A = arith.subf %reshape3A, %broadcast_in_dim3A_6 : vector<128x20x128xf32>
    %concatenate3A = tpu.concatenate %sub3A, %broadcast_in_dim3A_6 in 2 : vector<128x20x128xf32>, vector<128x20x128xf32> -> vector<128x20x256xf32>
    %reshape3A_7 = vector.shape_cast %concatenate3A : vector<128x20x256xf32> to vector<2560x256xf32>
    %convert_element_type3A = arith.truncf %reshape3A_7 : vector<2560x256xf32> to vector<2560x256xbf16>
    %get3A_8 = arith.constant 0 : index
    %get3A_9 = arith.constant 0 : index
    %get3A_10 = vector.load %arg3[%get3A_8, %get3A_9] : memref<256x128xbf16, #tpu.memory_space<vmem>>, vector<256x128xbf16>
    %dot_general3A = arith.constant dense<0.000000e+00> : vector<2560x128xf32>
    %dot_general3A_11 = tpu.matmul %convert_element_type3A, %get3A_10, %dot_general3A {dimension_numbers = #tpu.dot_dimension_numbers<[1], [0], [0], [1], [0, 0, 1, 1], [], []>, transpose_lhs_hint = false} : vector<2560x256xbf16>, vector<256x128xbf16>, vector<2560x128xf32> -> vector<2560x128xf32>
    %swap3A = arith.constant 0 : index
    %swap3A_12 = arith.constant 0 : index
    %swap3A_13 = vector.load %arg4[%swap3A, %swap3A_12] : memref<2560x128xf32, #tpu.memory_space<vmem>>, vector<2560x128xf32>
    tpu.vector_store %arg4[%swap3A, %swap3A_12], %dot_general3A_11 {strides = array<i32>} : memref<2560x128xf32, #tpu.memory_space<vmem>>, vector<2560x128xf32>,
    %reshape3A_14 = vector.shape_cast %dot_general3A_11 : vector<2560x128xf32> to vector<128x20x128xf32>
    %reduce_max3A = arith.constant dense<0xFF800000> : vector<128x128xf32>
    %reduce_max3A_15 = vector.multi_reduction <maximumf>, %reshape3A_14, %reduce_max3A [1] : vector<128x20x128xf32> to vector<128x128xf32>
    %swap3A_16 = arith.constant 0 : index
    %swap3A_17 = arith.constant 0 : index
    %swap3A_18 = vector.load %arg5[%swap3A_16, %swap3A_17] : memref<128x128xf32, #tpu.memory_space<vmem>>, vector<128x128xf32>
    tpu.vector_store %arg5[%swap3A_16, %swap3A_17], %reduce_max3A_15 {strides = array<i32>} : memref<128x128xf32, #tpu.memory_space<vmem>>, vector<128x128xf32>,
    return
  }
  func.func @transform_0(%arg0: i32) -> (i32, i32) {
    %c0_i32 = arith.constant 0 : i32
    %c0_i32_0 = arith.constant 0 : i32
    return %arg0, %c0_i32 : i32, i32
  }
  func.func @transform_1(%arg0: i32) -> (i32, i32) {
    %c0_i32 = arith.constant 0 : i32
    %c0_i32_0 = arith.constant 0 : i32
    return %arg0, %c0_i32 : i32, i32
  }
  func.func @transform_2(%arg0: i32) -> (i32, i32) {
    %c0_i32 = arith.constant 0 : i32
    %c0_i32_0 = arith.constant 0 : i32
    %c0_i32_1 = arith.constant 0 : i32
    return %c0_i32, %c0_i32_0 : i32, i32
  }
  func.func @transform_3(%arg0: i32) -> (i32, i32) {
    %c0_i32 = arith.constant 0 : i32
    %c0_i32_0 = arith.constant 0 : i32
    return %arg0, %c0_i32 : i32, i32
  }
  func.func @transform_4(%arg0: i32) -> (i32, i32) {
    %c0_i32 = arith.constant 0 : i32
    %c0_i32_0 = arith.constant 0 : i32
    return %arg0, %c0_i32 : i32, i32
  }
}

</mosaic_0001>

<sc_bundles>
// kernel: kernel.14.cloned.1.call-start
scs
__scs_entry_jumppad:
0x0: {  	(pc) =	sbr.rel $0x88, $3  }
0x1: {  	(tag) =	ssettag $0x0;
	lr =	simm.s32 $0x1  }
0x2: {  	[smem:$0x3F94] =	sst lr;
	_ =	strace $0xD0000000  }
0x3: {  	_ = 	snop  }
0x4: {  	_ = 	snop  }
0x5: {  	_ = 	snop  }
0x6: {  	_ = 	snop  }
0x7: {  	_ = 	snop  }
__scs_overlays_trampoline_lowered:
0x8: {  	[smem:$0x3FA3] =	sst s0  }
0x9: {  	[smem:$0x3FA4] =	sst s1  }
0xa: {  	[smem:$0x3FA5] =	sst s2  }
0xb: {  	[smem:$0x3FA6] =	sst s3  }
0xc: {  	[smem:$0x3FA7] =	sst s4  }
0xd: {  	[smem:$0x3FA8] =	sst s5  }
0xe: {  	[smem:$0x3FA9] =	sst s6  }
0xf: {  	[smem:$0x3FAA] =	sst s7  }
0x10: {  	[smem:$0x3FAB] =	sst s8  }
0x11: {  	[smem:$0x3FAC] =	sst s9;
	s0 =	simm.s32 @!p0 $0x0  }
0x12: {  	s1 =	sld [smem:$0x3F92];
	s0 =	simm.s32 @p0 $0x1  }
0x13: {  	[smem:$0x3FAD] =	sst s0;
	s0 =	simm.s32 @!p1 $0x0  }
0x14: {  	s2 =	sld [smem:$0x3F91];
	s0 =	simm.s32 @p1 $0x1  }
0x15: {  	[smem:$0x3FAE] =	sst s0;
	s0 =	simm.s32 @!p2 $0x0  }
0x16: {  	s3 =	sld [smem:$0x3FDB];
	s0 =	simm.s32 @p2 $0x1  }
0x17: {  	s4 =	simm.s32 $0x1BF5;
	[smem:$0x3FB0] =	sst s0  }
0x18: {  	s0 =	sld [smem:$0x3F93];
	_ =	swait.ge [sflag:s4], $0x0  }
0x19: {  	s7 =	sld [smem:$0x3F94]  }
0x1a: {  	s8 =	sadd.s32 $0xFFFFE003, lr  }
0x1b: {  	s9 =	sadd.s32 $0xFFFFFEF7, lr;
	s5 =	simm.s32 $0xFFFFFFFF;
	p2 =	slt.u32 s8, $0xFFFFF086  }
0x1c: {  	p1 =	slt.u32 s9, $0xF7A;
	s5 =	simm.s32 @!p2 $0x0  }
0x1d: {  	s5 =	simm.s32 @p1 $0x1;
	p0 =	seq.s32 s7, s2  }
0x1e: {  	s7 =	smul.u32 @!p0 $0xF7A, s2;
	p2 =	seq.s32 @!p0 s5, $0x0  }
0x1f: {  	s9 =	smul.u32 $0xF7A, s1;
	s8 =	simm.s32 @!p0 $0x1BF5;
	p2 =	por !p2, p0  }
0x20: {  	[sflag:s8] =	ssyncset.s32 @!p0 $0xFFFFF086;
	s6 =	sadd.s32 @!p0 s3, s7;
	s7 =	simm.s32 @!p0 $0x108  }
0x21: {  	s3 =	sadd.s32 s3, s9;
	s6 =	sadd.s32 @!p0 $0x88, s6;
	s7 =	simm.s32 @p2 $0x1082  }
0x22: {  	[simem:s7], [sflag:s8] =	dma.local @!p0 [hbm:s6], $0xF7A  }
0x23: {  	s9 =	sor.u32 $0xD0000000, s2;
	s6 =	simm.s32 $0x108;
	_ =	swait.ge @!p0 [sflag:s8], $0x0  }
0x24: {  	s3 =	sadd.s32 $0x88, s3;
	s6 =	simm.s32 @!p1 $0x1082;
	[sflag:s4] =	ssyncset.s32 $0xFFFFF086  }
0x25: {  	[simem:s6], [sflag:s4] =	dma.local [hbm:s3], $0xF7A  }
0x26: {  	[smem:$0x3F94] =	sst s1;
	(tag) =	ssettag s2;
	_ =	strace s9  }
0x27: {  	s1 =	sld [smem:$0x3FA4]  }
0x28: {  	s2 =	sld [smem:$0x3FA5]  }
0x29: {  	s4 =	sld [smem:$0x3FA7]  }
0x2a: {  	p0 =	seq.s32 s5, $0x0;
	s5 =	sld [smem:$0x3FA8]  }
0x2b: {  	s6 =	sld [smem:$0x3FA9]  }
0x2c: {  	s7 =	sld [smem:$0x3FAA]  }
0x2d: {  	s3 =	simm.s32 $0x108;
	s8 =	sld [smem:$0x3FAB]  }
0x2e: {  	s3 =	simm.s32 @!p0 $0x1082;
	s9 =	sld [smem:$0x3FAC]  }
0x2f: {  	lr =	sadd.s32 s0, s3;
	s0 =	sld [smem:$0x3FA3]  }
0x30: {  	s3 =	sld [smem:$0x3FA6]  }
0x31: {  	[smem:$0x3FAF] =	sst s10  }
0x32: {  	s10 =	sld [smem:$0x3FAD];
	_ =	sdelay $0x3  }
0x33: {  	p0 =	seq.s32 s10, $0x1;
	s10 =	sld [smem:$0x3FAF];
	_ =	sdelay $0x3  }
0x34: {  	[smem:$0x3FAF] =	sst s10  }
0x35: {  	s10 =	sld [smem:$0x3FAE];
	_ =	sdelay $0x3  }
0x36: {  	p1 =	seq.s32 s10, $0x1;
	s10 =	sld [smem:$0x3FAF];
	_ =	sdelay $0x3  }
0x37: {  	[smem:$0x3FAF] =	sst s10  }
0x38: {  	s10 =	sld [smem:$0x3FB0]  }
0x39: {  	_ = 	snop;
	(pc) =	sbr.ind lr, $3  }
0x3a: {  	_ = 	snop  }
0x3b: {  	_ = 	snop  }
0x3c: {  	p2 =	seq.s32 s10, $0x1;
	s10 =	sld [smem:$0x3FAF]  }
0x3d: {  	_ =	shalt  }
0x3e: {  	_ =	shalt  }
0x3f: {  	_ =	shalt  }
0x40: {  	_ =	shalt  }
0x41: {  	_ =	shalt  }
0x42: {  	_ =	shalt  }
0x43: {  	_ =	shalt  }
0x44: {  	_ =	shalt  }
0x45: {  	_ =	shalt  }
0x46: {  	_ =	shalt  }
0x47: {  	_ =	shalt  }
0x48: {  	_ =	shalt  }
0x49: {  	_ =	shalt  }
0x4a: {  	_ =	shalt  }
0x4b: {  	_ =	shalt  }
0x4c: {  	_ =	shalt  }
0x4d: {  	_ =	shalt  }
0x4e: {  	_ =	shalt  }
0x4f: {  	_ =	shalt  }
0x50: {  	_ =	shalt  }
0x51: {  	_ =	shalt  }
0x52: {  	_ =	shalt  }
0x53: {  	_ =	shalt  }
0x54: {  	_ =	shalt  }
0x55: {  	_ =	shalt  }
0x56: {  	_ =	shalt  }
0x57: {  	_ =	shalt  }
0x58: {  	_ =	shalt  }
0x59: {  	_ =	shalt  }
0x5a: {  	_ =	shalt  }
0x5b: {  	_ =	shalt  }
0x5c: {  	_ =	shalt  }
0x5d: {  	_ =	shalt  }
0x5e: {  	_ =	shalt  }
0x5f: {  	_ =	shalt  }
0x60: {  	_ =	shalt  }
0x61: {  	_ =	shalt  }
0x62: {  	_ =	shalt  }
0x63: {  	_ =	shalt  }
0x64: {  	_ =	shalt  }
0x65: {  	_ =	shalt  }
0x66: {  	_ =	shalt  }
0x67: {  	_ =	shalt  }
0x68: {  	_ =	shalt  }
0x69: {  	_ =	shalt  }
0x6a: {  	_ =	shalt  }
0x6b: {  	_ =	shalt  }
0x6c: {  	_ =	shalt  }
0x6d: {  	_ =	shalt  }
0x6e: {  	_ =	shalt  }
0x6f: {  	_ =	shalt  }
0x70: {  	_ =	shalt  }
0x71: {  	_ =	shalt  }
0x72: {  	_ =	shalt  }
0x73: {  	_ =	shalt  }
0x74: {  	_ =	shalt  }
0x75: {  	_ =	shalt  }
0x76: {  	_ =	shalt  }
0x77: {  	_ =	shalt  }
0x78: {  	_ =	shalt  }
0x79: {  	_ =	shalt  }
0x7a: {  	_ =	shalt  }
0x7b: {  	_ =	shalt  }
0x7c: {  	_ =	shalt  }
0x7d: {  	_ =	shalt  }
0x7e: {  	_ =	shalt  }
0x7f: {  	_ =	shalt  }
0x80: {  	_ =	shalt  }
0x81: {  	_ =	shalt  }
0x82: {  	_ =	shalt  }
0x83: {  	_ =	shalt  }
0x84: {  	_ =	shalt  }
0x85: {  	_ =	shalt  }
0x86: {  	_ =	shalt  }
0x87: {  	_ =	shalt  }
.Lfunc_end0:
.L_simem_size_0:
called_computation_lowered:
.L_overlay_start_0:
0x88: {  	s2 =	sld [smem:$0x3FD9]  }
0x89: {  	s3 =	sld [smem:$0x3FFE];
	_ =	sdelay $0x1  }
0x8a: {  	s1 =	srdreg.scid  }
0x8b: {  	s0 =	sand.u32 $0x1, s1  }
0x8c: {  	s17 =	sshll.u32 s0, $0xA;
	s2 =	sadd.s32 s3, s2  }
0x8d: {  	s2 =	sadd.s32 s2, s17  }
0x8e: {  	[smem:$0x3FBB] =	sst s2  }
0x8f: {  	_ = 	snop  }
0x90: {  	s2 =	sld [smem:$0x3FD0];
	(tm) =	ssettm $0x1  }
0x91: {  	s18 =	sld [smem:$0x3FFB];
	_ =	sdelay $0x3  }
0x92: {  	_ =	strace s18  }
0x93: {  	s3 =	sld [smem:$0x3FFC];
	_ =	sdelay $0x3  }
0x94: {  	_ =	strace s3  }
0x95: {  	s3 =	sld [smem:$0x3FFD];
	_ =	sdelay $0x3  }
0x96: {  	_ =	strace s3  }
0x97: {  	_ =	strace $0x8FFFFFFF  }
0x98: {  	s19 =	sld [smem:$0x3FDB];
	_ =	sdelay $0x1  }
0x99: {  	s4 =	simm.s32 $_scs_section_size  }
0x9a: {  	s5 =	simm.s32 $_size__tile_overlayer_lowered;
	s6 =	simm.s32 $_tile_overlayer_lowered  }
0x9b: {  	s22 =	simm.s32 $0x1BFF;
	s21 =	sshll.u32 s6, $0x1;
	s3 =	sadd.s32 s4, s19  }
0x9c: {  	s7 =	simm.s32 $0x0;
	s20 =	sshll.u32 s5, $0x1;
	s5 =	sadd.s32 s21, s3  }
0x9d: {  	[timem:s7], [sflag:s22] =	dma.local [hbm:s5], s20  }
0x9e: {  	_ =	swait.ge [sflag:s22], s20  }
0x9f: {  	s4 =	ssub.s32 $0x0, s20;
	[sflag:s22] =	ssyncset.done $0x0  }
0xa0: {  	[sflag:s22] =	ssyncadd.s32 s4;
	_ =	sdelay $0x1  }
0xa1: {  	s23 =	simm.s32 $0x1B8B  }
0xa2: {  	_ =	swait.ge [sflag:s23], $0x1  }
0xa3: {  	[sflag:s23] =	ssyncset.done $0x0  }
0xa4: {  	s25 =	simm.s32 $0x1B8E;
	s24 =	sld [smem:$0x3FFE];
	[sflag:s23] =	ssyncadd.s32 $0xFFFFFFFF  }
0xa5: {  	s26 =	simm.s32 $execute0_lowered;
	[smem:$0x3FD2] =	sst s25  }
0xa6: {  	s5 =	sshll.u32 s26, $0x1;
	_ =	strace $0x80000046;
	[dreg:$0x1] =	wrdreg $0xFFFFFFFF  }
0xa7: {  	s28 =	simm.s32 $_size_execute0_lowered;
	s3 =	sadd.s32 s3, s5;
	[dreg:$0x0] =	wrdreg $0x0  }
0xa8: {  	s5 =	sshll.u32 s28, $0x1;
	[dreg:$0x2] =	wrdreg s3  }
0xa9: {  	[dreg:$0x3] =	wrdreg s5  }
0xaa: {  	[dreg:$0x4] =	wrdreg $0xC0  }
0xab: {  	_ =	task [dreg:s7], $0x5FFFF  }
0xac: {  	[dreg:$0x1] =	wrdreg $0xFFFFFFFF  }
0xad: {  	[dreg:$0x0] =	wrdreg $0x60  }
0xae: {  	[dreg:$0x2] =	wrdreg s24  }
0xaf: {  	[dreg:$0x3] =	wrdreg s2  }
0xb0: {  	[dreg:$0x4] =	wrdreg $0x9  }
0xb1: {  	_ =	task.clear_ibuf [dreg:s7], $0x5FFFF;
	_ =	strace $0x90000046  }
0xb2: {  	s29 =	simm.s32 $0x9;
	_ =	strace $0x80000048  }
0xb3: {  	_ =	swait.ge [sflag:s29], $0x1  }
0xb4: {  	[sflag:s29] =	ssyncadd.s32 $0xFFFFFFFF  }
0xb5: {  	_ =	strace $0x90000048  }
0xb6: {  	_ =	sfence  }
0xb7: {  	s30 =	sld [smem:$0x0];
	_ =	sdelay $0x2  }
0xb8: {  	s31 =	sshll.u32 s1, $0xD;
	s1 =	sshrl.u32 s1, $0x2  }
0xb9: {  	s3 =	sand.u32 $0x4000, s31;
	s1 =	sadd.s32 s1, s30  }
0xba: {  	s0 =	sor.u32 s3, s0;
	s1 =	sshll.u32 s1, $0x11  }
0xbb: {  	s0 =	sor.u32 s1, s0  }
0xbc: {  	s0 =	sadd.s32 $0x8F2B, s0  }
0xbd: {  	[sflag:s0] =	ssyncadd.remote.s32 $0x1  }
0xbe: {  	_ =	sfence.sel $0xFFFF  }
0xbf: {  	[dreg:$0x0] =	wrdreg $0xFFFFFFFF;
	(pc) =	sbr.abs _section_cstart, $3  }
0xc0: {  	[dreg:$0x1] =	wrdreg $0xFFFFFFFF  }
0xc1: {  	_ =	task.clear_ibuf [dreg:s7], $0x2FFFF;
	_ =	strace $0x9FFFFFFF  }
0xc2: {  	(tm) =	ssettm $0x7FFFFFFF  }
0xc3: {  	_ =	shalt  }
tec
execute0_lowered:
.L_overlay_start_1:
0x0: {  	(tag) =	ssettag $0x1  }
0x1: {  	s2 =	rddreg [dreg:$0x0];
	s1 =	srdreg.scid  }
0x2: {  	s0 =	stileid.u32;
	s4 =	rddreg [dreg:$0x1];
	s3 =	simm.s32 $0x0  }
0x3: {  	s14 =	simm.s32 $0x1;
	s15 =	simm.s32 $0x2;
	s16 =	simm.s32 $0x27B0  }
0x4: {  	s17 =	simm.s32 $0x0;
	s6 =	sand.u32 $0x1, s1;
	s11 =	smul.u32 $0x5000, s0  }
0x5: {  	s5 =	sshll.u32 s0, $0x1;
	s1 =	rddreg [dreg:$0x2];
	s29 =	smul.u32 $0xA000, s0  }
0x6: {  	[smem:$0x7FF] =	sst s3;
	s10 =	sadd.s32 $0x8000, s2;
	s28 =	smul.u32 $0x2800, s6  }
0x7: {  	s5 =	sor.u32 s6, s5;
	s8 =	ssub.s32 $0x2, s6;
	s12 =	smul.u32 $0x5000, s6  }
0x8: {  	_ =	strace $0x80000047;
	s7 =	smul.u32 $0x2800, s5;
	s26 =	sshrl.u32 s8, $0x1  }
0x9: {  	s9 =	smul.u32 $0x5000, s5;
	s30 =	sadd.s32 s29, s10;
	s5 =	ssub.s32 s8, s26  }
0xa: {  	s8 =	sadd.s32 s28, s11;
	s11 =	simm.s32 $0x50;
	s7 =	sshrl.u32 s7, $0x3  }
0xb: {  	s5 =	smax.u32 s5, $0x1;
	s9 =	sadd.s32 s10, s9;
	s13 =	sshll.u32 s8, $0x1  }
0xc: {  	s8 =	sadd.s32 s12, s30;
	s12 =	simm.s32 $0x2800;
	s4 =	sadd.s32 s4, s7  }
0xd: {  	s6 =	sadd.s32 $0x4EC0, s9;
	s7 =	sadd.s32 $0x4F60, s9;
	s31 =	sadd.s32 s13, s10  }
0xe: {  	s10 =	simm.s32 $0x3;
	s13 =	simm.s32 $0x2D00;
	s9 =	sadd.s32 $0xA0, s31  }
.LBB2_1:
0xf: {  	[tilespmem:s3], [sflag:$0x3] =	stream.linear.gather [hbm4b:s4+s3], $0x2800, $0x38;
	[tilespmem:$0x3200] =	vst v63  }
0x10: {  	_ =	swait.ge [sflag:s10], $0x2800  }
0x11: {  	[sflag:s10] =	ssyncset.done $0x0  }
0x12: {  	[sflag:s10] =	ssyncadd.s32 $0xFFFFD800  }
0x13: {  	[tilespmem:s12], [sflag:$0x1] =	stream.indirect.gather [hbm4b:s2+s11], $0x10, s3, s11, $0xb8;
	[tilespmem:$0x3200] =	vst v63  }
0x14: {  	s18 =	simm.s32 $0x50  }
0x15: {  	[tilespmem:s13], [sflag:$0x2] =	stream.indirect.gather [hbm4b:s2+s11], $0x10, s18, s11, $0xb8;
	[tilespmem:$0x3200] =	vst v63  }
0x16: {  	_ =	swait.ge [sflag:s14], $0x500  }
0x17: {  	[sflag:s14] =	ssyncset.done $0x0  }
0x18: {  	s29 =	sadd.s32 $0x0, s8;
	[sflag:s14] =	ssyncadd.s32 $0xFFFFFB00  }
0x19: {  	[hbm4b:s29+s3] =	stream.linear.scatter [tilespmem:s12], [sflag:$0x3], $0x500, $0x38;
	[tilespmem:$0x3200] =	vst v63  }
0x1a: {  	_ =	swait.ge [sflag:s10], $0x500  }
0x1b: {  	[sflag:s10] =	ssyncset.done $0x0  }
0x1c: {  	s30 =	simm.s32 $0xA0;
	[sflag:s10] =	ssyncadd.s32 $0xFFFFFB00  }
0x1d: {  	[tilespmem:s12], [sflag:$0x1] =	stream.indirect.gather [hbm4b:s2+s11], $0x10, s30, s11, $0xb8;
	[tilespmem:$0x3200] =	vst v63  }
0x1e: {  	_ =	swait.ge [sflag:s15], $0x500  }
0x1f: {  	[sflag:s15] =	ssyncset.done $0x0  }
0x20: {  	s31 =	sadd.s32 $0x0, s9;
	[sflag:s15] =	ssyncadd.s32 $0xFFFFFB00  }
0x21: {  	[hbm4b:s31+s3] =	stream.linear.scatter [tilespmem:s13], [sflag:$0x3], $0x500, $0x38;
	[tilespmem:$0x3200] =	vst v63  }
0x22: {  	s20 =	simm.s32 $0x280;
	_ =	swait.ge [sflag:s10], $0x500  }
0x23: {  	s19 =	simm.s32 $0x140;
	s18 =	simm.s32 $0x140;
	[sflag:s10] =	ssyncset.done $0x0  }
.LBB2_2:
0x24: {  	p0 =	sne.s32 s20, $0x4D80;
	s21 =	sadd.s32 $0xFFFFFFB0, s19;
	[sflag:s10] =	ssyncadd.s32 $0xFFFFFB00  }
0x25: {  	[tilespmem:s13], [sflag:$0x2] =	stream.indirect.gather [hbm4b:s2+s11], $0x10, s21, s11, $0xb8;
	[tilespmem:$0x3200] =	vst v63  }
0x26: {  	s21 =	smov.u32 s20;
	s20 =	sadd.s32 $0x140, s20;
	_ =	swait.ge [sflag:s14], $0x500  }
0x27: {  	[sflag:s14] =	ssyncset.done $0x0  }
0x28: {  	s22 =	sadd.s32 s18, s8;
	[sflag:s14] =	ssyncadd.s32 $0xFFFFFB00  }
0x29: {  	[hbm4b:s22+s3] =	stream.linear.scatter [tilespmem:s12], [sflag:$0x3], $0x500, $0x38;
	[tilespmem:$0x3200] =	vst v63  }
0x2a: {  	_ =	swait.ge [sflag:s10], $0x500  }
0x2b: {  	[sflag:s10] =	ssyncset.done $0x0  }
0x2c: {  	[sflag:s10] =	ssyncadd.s32 $0xFFFFFB00  }
0x2d: {  	[tilespmem:s12], [sflag:$0x1] =	stream.indirect.gather [hbm4b:s2+s11], $0x10, s19, s11, $0xb8;
	[tilespmem:$0x3200] =	vst v63  }
0x2e: {  	_ =	swait.ge [sflag:s15], $0x500  }
.Ltmp0:
0x2f: {  	[sflag:s15] =	ssyncset.done $0x0;
	(pc) =	sbr.rel @p0 .LBB2_2-.Ltmp0, $4  }
0x30: {  	s22 =	sadd.s32 s18, s9;
	s18 =	smov.u32 s21;
	[sflag:s15] =	ssyncadd.s32 $0xFFFFFB00  }
0x31: {  	[hbm4b:s22+s3] =	stream.linear.scatter [tilespmem:s13], [sflag:$0x3], $0x500, $0x38;
	[tilespmem:$0x3200] =	vst v63  }
0x32: {  	_ =	swait.ge [sflag:s10], $0x500  }
0x33: {  	s19 =	sadd.s32 $0xA0, s19;
	[sflag:s10] =	ssyncset.done $0x0  }
0x34: {  	s20 =	sadd.s32 $0xFFFFFFB0, s19;
	[sflag:s10] =	ssyncadd.s32 $0xFFFFFB00  }
0x35: {  	[tilespmem:s13], [sflag:$0x2] =	stream.indirect.gather [hbm4b:s2+s11], $0x10, s20, s11, $0xb8;
	[tilespmem:$0x3200] =	vst v63  }
0x36: {  	_ =	swait.ge [sflag:s14], $0x500  }
0x37: {  	[sflag:s14] =	ssyncset.done $0x0  }
0x38: {  	s30 =	sadd.s32 s18, s8;
	[sflag:s14] =	ssyncadd.s32 $0xFFFFFB00  }
0x39: {  	[hbm4b:s30+s3] =	stream.linear.scatter [tilespmem:s12], [sflag:$0x3], $0x500, $0x38;
	[tilespmem:$0x3200] =	vst v63  }
0x3a: {  	_ =	swait.ge [sflag:s10], $0x500  }
0x3b: {  	[sflag:s10] =	ssyncset.done $0x0  }
0x3c: {  	[sflag:s10] =	ssyncadd.s32 $0xFFFFFB00  }
0x3d: {  	[tilespmem:s12], [sflag:$0x1] =	stream.indirect.gather [hbm4b:s2+s11], $0x10, s19, s11, $0xb8;
	[tilespmem:$0x3200] =	vst v63  }
0x3e: {  	_ =	swait.ge [sflag:s15], $0x500  }
0x3f: {  	[sflag:s15] =	ssyncset.done $0x0  }
0x40: {  	s31 =	sadd.s32 s18, s9;
	[sflag:s15] =	ssyncadd.s32 $0xFFFFFB00  }
0x41: {  	[hbm4b:s31+s3] =	stream.linear.scatter [tilespmem:s13], [sflag:$0x3], $0x500, $0x38;
	[tilespmem:$0x3200] =	vst v63  }
0x42: {  	_ =	swait.ge [sflag:s10], $0x500  }
0x43: {  	[sflag:s10] =	ssyncset.done $0x0  }
0x44: {  	[sflag:s10] =	ssyncadd.s32 $0xFFFFFB00  }
0x45: {  	[tilespmem:s13], [sflag:$0x2] =	stream.indirect.gather [hbm4b:s2+s11], $0x10, s16, s11, $0xb8;
	[tilespmem:$0x3200] =	vst v63  }
0x46: {  	_ =	swait.ge [sflag:s14], $0x500  }
0x47: {  	[sflag:s14] =	ssyncset.done $0x0  }
0x48: {  	[sflag:s14] =	ssyncadd.s32 $0xFFFFFB00  }
0x49: {  	[hbm4b:s6+s3] =	stream.linear.scatter [tilespmem:s12], [sflag:$0x3], $0x500, $0x38;
	[tilespmem:$0x3200] =	vst v63  }
0x4a: {  	_ =	swait.ge [sflag:s10], $0x500  }
0x4b: {  	[sflag:s10] =	ssyncset.done $0x0  }
0x4c: {  	[sflag:s10] =	ssyncadd.s32 $0xFFFFFB00  }
0x4d: {  	s17 =	sadd.s32 $0x1, s17;
	_ =	swait.ge [sflag:s15], $0x500  }
0x4e: {  	p0 =	sne.s32 s17, s5;
	[sflag:s15] =	ssyncset.done $0x0  }
.Ltmp1:
0x4f: {  	[sflag:s15] =	ssyncadd.s32 $0xFFFFFB00;
	(pc) =	sbr.rel @p0 .LBB2_1-.Ltmp1, $4  }
0x50: {  	[hbm4b:s7+s3] =	stream.linear.scatter [tilespmem:s13], [sflag:$0x3], $0x500, $0x38;
	[tilespmem:$0x3200] =	vst v63  }
0x51: {  	_ =	swait.ge [sflag:s10], $0x500  }
0x52: {  	[sflag:s10] =	ssyncset.done $0x0  }
0x53: {  	[sflag:s10] =	ssyncadd.s32 $0xFFFFFB00  }
0x54: {  	_ =	sfence.sel $0x180000  }
0x55: {  	[bflag:$0x0] =	sbarrier.arrive $0xFFFF  }
0x56: {  	p0 =	sne.s32 s0, $0x0;
	_ =	strace $0x90000047  }
0x57: {  	s0 =	sadd.s32 @!p0 $0x100000, s1;
	[bflag:$0x2] =	sbarrier.arrive $0xFFFF  }
0x58: {  	[sflag:s0] =	ssyncadd.tile.s32 @!p0 $0x1;
	_ =	shalt  }
.Lfunc_end2:
_tile_overlayer_lowered:
.L_overlay_start_2:
0x59: {  	(tag) =	ssettag $0x2  }
0x5a: {  	s0 =	rddreg [dreg:$0x0];
	s2 =	stileid.u32  }
0x5b: {  	s1 =	rddreg [dreg:$0x1];
	p0 =	sne.s32 s2, $0x0  }
0x5c: {  	s3 =	rddreg [dreg:$0x2];
	[bflag:$0x3] =	sbarrier.arrive $0xFFFF;
	s2 =	simm.s32 @!p0 $0x1C03  }
0x5d: {  	[timem:s3], [sflag:s2] =	dma.local @!p0 [hbm:s0], s1  }
0x5e: {  	s0 =	simm.s32 @!p0 $0x3  }
0x5f: {  	_ =	swait.ge @!p0 [sflag:s0], s1  }
0x60: {  	s1 =	ssub.s32 @!p0 $0x0, s1;
	[sflag:s0] =	ssyncset.done @!p0 $0x0  }
0x61: {  	[sflag:s0] =	ssyncadd.s32 @!p0 s1  }
0x62: {  	[bflag:$0x3] =	sbarrier.arrive $0xFFFF  }
0x63: {  	_ =	shalt  }

// kernel: kernel.17.cloned.1.call-start
scs
__scs_entry_jumppad:
0x0: {  	(pc) =	sbr.rel $0x88, $3  }
0x1: {  	(tag) =	ssettag $0x0;
	lr =	simm.s32 $0x1  }
0x2: {  	[smem:$0x3F94] =	sst lr;
	_ =	strace $0xD0000000  }
0x3: {  	_ = 	snop  }
0x4: {  	_ = 	snop  }
0x5: {  	_ = 	snop  }
0x6: {  	_ = 	snop  }
0x7: {  	_ = 	snop  }
__scs_overlays_trampoline_lowered:
0x8: {  	[smem:$0x3FA3] =	sst s0  }
0x9: {  	[smem:$0x3FA4] =	sst s1  }
0xa: {  	[smem:$0x3FA5] =	sst s2  }
0xb: {  	[smem:$0x3FA6] =	sst s3  }
0xc: {  	[smem:$0x3FA7] =	sst s4  }
0xd: {  	[smem:$0x3FA8] =	sst s5  }
0xe: {  	[smem:$0x3FA9] =	sst s6  }
0xf: {  	[smem:$0x3FAA] =	sst s7  }
0x10: {  	[smem:$0x3FAB] =	sst s8  }
0x11: {  	[smem:$0x3FAC] =	sst s9;
	s0 =	simm.s32 @!p0 $0x0  }
0x12: {  	s1 =	sld [smem:$0x3F92];
	s0 =	simm.s32 @p0 $0x1  }
0x13: {  	[smem:$0x3FAD] =	sst s0;
	s0 =	simm.s32 @!p1 $0x0  }
0x14: {  	s2 =	sld [smem:$0x3F91];
	s0 =	simm.s32 @p1 $0x1  }
0x15: {  	[smem:$0x3FAE] =	sst s0;
	s0 =	simm.s32 @!p2 $0x0  }
0x16: {  	s3 =	sld [smem:$0x3FDB];
	s0 =	simm.s32 @p2 $0x1  }
0x17: {  	s4 =	simm.s32 $0x1BF5;
	[smem:$0x3FB0] =	sst s0  }
0x18: {  	s0 =	sld [smem:$0x3F93];
	_ =	swait.ge [sflag:s4], $0x0  }
0x19: {  	s7 =	sld [smem:$0x3F94]  }
0x1a: {  	s8 =	sadd.s32 $0xFFFFE003, lr  }
0x1b: {  	s9 =	sadd.s32 $0xFFFFFEF7, lr;
	s5 =	simm.s32 $0xFFFFFFFF;
	p2 =	slt.u32 s8, $0xFFFFF086  }
0x1c: {  	p1 =	slt.u32 s9, $0xF7A;
	s5 =	simm.s32 @!p2 $0x0  }
0x1d: {  	s5 =	simm.s32 @p1 $0x1;
	p0 =	seq.s32 s7, s2  }
0x1e: {  	s7 =	smul.u32 @!p0 $0xF7A, s2;
	p2 =	seq.s32 @!p0 s5, $0x0  }
0x1f: {  	s9 =	smul.u32 $0xF7A, s1;
	s8 =	simm.s32 @!p0 $0x1BF5;
	p2 =	por !p2, p0  }
0x20: {  	[sflag:s8] =	ssyncset.s32 @!p0 $0xFFFFF086;
	s6 =	sadd.s32 @!p0 s3, s7;
	s7 =	simm.s32 @!p0 $0x108  }
0x21: {  	s3 =	sadd.s32 s3, s9;
	s6 =	sadd.s32 @!p0 $0x88, s6;
	s7 =	simm.s32 @p2 $0x1082  }
0x22: {  	[simem:s7], [sflag:s8] =	dma.local @!p0 [hbm:s6], $0xF7A  }
0x23: {  	s9 =	sor.u32 $0xD0000000, s2;
	s6 =	simm.s32 $0x108;
	_ =	swait.ge @!p0 [sflag:s8], $0x0  }
0x24: {  	s3 =	sadd.s32 $0x88, s3;
	s6 =	simm.s32 @!p1 $0x1082;
	[sflag:s4] =	ssyncset.s32 $0xFFFFF086  }
0x25: {  	[simem:s6], [sflag:s4] =	dma.local [hbm:s3], $0xF7A  }
0x26: {  	[smem:$0x3F94] =	sst s1;
	(tag) =	ssettag s2;
	_ =	strace s9  }
0x27: {  	s1 =	sld [smem:$0x3FA4]  }
0x28: {  	s2 =	sld [smem:$0x3FA5]  }
0x29: {  	s4 =	sld [smem:$0x3FA7]  }
0x2a: {  	p0 =	seq.s32 s5, $0x0;
	s5 =	sld [smem:$0x3FA8]  }
0x2b: {  	s6 =	sld [smem:$0x3FA9]  }
0x2c: {  	s7 =	sld [smem:$0x3FAA]  }
0x2d: {  	s3 =	simm.s32 $0x108;
	s8 =	sld [smem:$0x3FAB]  }
0x2e: {  	s3 =	simm.s32 @!p0 $0x1082;
	s9 =	sld [smem:$0x3FAC]  }
0x2f: {  	lr =	sadd.s32 s0, s3;
	s0 =	sld [smem:$0x3FA3]  }
0x30: {  	s3 =	sld [smem:$0x3FA6]  }
0x31: {  	[smem:$0x3FAF] =	sst s10  }
0x32: {  	s10 =	sld [smem:$0x3FAD];
	_ =	sdelay $0x3  }
0x33: {  	p0 =	seq.s32 s10, $0x1;
	s10 =	sld [smem:$0x3FAF];
	_ =	sdelay $0x3  }
0x34: {  	[smem:$0x3FAF] =	sst s10  }
0x35: {  	s10 =	sld [smem:$0x3FAE];
	_ =	sdelay $0x3  }
0x36: {  	p1 =	seq.s32 s10, $0x1;
	s10 =	sld [smem:$0x3FAF];
	_ =	sdelay $0x3  }
0x37: {  	[smem:$0x3FAF] =	sst s10  }
0x38: {  	s10 =	sld [smem:$0x3FB0]  }
0x39: {  	_ = 	snop;
	(pc) =	sbr.ind lr, $3  }
0x3a: {  	_ = 	snop  }
0x3b: {  	_ = 	snop  }
0x3c: {  	p2 =	seq.s32 s10, $0x1;
	s10 =	sld [smem:$0x3FAF]  }
0x3d: {  	_ =	shalt  }
0x3e: {  	_ =	shalt  }
0x3f: {  	_ =	shalt  }
0x40: {  	_ =	shalt  }
0x41: {  	_ =	shalt  }
0x42: {  	_ =	shalt  }
0x43: {  	_ =	shalt  }
0x44: {  	_ =	shalt  }
0x45: {  	_ =	shalt  }
0x46: {  	_ =	shalt  }
0x47: {  	_ =	shalt  }
0x48: {  	_ =	shalt  }
0x49: {  	_ =	shalt  }
0x4a: {  	_ =	shalt  }
0x4b: {  	_ =	shalt  }
0x4c: {  	_ =	shalt  }
0x4d: {  	_ =	shalt  }
0x4e: {  	_ =	shalt  }
0x4f: {  	_ =	shalt  }
0x50: {  	_ =	shalt  }
0x51: {  	_ =	shalt  }
0x52: {  	_ =	shalt  }
0x53: {  	_ =	shalt  }
0x54: {  	_ =	shalt  }
0x55: {  	_ =	shalt  }
0x56: {  	_ =	shalt  }
0x57: {  	_ =	shalt  }
0x58: {  	_ =	shalt  }
0x59: {  	_ =	shalt  }
0x5a: {  	_ =	shalt  }
0x5b: {  	_ =	shalt  }
0x5c: {  	_ =	shalt  }
0x5d: {  	_ =	shalt  }
0x5e: {  	_ =	shalt  }
0x5f: {  	_ =	shalt  }
0x60: {  	_ =	shalt  }
0x61: {  	_ =	shalt  }
0x62: {  	_ =	shalt  }
0x63: {  	_ =	shalt  }
0x64: {  	_ =	shalt  }
0x65: {  	_ =	shalt  }
0x66: {  	_ =	shalt  }
0x67: {  	_ =	shalt  }
0x68: {  	_ =	shalt  }
0x69: {  	_ =	shalt  }
0x6a: {  	_ =	shalt  }
0x6b: {  	_ =	shalt  }
0x6c: {  	_ =	shalt  }
0x6d: {  	_ =	shalt  }
0x6e: {  	_ =	shalt  }
0x6f: {  	_ =	shalt  }
0x70: {  	_ =	shalt  }
0x71: {  	_ =	shalt  }
0x72: {  	_ =	shalt  }
0x73: {  	_ =	shalt  }
0x74: {  	_ =	shalt  }
0x75: {  	_ =	shalt  }
0x76: {  	_ =	shalt  }
0x77: {  	_ =	shalt  }
0x78: {  	_ =	shalt  }
0x79: {  	_ =	shalt  }
0x7a: {  	_ =	shalt  }
0x7b: {  	_ =	shalt  }
0x7c: {  	_ =	shalt  }
0x7d: {  	_ =	shalt  }
0x7e: {  	_ =	shalt  }
0x7f: {  	_ =	shalt  }
0x80: {  	_ =	shalt  }
0x81: {  	_ =	shalt  }
0x82: {  	_ =	shalt  }
0x83: {  	_ =	shalt  }
0x84: {  	_ =	shalt  }
0x85: {  	_ =	shalt  }
0x86: {  	_ =	shalt  }
0x87: {  	_ =	shalt  }
.Lfunc_end0:
.L_simem_size_0:
called_computation.1_lowered:
.L_overlay_start_0:
0x88: {  	s2 =	sld [smem:$0x3FD9]  }
0x89: {  	s3 =	sld [smem:$0x3FFE];
	_ =	sdelay $0x1  }
0x8a: {  	s1 =	srdreg.scid  }
0x8b: {  	s0 =	sand.u32 $0x1, s1  }
0x8c: {  	s17 =	sshll.u32 s0, $0xA;
	s2 =	sadd.s32 s3, s2  }
0x8d: {  	s2 =	sadd.s32 s2, s17  }
0x8e: {  	[smem:$0x3FBB] =	sst s2  }
0x8f: {  	_ = 	snop  }
0x90: {  	s2 =	sld [smem:$0x3FD0];
	(tm) =	ssettm $0x1  }
0x91: {  	s18 =	sld [smem:$0x3FFB];
	_ =	sdelay $0x3  }
0x92: {  	_ =	strace s18  }
0x93: {  	s3 =	sld [smem:$0x3FFC];
	_ =	sdelay $0x3  }
0x94: {  	_ =	strace s3  }
0x95: {  	s3 =	sld [smem:$0x3FFD];
	_ =	sdelay $0x3  }
0x96: {  	_ =	strace s3  }
0x97: {  	_ =	strace $0x8FFFFFFF  }
0x98: {  	s19 =	sld [smem:$0x3FDB];
	_ =	sdelay $0x1  }
0x99: {  	s4 =	simm.s32 $_scs_section_size  }
0x9a: {  	s5 =	simm.s32 $_size__tile_overlayer_lowered;
	s6 =	simm.s32 $_tile_overlayer_lowered  }
0x9b: {  	s22 =	simm.s32 $0x1BFF;
	s21 =	sshll.u32 s6, $0x1;
	s3 =	sadd.s32 s4, s19  }
0x9c: {  	s7 =	simm.s32 $0x0;
	s20 =	sshll.u32 s5, $0x1;
	s5 =	sadd.s32 s21, s3  }
0x9d: {  	[timem:s7], [sflag:s22] =	dma.local [hbm:s5], s20  }
0x9e: {  	_ =	swait.ge [sflag:s22], s20  }
0x9f: {  	s4 =	ssub.s32 $0x0, s20;
	[sflag:s22] =	ssyncset.done $0x0  }
0xa0: {  	[sflag:s22] =	ssyncadd.s32 s4;
	_ =	sdelay $0x1  }
0xa1: {  	s23 =	simm.s32 $0x1B8B  }
0xa2: {  	_ =	swait.ge [sflag:s23], $0x1  }
0xa3: {  	[sflag:s23] =	ssyncset.done $0x0  }
0xa4: {  	s25 =	simm.s32 $0x1B8E;
	s24 =	sld [smem:$0x3FFE];
	[sflag:s23] =	ssyncadd.s32 $0xFFFFFFFF  }
0xa5: {  	s26 =	simm.s32 $execute0_lowered;
	[smem:$0x3FD2] =	sst s25  }
0xa6: {  	s5 =	sshll.u32 s26, $0x1;
	_ =	strace $0x80000049;
	[dreg:$0x1] =	wrdreg $0xFFFFFFFF  }
0xa7: {  	s28 =	simm.s32 $_size_execute0_lowered;
	s3 =	sadd.s32 s3, s5;
	[dreg:$0x0] =	wrdreg $0x0  }
0xa8: {  	s5 =	sshll.u32 s28, $0x1;
	[dreg:$0x2] =	wrdreg s3  }
0xa9: {  	[dreg:$0x3] =	wrdreg s5  }
0xaa: {  	[dreg:$0x4] =	wrdreg $0xC0  }
0xab: {  	_ =	task [dreg:s7], $0x5FFFF  }
0xac: {  	[dreg:$0x1] =	wrdreg $0xFFFFFFFF  }
0xad: {  	[dreg:$0x0] =	wrdreg $0x60  }
0xae: {  	[dreg:$0x2] =	wrdreg s2  }
0xaf: {  	[dreg:$0x3] =	wrdreg s24  }
0xb0: {  	[dreg:$0x4] =	wrdreg $0x9  }
0xb1: {  	_ =	task.clear_ibuf [dreg:s7], $0x5FFFF;
	_ =	strace $0x90000049  }
0xb2: {  	s29 =	simm.s32 $0x9;
	_ =	strace $0x8000004B  }
0xb3: {  	_ =	swait.ge [sflag:s29], $0x1  }
0xb4: {  	[sflag:s29] =	ssyncadd.s32 $0xFFFFFFFF  }
0xb5: {  	_ =	strace $0x9000004B  }
0xb6: {  	_ =	sfence  }
0xb7: {  	s30 =	sld [smem:$0x0];
	_ =	sdelay $0x2  }
0xb8: {  	s31 =	sshll.u32 s1, $0xD;
	s1 =	sshrl.u32 s1, $0x2  }
0xb9: {  	s3 =	sand.u32 $0x4000, s31;
	s1 =	sadd.s32 s1, s30  }
0xba: {  	s0 =	sor.u32 s3, s0;
	s1 =	sshll.u32 s1, $0x11  }
0xbb: {  	s0 =	sor.u32 s1, s0  }
0xbc: {  	s0 =	sadd.s32 $0x8F2B, s0  }
0xbd: {  	[sflag:s0] =	ssyncadd.remote.s32 $0x1  }
0xbe: {  	_ =	sfence.sel $0xFFFF  }
0xbf: {  	[dreg:$0x0] =	wrdreg $0xFFFFFFFF;
	(pc) =	sbr.abs _section_cstart, $3  }
0xc0: {  	[dreg:$0x1] =	wrdreg $0xFFFFFFFF  }
0xc1: {  	_ =	task.clear_ibuf [dreg:s7], $0x2FFFF;
	_ =	strace $0x9FFFFFFF  }
0xc2: {  	(tm) =	ssettm $0x7FFFFFFF  }
0xc3: {  	_ =	shalt  }
tec
execute0_lowered:
.L_overlay_start_1:
0x0: {  	(tag) =	ssettag $0x1  }
0x1: {  	s2 =	rddreg [dreg:$0x0]  }
0x2: {  	s1 =	srdreg.scid;
	s0 =	stileid.u32  }
0x3: {  	s4 =	rddreg [dreg:$0x1];
	s3 =	simm.s32 $0x0;
	s14 =	simm.s32 $0x1  }
0x4: {  	s15 =	simm.s32 $0x2;
	s16 =	simm.s32 $0x27B0;
	s10 =	smul.u32 $0x5000, s0  }
0x5: {  	s6 =	sand.u32 $0x1, s1;
	s5 =	sshll.u32 s0, $0x1;
	s29 =	smul.u32 $0x28000, s0  }
0x6: {  	s1 =	rddreg [dreg:$0x2];
	s5 =	sor.u32 s6, s5;
	s28 =	smul.u32 $0x2800, s6  }
0x7: {  	s17 =	simm.s32 $0x0;
	[smem:$0x7FF] =	sst s3;
	s7 =	smul.u32 $0x2800, s5  }
0x8: {  	s11 =	sadd.s32 $0x4A000, s4;
	s8 =	ssub.s32 $0x2, s6;
	s9 =	smul.u32 $0x14000, s5  }
0x9: {  	_ =	strace $0x8000004A;
	s12 =	smul.u32 $0x14000, s6;
	s26 =	sshrl.u32 s8, $0x1  }
0xa: {  	s30 =	sadd.s32 s29, s11;
	s7 =	sshrl.u32 s7, $0x3;
	s9 =	sadd.s32 s11, s9  }
0xb: {  	s25 =	sadd.s32 s7, s4;
	s7 =	ssub.s32 s8, s26;
	s8 =	sadd.s32 s28, s10  }
0xc: {  	s6 =	sadd.s32 $0x13B00, s9;
	s10 =	simm.s32 $0x3;
	s4 =	sadd.s32 $0x40000, s25  }
0xd: {  	s5 =	smax.u32 s7, $0x1;
	s13 =	sshll.u32 s8, $0x3;
	s7 =	sadd.s32 $0x13D80, s9  }
0xe: {  	s8 =	sadd.s32 s12, s30;
	s12 =	simm.s32 $0x2800;
	s31 =	sadd.s32 s13, s11  }
0xf: {  	s11 =	simm.s32 $0x50;
	s13 =	simm.s32 $0x3C00;
	s9 =	sadd.s32 $0x280, s31  }
.LBB2_1:
0x10: {  	[tilespmem:s3], [sflag:$0x3] =	stream.linear.gather [hbm4b:s4+s3], $0x2800, $0x38;
	[tilespmem:$0x5000] =	vst v63  }
0x11: {  	_ =	swait.ge [sflag:s10], $0x2800  }
0x12: {  	[sflag:s10] =	ssyncset.done $0x0  }
0x13: {  	[sflag:s10] =	ssyncadd.s32 $0xFFFFD800  }
0x14: {  	[tilespmem:s12], [sflag:$0x1] =	stream.indirect.gather [hbm4b:s2+s11], $0x40, s3, s11, $0xb8;
	[tilespmem:$0x5000] =	vst v63  }
0x15: {  	s18 =	simm.s32 $0x50  }
0x16: {  	[tilespmem:s13], [sflag:$0x2] =	stream.indirect.gather [hbm4b:s2+s11], $0x40, s18, s11, $0xb8;
	[tilespmem:$0x5000] =	vst v63  }
0x17: {  	_ =	swait.ge [sflag:s14], $0x1400  }
0x18: {  	[sflag:s14] =	ssyncset.done $0x0  }
0x19: {  	s29 =	sadd.s32 $0x0, s8;
	[sflag:s14] =	ssyncadd.s32 $0xFFFFEC00  }
0x1a: {  	[hbm4b:s29+s3] =	stream.linear.scatter [tilespmem:s12], [sflag:$0x3], $0x1400, $0x38;
	[tilespmem:$0x5000] =	vst v63  }
0x1b: {  	_ =	swait.ge [sflag:s10], $0x1400  }
0x1c: {  	[sflag:s10] =	ssyncset.done $0x0  }
0x1d: {  	s30 =	simm.s32 $0xA0;
	[sflag:s10] =	ssyncadd.s32 $0xFFFFEC00  }
0x1e: {  	[tilespmem:s12], [sflag:$0x1] =	stream.indirect.gather [hbm4b:s2+s11], $0x40, s30, s11, $0xb8;
	[tilespmem:$0x5000] =	vst v63  }
0x1f: {  	_ =	swait.ge [sflag:s15], $0x1400  }
0x20: {  	[sflag:s15] =	ssyncset.done $0x0  }
0x21: {  	s31 =	sadd.s32 $0x0, s9;
	[sflag:s15] =	ssyncadd.s32 $0xFFFFEC00  }
0x22: {  	[hbm4b:s31+s3] =	stream.linear.scatter [tilespmem:s13], [sflag:$0x3], $0x1400, $0x38;
	[tilespmem:$0x5000] =	vst v63  }
0x23: {  	s20 =	simm.s32 $0xA00;
	_ =	swait.ge [sflag:s10], $0x1400  }
0x24: {  	s19 =	simm.s32 $0x140;
	s18 =	simm.s32 $0x500;
	[sflag:s10] =	ssyncset.done $0x0  }
.LBB2_2:
0x25: {  	p0 =	sne.s32 s20, $0x13600;
	s21 =	sadd.s32 $0xFFFFFFB0, s19;
	[sflag:s10] =	ssyncadd.s32 $0xFFFFEC00  }
0x26: {  	[tilespmem:s13], [sflag:$0x2] =	stream.indirect.gather [hbm4b:s2+s11], $0x40, s21, s11, $0xb8;
	[tilespmem:$0x5000] =	vst v63  }
0x27: {  	s21 =	smov.u32 s20;
	s20 =	sadd.s32 $0x500, s20;
	_ =	swait.ge [sflag:s14], $0x1400  }
0x28: {  	[sflag:s14] =	ssyncset.done $0x0  }
0x29: {  	s22 =	sadd.s32 s18, s8;
	[sflag:s14] =	ssyncadd.s32 $0xFFFFEC00  }
0x2a: {  	[hbm4b:s22+s3] =	stream.linear.scatter [tilespmem:s12], [sflag:$0x3], $0x1400, $0x38;
	[tilespmem:$0x5000] =	vst v63  }
0x2b: {  	_ =	swait.ge [sflag:s10], $0x1400  }
0x2c: {  	[sflag:s10] =	ssyncset.done $0x0  }
0x2d: {  	[sflag:s10] =	ssyncadd.s32 $0xFFFFEC00  }
0x2e: {  	[tilespmem:s12], [sflag:$0x1] =	stream.indirect.gather [hbm4b:s2+s11], $0x40, s19, s11, $0xb8;
	[tilespmem:$0x5000] =	vst v63  }
0x2f: {  	_ =	swait.ge [sflag:s15], $0x1400  }
.Ltmp0:
0x30: {  	[sflag:s15] =	ssyncset.done $0x0;
	(pc) =	sbr.rel @p0 .LBB2_2-.Ltmp0, $4  }
0x31: {  	s22 =	sadd.s32 s18, s9;
	s18 =	smov.u32 s21;
	[sflag:s15] =	ssyncadd.s32 $0xFFFFEC00  }
0x32: {  	[hbm4b:s22+s3] =	stream.linear.scatter [tilespmem:s13], [sflag:$0x3], $0x1400, $0x38;
	[tilespmem:$0x5000] =	vst v63  }
0x33: {  	_ =	swait.ge [sflag:s10], $0x1400  }
0x34: {  	s19 =	sadd.s32 $0xA0, s19;
	[sflag:s10] =	ssyncset.done $0x0  }
0x35: {  	s20 =	sadd.s32 $0xFFFFFFB0, s19;
	[sflag:s10] =	ssyncadd.s32 $0xFFFFEC00  }
0x36: {  	[tilespmem:s13], [sflag:$0x2] =	stream.indirect.gather [hbm4b:s2+s11], $0x40, s20, s11, $0xb8;
	[tilespmem:$0x5000] =	vst v63  }
0x37: {  	_ =	swait.ge [sflag:s14], $0x1400  }
0x38: {  	[sflag:s14] =	ssyncset.done $0x0  }
0x39: {  	s30 =	sadd.s32 s18, s8;
	[sflag:s14] =	ssyncadd.s32 $0xFFFFEC00  }
0x3a: {  	[hbm4b:s30+s3] =	stream.linear.scatter [tilespmem:s12], [sflag:$0x3], $0x1400, $0x38;
	[tilespmem:$0x5000] =	vst v63  }
0x3b: {  	_ =	swait.ge [sflag:s10], $0x1400  }
0x3c: {  	[sflag:s10] =	ssyncset.done $0x0  }
0x3d: {  	[sflag:s10] =	ssyncadd.s32 $0xFFFFEC00  }
0x3e: {  	[tilespmem:s12], [sflag:$0x1] =	stream.indirect.gather [hbm4b:s2+s11], $0x40, s19, s11, $0xb8;
	[tilespmem:$0x5000] =	vst v63  }
0x3f: {  	_ =	swait.ge [sflag:s15], $0x1400  }
0x40: {  	[sflag:s15] =	ssyncset.done $0x0  }
0x41: {  	s31 =	sadd.s32 s18, s9;
	[sflag:s15] =	ssyncadd.s32 $0xFFFFEC00  }
0x42: {  	[hbm4b:s31+s3] =	stream.linear.scatter [tilespmem:s13], [sflag:$0x3], $0x1400, $0x38;
	[tilespmem:$0x5000] =	vst v63  }
0x43: {  	_ =	swait.ge [sflag:s10], $0x1400  }
0x44: {  	[sflag:s10] =	ssyncset.done $0x0  }
0x45: {  	[sflag:s10] =	ssyncadd.s32 $0xFFFFEC00  }
0x46: {  	[tilespmem:s13], [sflag:$0x2] =	stream.indirect.gather [hbm4b:s2+s11], $0x40, s16, s11, $0xb8;
	[tilespmem:$0x5000] =	vst v63  }
0x47: {  	_ =	swait.ge [sflag:s14], $0x1400  }
0x48: {  	[sflag:s14] =	ssyncset.done $0x0  }
0x49: {  	[sflag:s14] =	ssyncadd.s32 $0xFFFFEC00  }
0x4a: {  	[hbm4b:s6+s3] =	stream.linear.scatter [tilespmem:s12], [sflag:$0x3], $0x1400, $0x38;
	[tilespmem:$0x5000] =	vst v63  }
0x4b: {  	_ =	swait.ge [sflag:s10], $0x1400  }
0x4c: {  	[sflag:s10] =	ssyncset.done $0x0  }
0x4d: {  	[sflag:s10] =	ssyncadd.s32 $0xFFFFEC00  }
0x4e: {  	s17 =	sadd.s32 $0x1, s17;
	_ =	swait.ge [sflag:s15], $0x1400  }
0x4f: {  	p0 =	sne.s32 s17, s5;
	[sflag:s15] =	ssyncset.done $0x0  }
.Ltmp1:
0x50: {  	[sflag:s15] =	ssyncadd.s32 $0xFFFFEC00;
	(pc) =	sbr.rel @p0 .LBB2_1-.Ltmp1, $4  }
0x51: {  	[hbm4b:s7+s3] =	stream.linear.scatter [tilespmem:s13], [sflag:$0x3], $0x1400, $0x38;
	[tilespmem:$0x5000] =	vst v63  }
0x52: {  	_ =	swait.ge [sflag:s10], $0x1400  }
0x53: {  	[sflag:s10] =	ssyncset.done $0x0  }
0x54: {  	[sflag:s10] =	ssyncadd.s32 $0xFFFFEC00  }
0x55: {  	_ =	sfence.sel $0x180000  }
0x56: {  	[bflag:$0x0] =	sbarrier.arrive $0xFFFF  }
0x57: {  	p0 =	sne.s32 s0, $0x0;
	_ =	strace $0x9000004A  }
0x58: {  	s0 =	sadd.s32 @!p0 $0x100000, s1;
	[bflag:$0x2] =	sbarrier.arrive $0xFFFF  }
0x59: {  	[sflag:s0] =	ssyncadd.tile.s32 @!p0 $0x1;
	_ =	shalt  }
.Lfunc_end2:
_tile_overlayer_lowered:
.L_overlay_start_2:
0x5a: {  	(tag) =	ssettag $0x2  }
0x5b: {  	s0 =	rddreg [dreg:$0x0];
	s2 =	stileid.u32  }
0x5c: {  	s1 =	rddreg [dreg:$0x1];
	p0 =	sne.s32 s2, $0x0  }
0x5d: {  	s3 =	rddreg [dreg:$0x2];
	[bflag:$0x3] =	sbarrier.arrive $0xFFFF;
	s2 =	simm.s32 @!p0 $0x1C03  }
0x5e: {  	[timem:s3], [sflag:s2] =	dma.local @!p0 [hbm:s0], s1  }
0x5f: {  	s0 =	simm.s32 @!p0 $0x3  }
0x60: {  	_ =	swait.ge @!p0 [sflag:s0], s1  }
0x61: {  	s1 =	ssub.s32 @!p0 $0x0, s1;
	[sflag:s0] =	ssyncset.done @!p0 $0x0  }
0x62: {  	[sflag:s0] =	ssyncadd.s32 @!p0 s1  }
0x63: {  	[bflag:$0x3] =	sbarrier.arrive $0xFFFF  }
0x64: {  	_ =	shalt  }

// kernel: kernel.20.cloned.1.call-start
scs
__scs_entry_jumppad:
0x0: {  	(pc) =	sbr.rel $0x88, $3  }
0x1: {  	(tag) =	ssettag $0x0;
	lr =	simm.s32 $0x1  }
0x2: {  	[smem:$0x3F94] =	sst lr;
	_ =	strace $0xD0000000  }
0x3: {  	_ = 	snop  }
0x4: {  	_ = 	snop  }
0x5: {  	_ = 	snop  }
0x6: {  	_ = 	snop  }
0x7: {  	_ = 	snop  }
__scs_overlays_trampoline_lowered:
0x8: {  	[smem:$0x3FA3] =	sst s0  }
0x9: {  	[smem:$0x3FA4] =	sst s1  }
0xa: {  	[smem:$0x3FA5] =	sst s2  }
0xb: {  	[smem:$0x3FA6] =	sst s3  }
0xc: {  	[smem:$0x3FA7] =	sst s4  }
0xd: {  	[smem:$0x3FA8] =	sst s5  }
0xe: {  	[smem:$0x3FA9] =	sst s6  }
0xf: {  	[smem:$0x3FAA] =	sst s7  }
0x10: {  	[smem:$0x3FAB] =	sst s8  }
0x11: {  	[smem:$0x3FAC] =	sst s9;
	s0 =	simm.s32 @!p0 $0x0  }
0x12: {  	s1 =	sld [smem:$0x3F92];
	s0 =	simm.s32 @p0 $0x1  }
0x13: {  	[smem:$0x3FAD] =	sst s0;
	s0 =	simm.s32 @!p1 $0x0  }
0x14: {  	s2 =	sld [smem:$0x3F91];
	s0 =	simm.s32 @p1 $0x1  }
0x15: {  	[smem:$0x3FAE] =	sst s0;
	s0 =	simm.s32 @!p2 $0x0  }
0x16: {  	s3 =	sld [smem:$0x3FDB];
	s0 =	simm.s32 @p2 $0x1  }
0x17: {  	s4 =	simm.s32 $0x1BF5;
	[smem:$0x3FB0] =	sst s0  }
0x18: {  	s0 =	sld [smem:$0x3F93];
	_ =	swait.ge [sflag:s4], $0x0  }
0x19: {  	s7 =	sld [smem:$0x3F94]  }
0x1a: {  	s8 =	sadd.s32 $0xFFFFE003, lr  }
0x1b: {  	s9 =	sadd.s32 $0xFFFFFEF7, lr;
	s5 =	simm.s32 $0xFFFFFFFF;
	p2 =	slt.u32 s8, $0xFFFFF086  }
0x1c: {  	p1 =	slt.u32 s9, $0xF7A;
	s5 =	simm.s32 @!p2 $0x0  }
0x1d: {  	s5 =	simm.s32 @p1 $0x1;
	p0 =	seq.s32 s7, s2  }
0x1e: {  	s7 =	smul.u32 @!p0 $0xF7A, s2;
	p2 =	seq.s32 @!p0 s5, $0x0  }
0x1f: {  	s9 =	smul.u32 $0xF7A, s1;
	s8 =	simm.s32 @!p0 $0x1BF5;
	p2 =	por !p2, p0  }
0x20: {  	[sflag:s8] =	ssyncset.s32 @!p0 $0xFFFFF086;
	s6 =	sadd.s32 @!p0 s3, s7;
	s7 =	simm.s32 @!p0 $0x108  }
0x21: {  	s3 =	sadd.s32 s3, s9;
	s6 =	sadd.s32 @!p0 $0x88, s6;
	s7 =	simm.s32 @p2 $0x1082  }
0x22: {  	[simem:s7], [sflag:s8] =	dma.local @!p0 [hbm:s6], $0xF7A  }
0x23: {  	s9 =	sor.u32 $0xD0000000, s2;
	s6 =	simm.s32 $0x108;
	_ =	swait.ge @!p0 [sflag:s8], $0x0  }
0x24: {  	s3 =	sadd.s32 $0x88, s3;
	s6 =	simm.s32 @!p1 $0x1082;
	[sflag:s4] =	ssyncset.s32 $0xFFFFF086  }
0x25: {  	[simem:s6], [sflag:s4] =	dma.local [hbm:s3], $0xF7A  }
0x26: {  	[smem:$0x3F94] =	sst s1;
	(tag) =	ssettag s2;
	_ =	strace s9  }
0x27: {  	s1 =	sld [smem:$0x3FA4]  }
0x28: {  	s2 =	sld [smem:$0x3FA5]  }
0x29: {  	s4 =	sld [smem:$0x3FA7]  }
0x2a: {  	p0 =	seq.s32 s5, $0x0;
	s5 =	sld [smem:$0x3FA8]  }
0x2b: {  	s6 =	sld [smem:$0x3FA9]  }
0x2c: {  	s7 =	sld [smem:$0x3FAA]  }
0x2d: {  	s3 =	simm.s32 $0x108;
	s8 =	sld [smem:$0x3FAB]  }
0x2e: {  	s3 =	simm.s32 @!p0 $0x1082;
	s9 =	sld [smem:$0x3FAC]  }
0x2f: {  	lr =	sadd.s32 s0, s3;
	s0 =	sld [smem:$0x3FA3]  }
0x30: {  	s3 =	sld [smem:$0x3FA6]  }
0x31: {  	[smem:$0x3FAF] =	sst s10  }
0x32: {  	s10 =	sld [smem:$0x3FAD];
	_ =	sdelay $0x3  }
0x33: {  	p0 =	seq.s32 s10, $0x1;
	s10 =	sld [smem:$0x3FAF];
	_ =	sdelay $0x3  }
0x34: {  	[smem:$0x3FAF] =	sst s10  }
0x35: {  	s10 =	sld [smem:$0x3FAE];
	_ =	sdelay $0x3  }
0x36: {  	p1 =	seq.s32 s10, $0x1;
	s10 =	sld [smem:$0x3FAF];
	_ =	sdelay $0x3  }
0x37: {  	[smem:$0x3FAF] =	sst s10  }
0x38: {  	s10 =	sld [smem:$0x3FB0]  }
0x39: {  	_ = 	snop;
	(pc) =	sbr.ind lr, $3  }
0x3a: {  	_ = 	snop  }
0x3b: {  	_ = 	snop  }
0x3c: {  	p2 =	seq.s32 s10, $0x1;
	s10 =	sld [smem:$0x3FAF]  }
0x3d: {  	_ =	shalt  }
0x3e: {  	_ =	shalt  }
0x3f: {  	_ =	shalt  }
0x40: {  	_ =	shalt  }
0x41: {  	_ =	shalt  }
0x42: {  	_ =	shalt  }
0x43: {  	_ =	shalt  }
0x44: {  	_ =	shalt  }
0x45: {  	_ =	shalt  }
0x46: {  	_ =	shalt  }
0x47: {  	_ =	shalt  }
0x48: {  	_ =	shalt  }
0x49: {  	_ =	shalt  }
0x4a: {  	_ =	shalt  }
0x4b: {  	_ =	shalt  }
0x4c: {  	_ =	shalt  }
0x4d: {  	_ =	shalt  }
0x4e: {  	_ =	shalt  }
0x4f: {  	_ =	shalt  }
0x50: {  	_ =	shalt  }
0x51: {  	_ =	shalt  }
0x52: {  	_ =	shalt  }
0x53: {  	_ =	shalt  }
0x54: {  	_ =	shalt  }
0x55: {  	_ =	shalt  }
0x56: {  	_ =	shalt  }
0x57: {  	_ =	shalt  }
0x58: {  	_ =	shalt  }
0x59: {  	_ =	shalt  }
0x5a: {  	_ =	shalt  }
0x5b: {  	_ =	shalt  }
0x5c: {  	_ =	shalt  }
0x5d: {  	_ =	shalt  }
0x5e: {  	_ =	shalt  }
0x5f: {  	_ =	shalt  }
0x60: {  	_ =	shalt  }
0x61: {  	_ =	shalt  }
0x62: {  	_ =	shalt  }
0x63: {  	_ =	shalt  }
0x64: {  	_ =	shalt  }
0x65: {  	_ =	shalt  }
0x66: {  	_ =	shalt  }
0x67: {  	_ =	shalt  }
0x68: {  	_ =	shalt  }
0x69: {  	_ =	shalt  }
0x6a: {  	_ =	shalt  }
0x6b: {  	_ =	shalt  }
0x6c: {  	_ =	shalt  }
0x6d: {  	_ =	shalt  }
0x6e: {  	_ =	shalt  }
0x6f: {  	_ =	shalt  }
0x70: {  	_ =	shalt  }
0x71: {  	_ =	shalt  }
0x72: {  	_ =	shalt  }
0x73: {  	_ =	shalt  }
0x74: {  	_ =	shalt  }
0x75: {  	_ =	shalt  }
0x76: {  	_ =	shalt  }
0x77: {  	_ =	shalt  }
0x78: {  	_ =	shalt  }
0x79: {  	_ =	shalt  }
0x7a: {  	_ =	shalt  }
0x7b: {  	_ =	shalt  }
0x7c: {  	_ =	shalt  }
0x7d: {  	_ =	shalt  }
0x7e: {  	_ =	shalt  }
0x7f: {  	_ =	shalt  }
0x80: {  	_ =	shalt  }
0x81: {  	_ =	shalt  }
0x82: {  	_ =	shalt  }
0x83: {  	_ =	shalt  }
0x84: {  	_ =	shalt  }
0x85: {  	_ =	shalt  }
0x86: {  	_ =	shalt  }
0x87: {  	_ =	shalt  }
.Lfunc_end0:
.L_simem_size_0:
called_computation.2_lowered:
.L_overlay_start_0:
0x88: {  	s2 =	sld [smem:$0x3FD9]  }
0x89: {  	s3 =	sld [smem:$0x3FFE];
	_ =	sdelay $0x1  }
0x8a: {  	s1 =	srdreg.scid  }
0x8b: {  	s0 =	sand.u32 $0x1, s1  }
0x8c: {  	s17 =	sshll.u32 s0, $0xA;
	s2 =	sadd.s32 s3, s2  }
0x8d: {  	s2 =	sadd.s32 s2, s17  }
0x8e: {  	[smem:$0x3FBB] =	sst s2  }
0x8f: {  	_ = 	snop  }
0x90: {  	s2 =	sld [smem:$0x3FD0];
	(tm) =	ssettm $0x1  }
0x91: {  	s18 =	sld [smem:$0x3FFB];
	_ =	sdelay $0x3  }
0x92: {  	_ =	strace s18  }
0x93: {  	s3 =	sld [smem:$0x3FFC];
	_ =	sdelay $0x3  }
0x94: {  	_ =	strace s3  }
0x95: {  	s3 =	sld [smem:$0x3FFD];
	_ =	sdelay $0x3  }
0x96: {  	_ =	strace s3  }
0x97: {  	_ =	strace $0x8FFFFFFF  }
0x98: {  	s19 =	sld [smem:$0x3FDB];
	_ =	sdelay $0x1  }
0x99: {  	s4 =	simm.s32 $_scs_section_size  }
0x9a: {  	s5 =	simm.s32 $_size__tile_overlayer_lowered;
	s6 =	simm.s32 $_tile_overlayer_lowered  }
0x9b: {  	s22 =	simm.s32 $0x1BFF;
	s21 =	sshll.u32 s6, $0x1;
	s3 =	sadd.s32 s4, s19  }
0x9c: {  	s7 =	simm.s32 $0x0;
	s20 =	sshll.u32 s5, $0x1;
	s5 =	sadd.s32 s21, s3  }
0x9d: {  	[timem:s7], [sflag:s22] =	dma.local [hbm:s5], s20  }
0x9e: {  	_ =	swait.ge [sflag:s22], s20  }
0x9f: {  	s4 =	ssub.s32 $0x0, s20;
	[sflag:s22] =	ssyncset.done $0x0  }
0xa0: {  	[sflag:s22] =	ssyncadd.s32 s4;
	_ =	sdelay $0x1  }
0xa1: {  	s23 =	simm.s32 $0x1B8B  }
0xa2: {  	_ =	swait.ge [sflag:s23], $0x1  }
0xa3: {  	[sflag:s23] =	ssyncset.done $0x0  }
0xa4: {  	s25 =	simm.s32 $0x1B8E;
	s24 =	sld [smem:$0x3FFE];
	[sflag:s23] =	ssyncadd.s32 $0xFFFFFFFF  }
0xa5: {  	s26 =	simm.s32 $execute0_lowered;
	[smem:$0x3FD2] =	sst s25  }
0xa6: {  	s5 =	sshll.u32 s26, $0x1;
	_ =	strace $0x8000004C;
	[dreg:$0x1] =	wrdreg $0xFFFFFFFF  }
0xa7: {  	s28 =	simm.s32 $_size_execute0_lowered;
	s3 =	sadd.s32 s3, s5;
	[dreg:$0x0] =	wrdreg $0x0  }
0xa8: {  	s5 =	sshll.u32 s28, $0x1;
	[dreg:$0x2] =	wrdreg s3  }
0xa9: {  	[dreg:$0x3] =	wrdreg s5  }
0xaa: {  	[dreg:$0x4] =	wrdreg $0xC0  }
0xab: {  	_ =	task [dreg:s7], $0x5FFFF  }
0xac: {  	[dreg:$0x1] =	wrdreg $0xFFFFFFFF  }
0xad: {  	[dreg:$0x0] =	wrdreg $0x60  }
0xae: {  	[dreg:$0x2] =	wrdreg s2  }
0xaf: {  	[dreg:$0x3] =	wrdreg s24  }
0xb0: {  	[dreg:$0x4] =	wrdreg $0x9  }
0xb1: {  	_ =	task.clear_ibuf [dreg:s7], $0x5FFFF;
	_ =	strace $0x9000004C  }
0xb2: {  	s29 =	simm.s32 $0x9;
	_ =	strace $0x8000004E  }
0xb3: {  	_ =	swait.ge [sflag:s29], $0x1  }
0xb4: {  	[sflag:s29] =	ssyncadd.s32 $0xFFFFFFFF  }
0xb5: {  	_ =	strace $0x9000004E  }
0xb6: {  	_ =	sfence  }
0xb7: {  	s30 =	sld [smem:$0x0];
	_ =	sdelay $0x2  }
0xb8: {  	s31 =	sshll.u32 s1, $0xD;
	s1 =	sshrl.u32 s1, $0x2  }
0xb9: {  	s3 =	sand.u32 $0x4000, s31;
	s1 =	sadd.s32 s1, s30  }
0xba: {  	s0 =	sor.u32 s3, s0;
	s1 =	sshll.u32 s1, $0x11  }
0xbb: {  	s0 =	sor.u32 s1, s0  }
0xbc: {  	s0 =	sadd.s32 $0x8F2B, s0  }
0xbd: {  	[sflag:s0] =	ssyncadd.remote.s32 $0x1  }
0xbe: {  	_ =	sfence.sel $0xFFFF  }
0xbf: {  	[dreg:$0x0] =	wrdreg $0xFFFFFFFF;
	(pc) =	sbr.abs _section_cstart, $3  }
0xc0: {  	[dreg:$0x1] =	wrdreg $0xFFFFFFFF  }
0xc1: {  	_ =	task.clear_ibuf [dreg:s7], $0x2FFFF;
	_ =	strace $0x9FFFFFFF  }
0xc2: {  	(tm) =	ssettm $0x7FFFFFFF  }
0xc3: {  	_ =	shalt  }
tec
execute0_lowered:
.L_overlay_start_1:
0x0: {  	(tag) =	ssettag $0x1  }
0x1: {  	s2 =	rddreg [dreg:$0x0]  }
0x2: {  	s1 =	srdreg.scid;
	s0 =	stileid.u32  }
0x3: {  	s4 =	rddreg [dreg:$0x1];
	s3 =	simm.s32 $0x0;
	s14 =	simm.s32 $0x1  }
0x4: {  	s15 =	simm.s32 $0x2;
	s16 =	simm.s32 $0x27B0;
	s10 =	smul.u32 $0x5000, s0  }
0x5: {  	s6 =	sand.u32 $0x1, s1;
	s5 =	sshll.u32 s0, $0x1;
	s29 =	smul.u32 $0x28000, s0  }
0x6: {  	s1 =	rddreg [dreg:$0x2];
	s5 =	sor.u32 s6, s5;
	s28 =	smul.u32 $0x2800, s6  }
0x7: {  	s17 =	simm.s32 $0x0;
	[smem:$0x7FF] =	sst s3;
	s7 =	smul.u32 $0x2800, s5  }
0x8: {  	s11 =	sadd.s32 $0x4A000, s4;
	s8 =	ssub.s32 $0x2, s6;
	s9 =	smul.u32 $0x14000, s5  }
0x9: {  	_ =	strace $0x8000004D;
	s12 =	smul.u32 $0x14000, s6;
	s26 =	sshrl.u32 s8, $0x1  }
0xa: {  	s30 =	sadd.s32 s29, s11;
	s7 =	sshrl.u32 s7, $0x3;
	s9 =	sadd.s32 s11, s9  }
0xb: {  	s25 =	sadd.s32 s7, s4;
	s7 =	ssub.s32 s8, s26;
	s8 =	sadd.s32 s28, s10  }
0xc: {  	s6 =	sadd.s32 $0x13B00, s9;
	s10 =	simm.s32 $0x3;
	s4 =	sadd.s32 $0x40000, s25  }
0xd: {  	s5 =	smax.u32 s7, $0x1;
	s13 =	sshll.u32 s8, $0x3;
	s7 =	sadd.s32 $0x13D80, s9  }
0xe: {  	s8 =	sadd.s32 s12, s30;
	s12 =	simm.s32 $0x2800;
	s31 =	sadd.s32 s13, s11  }
0xf: {  	s11 =	simm.s32 $0x50;
	s13 =	simm.s32 $0x3C00;
	s9 =	sadd.s32 $0x280, s31  }
.LBB2_1:
0x10: {  	[tilespmem:s3], [sflag:$0x3] =	stream.linear.gather [hbm4b:s4+s3], $0x2800, $0x38;
	[tilespmem:$0x5000] =	vst v63  }
0x11: {  	_ =	swait.ge [sflag:s10], $0x2800  }
0x12: {  	[sflag:s10] =	ssyncset.done $0x0  }
0x13: {  	[sflag:s10] =	ssyncadd.s32 $0xFFFFD800  }
0x14: {  	[tilespmem:s12], [sflag:$0x1] =	stream.indirect.gather [hbm4b:s2+s11], $0x40, s3, s11, $0xb8;
	[tilespmem:$0x5000] =	vst v63  }
0x15: {  	s18 =	simm.s32 $0x50  }
0x16: {  	[tilespmem:s13], [sflag:$0x2] =	stream.indirect.gather [hbm4b:s2+s11], $0x40, s18, s11, $0xb8;
	[tilespmem:$0x5000] =	vst v63  }
0x17: {  	_ =	swait.ge [sflag:s14], $0x1400  }
0x18: {  	[sflag:s14] =	ssyncset.done $0x0  }
0x19: {  	s29 =	sadd.s32 $0x0, s8;
	[sflag:s14] =	ssyncadd.s32 $0xFFFFEC00  }
0x1a: {  	[hbm4b:s29+s3] =	stream.linear.scatter [tilespmem:s12], [sflag:$0x3], $0x1400, $0x38;
	[tilespmem:$0x5000] =	vst v63  }
0x1b: {  	_ =	swait.ge [sflag:s10], $0x1400  }
0x1c: {  	[sflag:s10] =	ssyncset.done $0x0  }
0x1d: {  	s30 =	simm.s32 $0xA0;
	[sflag:s10] =	ssyncadd.s32 $0xFFFFEC00  }
0x1e: {  	[tilespmem:s12], [sflag:$0x1] =	stream.indirect.gather [hbm4b:s2+s11], $0x40, s30, s11, $0xb8;
	[tilespmem:$0x5000] =	vst v63  }
0x1f: {  	_ =	swait.ge [sflag:s15], $0x1400  }
0x20: {  	[sflag:s15] =	ssyncset.done $0x0  }
0x21: {  	s31 =	sadd.s32 $0x0, s9;
	[sflag:s15] =	ssyncadd.s32 $0xFFFFEC00  }
0x22: {  	[hbm4b:s31+s3] =	stream.linear.scatter [tilespmem:s13], [sflag:$0x3], $0x1400, $0x38;
	[tilespmem:$0x5000] =	vst v63  }
0x23: {  	s20 =	simm.s32 $0xA00;
	_ =	swait.ge [sflag:s10], $0x1400  }
0x24: {  	s19 =	simm.s32 $0x140;
	s18 =	simm.s32 $0x500;
	[sflag:s10] =	ssyncset.done $0x0  }
.LBB2_2:
0x25: {  	p0 =	sne.s32 s20, $0x13600;
	s21 =	sadd.s32 $0xFFFFFFB0, s19;
	[sflag:s10] =	ssyncadd.s32 $0xFFFFEC00  }
0x26: {  	[tilespmem:s13], [sflag:$0x2] =	stream.indirect.gather [hbm4b:s2+s11], $0x40, s21, s11, $0xb8;
	[tilespmem:$0x5000] =	vst v63  }
0x27: {  	s21 =	smov.u32 s20;
	s20 =	sadd.s32 $0x500, s20;
	_ =	swait.ge [sflag:s14], $0x1400  }
0x28: {  	[sflag:s14] =	ssyncset.done $0x0  }
0x29: {  	s22 =	sadd.s32 s18, s8;
	[sflag:s14] =	ssyncadd.s32 $0xFFFFEC00  }
0x2a: {  	[hbm4b:s22+s3] =	stream.linear.scatter [tilespmem:s12], [sflag:$0x3], $0x1400, $0x38;
	[tilespmem:$0x5000] =	vst v63  }
0x2b: {  	_ =	swait.ge [sflag:s10], $0x1400  }
0x2c: {  	[sflag:s10] =	ssyncset.done $0x0  }
0x2d: {  	[sflag:s10] =	ssyncadd.s32 $0xFFFFEC00  }
0x2e: {  	[tilespmem:s12], [sflag:$0x1] =	stream.indirect.gather [hbm4b:s2+s11], $0x40, s19, s11, $0xb8;
	[tilespmem:$0x5000] =	vst v63  }
0x2f: {  	_ =	swait.ge [sflag:s15], $0x1400  }
.Ltmp0:
0x30: {  	[sflag:s15] =	ssyncset.done $0x0;
	(pc) =	sbr.rel @p0 .LBB2_2-.Ltmp0, $4  }
0x31: {  	s22 =	sadd.s32 s18, s9;
	s18 =	smov.u32 s21;
	[sflag:s15] =	ssyncadd.s32 $0xFFFFEC00  }
0x32: {  	[hbm4b:s22+s3] =	stream.linear.scatter [tilespmem:s13], [sflag:$0x3], $0x1400, $0x38;
	[tilespmem:$0x5000] =	vst v63  }
0x33: {  	_ =	swait.ge [sflag:s10], $0x1400  }
0x34: {  	s19 =	sadd.s32 $0xA0, s19;
	[sflag:s10] =	ssyncset.done $0x0  }
0x35: {  	s20 =	sadd.s32 $0xFFFFFFB0, s19;
	[sflag:s10] =	ssyncadd.s32 $0xFFFFEC00  }
0x36: {  	[tilespmem:s13], [sflag:$0x2] =	stream.indirect.gather [hbm4b:s2+s11], $0x40, s20, s11, $0xb8;
	[tilespmem:$0x5000] =	vst v63  }
0x37: {  	_ =	swait.ge [sflag:s14], $0x1400  }
0x38: {  	[sflag:s14] =	ssyncset.done $0x0  }
0x39: {  	s30 =	sadd.s32 s18, s8;
	[sflag:s14] =	ssyncadd.s32 $0xFFFFEC00  }
0x3a: {  	[hbm4b:s30+s3] =	stream.linear.scatter [tilespmem:s12], [sflag:$0x3], $0x1400, $0x38;
	[tilespmem:$0x5000] =	vst v63  }
0x3b: {  	_ =	swait.ge [sflag:s10], $0x1400  }
0x3c: {  	[sflag:s10] =	ssyncset.done $0x0  }
0x3d: {  	[sflag:s10] =	ssyncadd.s32 $0xFFFFEC00  }
0x3e: {  	[tilespmem:s12], [sflag:$0x1] =	stream.indirect.gather [hbm4b:s2+s11], $0x40, s19, s11, $0xb8;
	[tilespmem:$0x5000] =	vst v63  }
0x3f: {  	_ =	swait.ge [sflag:s15], $0x1400  }
0x40: {  	[sflag:s15] =	ssyncset.done $0x0  }
0x41: {  	s31 =	sadd.s32 s18, s9;
	[sflag:s15] =	ssyncadd.s32 $0xFFFFEC00  }
0x42: {  	[hbm4b:s31+s3] =	stream.linear.scatter [tilespmem:s13], [sflag:$0x3], $0x1400, $0x38;
	[tilespmem:$0x5000] =	vst v63  }
0x43: {  	_ =	swait.ge [sflag:s10], $0x1400  }
0x44: {  	[sflag:s10] =	ssyncset.done $0x0  }
0x45: {  	[sflag:s10] =	ssyncadd.s32 $0xFFFFEC00  }
0x46: {  	[tilespmem:s13], [sflag:$0x2] =	stream.indirect.gather [hbm4b:s2+s11], $0x40, s16, s11, $0xb8;
	[tilespmem:$0x5000] =	vst v63  }
0x47: {  	_ =	swait.ge [sflag:s14], $0x1400  }
0x48: {  	[sflag:s14] =	ssyncset.done $0x0  }
0x49: {  	[sflag:s14] =	ssyncadd.s32 $0xFFFFEC00  }
0x4a: {  	[hbm4b:s6+s3] =	stream.linear.scatter [tilespmem:s12], [sflag:$0x3], $0x1400, $0x38;
	[tilespmem:$0x5000] =	vst v63  }
0x4b: {  	_ =	swait.ge [sflag:s10], $0x1400  }
0x4c: {  	[sflag:s10] =	ssyncset.done $0x0  }
0x4d: {  	[sflag:s10] =	ssyncadd.s32 $0xFFFFEC00  }
0x4e: {  	s17 =	sadd.s32 $0x1, s17;
	_ =	swait.ge [sflag:s15], $0x1400  }
0x4f: {  	p0 =	sne.s32 s17, s5;
	[sflag:s15] =	ssyncset.done $0x0  }
.Ltmp1:
0x50: {  	[sflag:s15] =	ssyncadd.s32 $0xFFFFEC00;
	(pc) =	sbr.rel @p0 .LBB2_1-.Ltmp1, $4  }
0x51: {  	[hbm4b:s7+s3] =	stream.linear.scatter [tilespmem:s13], [sflag:$0x3], $0x1400, $0x38;
	[tilespmem:$0x5000] =	vst v63  }
0x52: {  	_ =	swait.ge [sflag:s10], $0x1400  }
0x53: {  	[sflag:s10] =	ssyncset.done $0x0  }
0x54: {  	[sflag:s10] =	ssyncadd.s32 $0xFFFFEC00  }
0x55: {  	_ =	sfence.sel $0x180000  }
0x56: {  	[bflag:$0x0] =	sbarrier.arrive $0xFFFF  }
0x57: {  	p0 =	sne.s32 s0, $0x0;
	_ =	strace $0x9000004D  }
0x58: {  	s0 =	sadd.s32 @!p0 $0x100000, s1;
	[bflag:$0x2] =	sbarrier.arrive $0xFFFF  }
0x59: {  	[sflag:s0] =	ssyncadd.tile.s32 @!p0 $0x1;
	_ =	shalt  }
.Lfunc_end2:
_tile_overlayer_lowered:
.L_overlay_start_2:
0x5a: {  	(tag) =	ssettag $0x2  }
0x5b: {  	s0 =	rddreg [dreg:$0x0];
	s2 =	stileid.u32  }
0x5c: {  	s1 =	rddreg [dreg:$0x1];
	p0 =	sne.s32 s2, $0x0  }
0x5d: {  	s3 =	rddreg [dreg:$0x2];
	[bflag:$0x3] =	sbarrier.arrive $0xFFFF;
	s2 =	simm.s32 @!p0 $0x1C03  }
0x5e: {  	[timem:s3], [sflag:s2] =	dma.local @!p0 [hbm:s0], s1  }
0x5f: {  	s0 =	simm.s32 @!p0 $0x3  }
0x60: {  	_ =	swait.ge @!p0 [sflag:s0], s1  }
0x61: {  	s1 =	ssub.s32 @!p0 $0x0, s1;
	[sflag:s0] =	ssyncset.done @!p0 $0x0  }
0x62: {  	[sflag:s0] =	ssyncadd.s32 @!p0 s1  }
0x63: {  	[bflag:$0x3] =	sbarrier.arrive $0xFFFF  }
0x64: {  	_ =	shalt  }

// kernel: kernel.23.cloned.1.call-start
scs
__scs_entry_jumppad:
0x0: {  	(pc) =	sbr.rel $0x88, $3  }
0x1: {  	(tag) =	ssettag $0x0;
	lr =	simm.s32 $0x1  }
0x2: {  	[smem:$0x3F94] =	sst lr;
	_ =	strace $0xD0000000  }
0x3: {  	_ = 	snop  }
0x4: {  	_ = 	snop  }
0x5: {  	_ = 	snop  }
0x6: {  	_ = 	snop  }
0x7: {  	_ = 	snop  }
__scs_overlays_trampoline_lowered:
0x8: {  	[smem:$0x3FA3] =	sst s0  }
0x9: {  	[smem:$0x3FA4] =	sst s1  }
0xa: {  	[smem:$0x3FA5] =	sst s2  }
0xb: {  	[smem:$0x3FA6] =	sst s3  }
0xc: {  	[smem:$0x3FA7] =	sst s4  }
0xd: {  	[smem:$0x3FA8] =	sst s5  }
0xe: {  	[smem:$0x3FA9] =	sst s6  }
0xf: {  	[smem:$0x3FAA] =	sst s7  }
0x10: {  	[smem:$0x3FAB] =	sst s8  }
0x11: {  	[smem:$0x3FAC] =	sst s9;
	s0 =	simm.s32 @!p0 $0x0  }
0x12: {  	s1 =	sld [smem:$0x3F92];
	s0 =	simm.s32 @p0 $0x1  }
0x13: {  	[smem:$0x3FAD] =	sst s0;
	s0 =	simm.s32 @!p1 $0x0  }
0x14: {  	s2 =	sld [smem:$0x3F91];
	s0 =	simm.s32 @p1 $0x1  }
0x15: {  	[smem:$0x3FAE] =	sst s0;
	s0 =	simm.s32 @!p2 $0x0  }
0x16: {  	s3 =	sld [smem:$0x3FDB];
	s0 =	simm.s32 @p2 $0x1  }
0x17: {  	s4 =	simm.s32 $0x1BF5;
	[smem:$0x3FB0] =	sst s0  }
0x18: {  	s0 =	sld [smem:$0x3F93];
	_ =	swait.ge [sflag:s4], $0x0  }
0x19: {  	s7 =	sld [smem:$0x3F94]  }
0x1a: {  	s8 =	sadd.s32 $0xFFFFE003, lr  }
0x1b: {  	s9 =	sadd.s32 $0xFFFFFEF7, lr;
	s5 =	simm.s32 $0xFFFFFFFF;
	p2 =	slt.u32 s8, $0xFFFFF086  }
0x1c: {  	p1 =	slt.u32 s9, $0xF7A;
	s5 =	simm.s32 @!p2 $0x0  }
0x1d: {  	s5 =	simm.s32 @p1 $0x1;
	p0 =	seq.s32 s7, s2  }
0x1e: {  	s7 =	smul.u32 @!p0 $0xF7A, s2;
	p2 =	seq.s32 @!p0 s5, $0x0  }
0x1f: {  	s9 =	smul.u32 $0xF7A, s1;
	s8 =	simm.s32 @!p0 $0x1BF5;
	p2 =	por !p2, p0  }
0x20: {  	[sflag:s8] =	ssyncset.s32 @!p0 $0xFFFFF086;
	s6 =	sadd.s32 @!p0 s3, s7;
	s7 =	simm.s32 @!p0 $0x108  }
0x21: {  	s3 =	sadd.s32 s3, s9;
	s6 =	sadd.s32 @!p0 $0x88, s6;
	s7 =	simm.s32 @p2 $0x1082  }
0x22: {  	[simem:s7], [sflag:s8] =	dma.local @!p0 [hbm:s6], $0xF7A  }
0x23: {  	s9 =	sor.u32 $0xD0000000, s2;
	s6 =	simm.s32 $0x108;
	_ =	swait.ge @!p0 [sflag:s8], $0x0  }
0x24: {  	s3 =	sadd.s32 $0x88, s3;
	s6 =	simm.s32 @!p1 $0x1082;
	[sflag:s4] =	ssyncset.s32 $0xFFFFF086  }
0x25: {  	[simem:s6], [sflag:s4] =	dma.local [hbm:s3], $0xF7A  }
0x26: {  	[smem:$0x3F94] =	sst s1;
	(tag) =	ssettag s2;
	_ =	strace s9  }
0x27: {  	s1 =	sld [smem:$0x3FA4]  }
0x28: {  	s2 =	sld [smem:$0x3FA5]  }
0x29: {  	s4 =	sld [smem:$0x3FA7]  }
0x2a: {  	p0 =	seq.s32 s5, $0x0;
	s5 =	sld [smem:$0x3FA8]  }
0x2b: {  	s6 =	sld [smem:$0x3FA9]  }
0x2c: {  	s7 =	sld [smem:$0x3FAA]  }
0x2d: {  	s3 =	simm.s32 $0x108;
	s8 =	sld [smem:$0x3FAB]  }
0x2e: {  	s3 =	simm.s32 @!p0 $0x1082;
	s9 =	sld [smem:$0x3FAC]  }
0x2f: {  	lr =	sadd.s32 s0, s3;
	s0 =	sld [smem:$0x3FA3]  }
0x30: {  	s3 =	sld [smem:$0x3FA6]  }
0x31: {  	[smem:$0x3FAF] =	sst s10  }
0x32: {  	s10 =	sld [smem:$0x3FAD];
	_ =	sdelay $0x3  }
0x33: {  	p0 =	seq.s32 s10, $0x1;
	s10 =	sld [smem:$0x3FAF];
	_ =	sdelay $0x3  }
0x34: {  	[smem:$0x3FAF] =	sst s10  }
0x35: {  	s10 =	sld [smem:$0x3FAE];
	_ =	sdelay $0x3  }
0x36: {  	p1 =	seq.s32 s10, $0x1;
	s10 =	sld [smem:$0x3FAF];
	_ =	sdelay $0x3  }
0x37: {  	[smem:$0x3FAF] =	sst s10  }
0x38: {  	s10 =	sld [smem:$0x3FB0]  }
0x39: {  	_ = 	snop;
	(pc) =	sbr.ind lr, $3  }
0x3a: {  	_ = 	snop  }
0x3b: {  	_ = 	snop  }
0x3c: {  	p2 =	seq.s32 s10, $0x1;
	s10 =	sld [smem:$0x3FAF]  }
0x3d: {  	_ =	shalt  }
0x3e: {  	_ =	shalt  }
0x3f: {  	_ =	shalt  }
0x40: {  	_ =	shalt  }
0x41: {  	_ =	shalt  }
0x42: {  	_ =	shalt  }
0x43: {  	_ =	shalt  }
0x44: {  	_ =	shalt  }
0x45: {  	_ =	shalt  }
0x46: {  	_ =	shalt  }
0x47: {  	_ =	shalt  }
0x48: {  	_ =	shalt  }
0x49: {  	_ =	shalt  }
0x4a: {  	_ =	shalt  }
0x4b: {  	_ =	shalt  }
0x4c: {  	_ =	shalt  }
0x4d: {  	_ =	shalt  }
0x4e: {  	_ =	shalt  }
0x4f: {  	_ =	shalt  }
0x50: {  	_ =	shalt  }
0x51: {  	_ =	shalt  }
0x52: {  	_ =	shalt  }
0x53: {  	_ =	shalt  }
0x54: {  	_ =	shalt  }
0x55: {  	_ =	shalt  }
0x56: {  	_ =	shalt  }
0x57: {  	_ =	shalt  }
0x58: {  	_ =	shalt  }
0x59: {  	_ =	shalt  }
0x5a: {  	_ =	shalt  }
0x5b: {  	_ =	shalt  }
0x5c: {  	_ =	shalt  }
0x5d: {  	_ =	shalt  }
0x5e: {  	_ =	shalt  }
0x5f: {  	_ =	shalt  }
0x60: {  	_ =	shalt  }
0x61: {  	_ =	shalt  }
0x62: {  	_ =	shalt  }
0x63: {  	_ =	shalt  }
0x64: {  	_ =	shalt  }
0x65: {  	_ =	shalt  }
0x66: {  	_ =	shalt  }
0x67: {  	_ =	shalt  }
0x68: {  	_ =	shalt  }
0x69: {  	_ =	shalt  }
0x6a: {  	_ =	shalt  }
0x6b: {  	_ =	shalt  }
0x6c: {  	_ =	shalt  }
0x6d: {  	_ =	shalt  }
0x6e: {  	_ =	shalt  }
0x6f: {  	_ =	shalt  }
0x70: {  	_ =	shalt  }
0x71: {  	_ =	shalt  }
0x72: {  	_ =	shalt  }
0x73: {  	_ =	shalt  }
0x74: {  	_ =	shalt  }
0x75: {  	_ =	shalt  }
0x76: {  	_ =	shalt  }
0x77: {  	_ =	shalt  }
0x78: {  	_ =	shalt  }
0x79: {  	_ =	shalt  }
0x7a: {  	_ =	shalt  }
0x7b: {  	_ =	shalt  }
0x7c: {  	_ =	shalt  }
0x7d: {  	_ =	shalt  }
0x7e: {  	_ =	shalt  }
0x7f: {  	_ =	shalt  }
0x80: {  	_ =	shalt  }
0x81: {  	_ =	shalt  }
0x82: {  	_ =	shalt  }
0x83: {  	_ =	shalt  }
0x84: {  	_ =	shalt  }
0x85: {  	_ =	shalt  }
0x86: {  	_ =	shalt  }
0x87: {  	_ =	shalt  }
.Lfunc_end0:
.L_simem_size_0:
called_computation.3_lowered:
.L_overlay_start_0:
0x88: {  	s2 =	sld [smem:$0x3FD9]  }
0x89: {  	s3 =	sld [smem:$0x3FFE];
	_ =	sdelay $0x1  }
0x8a: {  	s1 =	srdreg.scid  }
0x8b: {  	s0 =	sand.u32 $0x1, s1  }
0x8c: {  	s17 =	sshll.u32 s0, $0xA;
	s2 =	sadd.s32 s3, s2  }
0x8d: {  	s2 =	sadd.s32 s2, s17  }
0x8e: {  	[smem:$0x3FBB] =	sst s2  }
0x8f: {  	_ = 	snop  }
0x90: {  	s2 =	sld [smem:$0x3FD0];
	(tm) =	ssettm $0x1  }
0x91: {  	s18 =	sld [smem:$0x3FFB];
	_ =	sdelay $0x3  }
0x92: {  	_ =	strace s18  }
0x93: {  	s3 =	sld [smem:$0x3FFC];
	_ =	sdelay $0x3  }
0x94: {  	_ =	strace s3  }
0x95: {  	s3 =	sld [smem:$0x3FFD];
	_ =	sdelay $0x3  }
0x96: {  	_ =	strace s3  }
0x97: {  	_ =	strace $0x8FFFFFFF  }
0x98: {  	s19 =	sld [smem:$0x3FDB];
	_ =	sdelay $0x1  }
0x99: {  	s4 =	simm.s32 $_scs_section_size  }
0x9a: {  	s5 =	simm.s32 $_size__tile_overlayer_lowered;
	s6 =	simm.s32 $_tile_overlayer_lowered  }
0x9b: {  	s22 =	simm.s32 $0x1BFF;
	s21 =	sshll.u32 s6, $0x1;
	s3 =	sadd.s32 s4, s19  }
0x9c: {  	s7 =	simm.s32 $0x0;
	s20 =	sshll.u32 s5, $0x1;
	s5 =	sadd.s32 s21, s3  }
0x9d: {  	[timem:s7], [sflag:s22] =	dma.local [hbm:s5], s20  }
0x9e: {  	_ =	swait.ge [sflag:s22], s20  }
0x9f: {  	s4 =	ssub.s32 $0x0, s20;
	[sflag:s22] =	ssyncset.done $0x0  }
0xa0: {  	[sflag:s22] =	ssyncadd.s32 s4;
	_ =	sdelay $0x1  }
0xa1: {  	s23 =	simm.s32 $0x1B8B  }
0xa2: {  	_ =	swait.ge [sflag:s23], $0x1  }
0xa3: {  	[sflag:s23] =	ssyncset.done $0x0  }
0xa4: {  	s25 =	simm.s32 $0x1B8E;
	s24 =	sld [smem:$0x3FFE];
	[sflag:s23] =	ssyncadd.s32 $0xFFFFFFFF  }
0xa5: {  	s26 =	simm.s32 $execute0_lowered;
	[smem:$0x3FD2] =	sst s25  }
0xa6: {  	s5 =	sshll.u32 s26, $0x1;
	_ =	strace $0x8000004F;
	[dreg:$0x1] =	wrdreg $0xFFFFFFFF  }
0xa7: {  	s28 =	simm.s32 $_size_execute0_lowered;
	s3 =	sadd.s32 s3, s5;
	[dreg:$0x0] =	wrdreg $0x0  }
0xa8: {  	s5 =	sshll.u32 s28, $0x1;
	[dreg:$0x2] =	wrdreg s3  }
0xa9: {  	[dreg:$0x3] =	wrdreg s5  }
0xaa: {  	[dreg:$0x4] =	wrdreg $0xC0  }
0xab: {  	_ =	task [dreg:s7], $0x5FFFF  }
0xac: {  	[dreg:$0x1] =	wrdreg $0xFFFFFFFF  }
0xad: {  	[dreg:$0x0] =	wrdreg $0x60  }
0xae: {  	[dreg:$0x2] =	wrdreg s2  }
0xaf: {  	[dreg:$0x3] =	wrdreg s24  }
0xb0: {  	[dreg:$0x4] =	wrdreg $0x9  }
0xb1: {  	_ =	task.clear_ibuf [dreg:s7], $0x5FFFF;
	_ =	strace $0x9000004F  }
0xb2: {  	s29 =	simm.s32 $0x9;
	_ =	strace $0x80000051  }
0xb3: {  	_ =	swait.ge [sflag:s29], $0x1  }
0xb4: {  	[sflag:s29] =	ssyncadd.s32 $0xFFFFFFFF  }
0xb5: {  	_ =	strace $0x90000051  }
0xb6: {  	_ =	sfence  }
0xb7: {  	s30 =	sld [smem:$0x0];
	_ =	sdelay $0x2  }
0xb8: {  	s31 =	sshll.u32 s1, $0xD;
	s1 =	sshrl.u32 s1, $0x2  }
0xb9: {  	s3 =	sand.u32 $0x4000, s31;
	s1 =	sadd.s32 s1, s30  }
0xba: {  	s0 =	sor.u32 s3, s0;
	s1 =	sshll.u32 s1, $0x11  }
0xbb: {  	s0 =	sor.u32 s1, s0  }
0xbc: {  	s0 =	sadd.s32 $0x8F2B, s0  }
0xbd: {  	[sflag:s0] =	ssyncadd.remote.s32 $0x1  }
0xbe: {  	_ =	sfence.sel $0xFFFF  }
0xbf: {  	[dreg:$0x0] =	wrdreg $0xFFFFFFFF;
	(pc) =	sbr.abs _section_cstart, $3  }
0xc0: {  	[dreg:$0x1] =	wrdreg $0xFFFFFFFF  }
0xc1: {  	_ =	task.clear_ibuf [dreg:s7], $0x2FFFF;
	_ =	strace $0x9FFFFFFF  }
0xc2: {  	(tm) =	ssettm $0x7FFFFFFF  }
0xc3: {  	_ =	shalt  }
tec
execute0_lowered:
.L_overlay_start_1:
0x0: {  	(tag) =	ssettag $0x1  }
0x1: {  	s2 =	rddreg [dreg:$0x0];
	s1 =	srdreg.scid  }
0x2: {  	s0 =	stileid.u32;
	s4 =	rddreg [dreg:$0x1];
	s3 =	simm.s32 $0x0  }
0x3: {  	s14 =	simm.s32 $0x1;
	s15 =	simm.s32 $0x2;
	s16 =	simm.s32 $0x27B0  }
0x4: {  	s17 =	simm.s32 $0x0;
	s6 =	sand.u32 $0x1, s1;
	s11 =	smul.u32 $0x5000, s0  }
0x5: {  	s5 =	sshll.u32 s0, $0x1;
	s1 =	rddreg [dreg:$0x2];
	s29 =	smul.u32 $0x50000, s0  }
0x6: {  	[smem:$0x7FF] =	sst s3;
	s10 =	sadd.s32 $0xA000, s4;
	s28 =	smul.u32 $0x2800, s6  }
0x7: {  	s5 =	sor.u32 s6, s5;
	s8 =	ssub.s32 $0x2, s6;
	s12 =	smul.u32 $0x28000, s6  }
0x8: {  	_ =	strace $0x80000050;
	s7 =	smul.u32 $0x2800, s5;
	s26 =	sshrl.u32 s8, $0x1  }
0x9: {  	s9 =	smul.u32 $0x28000, s5;
	s30 =	sadd.s32 s29, s10;
	s5 =	ssub.s32 s8, s26  }
0xa: {  	s8 =	sadd.s32 s28, s11;
	s11 =	simm.s32 $0x50;
	s7 =	sshrl.u32 s7, $0x3  }
0xb: {  	s5 =	smax.u32 s5, $0x1;
	s9 =	sadd.s32 s10, s9;
	s13 =	sshll.u32 s8, $0x4  }
0xc: {  	s8 =	sadd.s32 s12, s30;
	s12 =	simm.s32 $0x2800;
	s4 =	sadd.s32 s4, s7  }
0xd: {  	s6 =	sadd.s32 $0x27600, s9;
	s7 =	sadd.s32 $0x27B00, s9;
	s31 =	sadd.s32 s13, s10  }
0xe: {  	s10 =	simm.s32 $0x3;
	s13 =	simm.s32 $0x5000;
	s9 =	sadd.s32 $0x500, s31  }
.LBB2_1:
0xf: {  	[tilespmem:s3], [sflag:$0x3] =	stream.linear.gather [hbm4b:s4+s3], $0x2800, $0x38;
	[tilespmem:$0x7800] =	vst v63  }
0x10: {  	_ =	swait.ge [sflag:s10], $0x2800  }
0x11: {  	[sflag:s10] =	ssyncset.done $0x0  }
0x12: {  	[sflag:s10] =	ssyncadd.s32 $0xFFFFD800  }
0x13: {  	[tilespmem:s12], [sflag:$0x1] =	stream.indirect.gather [hbm4b:s2+s11], $0x80, s3, s11, $0xb8;
	[tilespmem:$0x7800] =	vst v63  }
0x14: {  	s18 =	simm.s32 $0x50  }
0x15: {  	[tilespmem:s13], [sflag:$0x2] =	stream.indirect.gather [hbm4b:s2+s11], $0x80, s18, s11, $0xb8;
	[tilespmem:$0x7800] =	vst v63  }
0x16: {  	_ =	swait.ge [sflag:s14], $0x2800  }
0x17: {  	[sflag:s14] =	ssyncset.done $0x0  }
0x18: {  	s29 =	sadd.s32 $0x0, s8;
	[sflag:s14] =	ssyncadd.s32 $0xFFFFD800  }
0x19: {  	[hbm4b:s29+s3] =	stream.linear.scatter [tilespmem:s12], [sflag:$0x3], $0x2800, $0x38;
	[tilespmem:$0x7800] =	vst v63  }
0x1a: {  	_ =	swait.ge [sflag:s10], $0x2800  }
0x1b: {  	[sflag:s10] =	ssyncset.done $0x0  }
0x1c: {  	s30 =	simm.s32 $0xA0;
	[sflag:s10] =	ssyncadd.s32 $0xFFFFD800  }
0x1d: {  	[tilespmem:s12], [sflag:$0x1] =	stream.indirect.gather [hbm4b:s2+s11], $0x80, s30, s11, $0xb8;
	[tilespmem:$0x7800] =	vst v63  }
0x1e: {  	_ =	swait.ge [sflag:s15], $0x2800  }
0x1f: {  	[sflag:s15] =	ssyncset.done $0x0  }
0x20: {  	s31 =	sadd.s32 $0x0, s9;
	[sflag:s15] =	ssyncadd.s32 $0xFFFFD800  }
0x21: {  	[hbm4b:s31+s3] =	stream.linear.scatter [tilespmem:s13], [sflag:$0x3], $0x2800, $0x38;
	[tilespmem:$0x7800] =	vst v63  }
0x22: {  	s20 =	simm.s32 $0x1400;
	_ =	swait.ge [sflag:s10], $0x2800  }
0x23: {  	s19 =	simm.s32 $0x140;
	s18 =	simm.s32 $0xA00;
	[sflag:s10] =	ssyncset.done $0x0  }
.LBB2_2:
0x24: {  	p0 =	sne.s32 s20, $0x26C00;
	s21 =	sadd.s32 $0xFFFFFFB0, s19;
	[sflag:s10] =	ssyncadd.s32 $0xFFFFD800  }
0x25: {  	[tilespmem:s13], [sflag:$0x2] =	stream.indirect.gather [hbm4b:s2+s11], $0x80, s21, s11, $0xb8;
	[tilespmem:$0x7800] =	vst v63  }
0x26: {  	s21 =	smov.u32 s20;
	s20 =	sadd.s32 $0xA00, s20;
	_ =	swait.ge [sflag:s14], $0x2800  }
0x27: {  	[sflag:s14] =	ssyncset.done $0x0  }
0x28: {  	s22 =	sadd.s32 s18, s8;
	[sflag:s14] =	ssyncadd.s32 $0xFFFFD800  }
0x29: {  	[hbm4b:s22+s3] =	stream.linear.scatter [tilespmem:s12], [sflag:$0x3], $0x2800, $0x38;
	[tilespmem:$0x7800] =	vst v63  }
0x2a: {  	_ =	swait.ge [sflag:s10], $0x2800  }
0x2b: {  	[sflag:s10] =	ssyncset.done $0x0  }
0x2c: {  	[sflag:s10] =	ssyncadd.s32 $0xFFFFD800  }
0x2d: {  	[tilespmem:s12], [sflag:$0x1] =	stream.indirect.gather [hbm4b:s2+s11], $0x80, s19, s11, $0xb8;
	[tilespmem:$0x7800] =	vst v63  }
0x2e: {  	_ =	swait.ge [sflag:s15], $0x2800  }
.Ltmp0:
0x2f: {  	[sflag:s15] =	ssyncset.done $0x0;
	(pc) =	sbr.rel @p0 .LBB2_2-.Ltmp0, $4  }
0x30: {  	s22 =	sadd.s32 s18, s9;
	s18 =	smov.u32 s21;
	[sflag:s15] =	ssyncadd.s32 $0xFFFFD800  }
0x31: {  	[hbm4b:s22+s3] =	stream.linear.scatter [tilespmem:s13], [sflag:$0x3], $0x2800, $0x38;
	[tilespmem:$0x7800] =	vst v63  }
0x32: {  	_ =	swait.ge [sflag:s10], $0x2800  }
0x33: {  	s19 =	sadd.s32 $0xA0, s19;
	[sflag:s10] =	ssyncset.done $0x0  }
0x34: {  	s20 =	sadd.s32 $0xFFFFFFB0, s19;
	[sflag:s10] =	ssyncadd.s32 $0xFFFFD800  }
0x35: {  	[tilespmem:s13], [sflag:$0x2] =	stream.indirect.gather [hbm4b:s2+s11], $0x80, s20, s11, $0xb8;
	[tilespmem:$0x7800] =	vst v63  }
0x36: {  	_ =	swait.ge [sflag:s14], $0x2800  }
0x37: {  	[sflag:s14] =	ssyncset.done $0x0  }
0x38: {  	s30 =	sadd.s32 s18, s8;
	[sflag:s14] =	ssyncadd.s32 $0xFFFFD800  }
0x39: {  	[hbm4b:s30+s3] =	stream.linear.scatter [tilespmem:s12], [sflag:$0x3], $0x2800, $0x38;
	[tilespmem:$0x7800] =	vst v63  }
0x3a: {  	_ =	swait.ge [sflag:s10], $0x2800  }
0x3b: {  	[sflag:s10] =	ssyncset.done $0x0  }
0x3c: {  	[sflag:s10] =	ssyncadd.s32 $0xFFFFD800  }
0x3d: {  	[tilespmem:s12], [sflag:$0x1] =	stream.indirect.gather [hbm4b:s2+s11], $0x80, s19, s11, $0xb8;
	[tilespmem:$0x7800] =	vst v63  }
0x3e: {  	_ =	swait.ge [sflag:s15], $0x2800  }
0x3f: {  	[sflag:s15] =	ssyncset.done $0x0  }
0x40: {  	s31 =	sadd.s32 s18, s9;
	[sflag:s15] =	ssyncadd.s32 $0xFFFFD800  }
0x41: {  	[hbm4b:s31+s3] =	stream.linear.scatter [tilespmem:s13], [sflag:$0x3], $0x2800, $0x38;
	[tilespmem:$0x7800] =	vst v63  }
0x42: {  	_ =	swait.ge [sflag:s10], $0x2800  }
0x43: {  	[sflag:s10] =	ssyncset.done $0x0  }
0x44: {  	[sflag:s10] =	ssyncadd.s32 $0xFFFFD800  }
0x45: {  	[tilespmem:s13], [sflag:$0x2] =	stream.indirect.gather [hbm4b:s2+s11], $0x80, s16, s11, $0xb8;
	[tilespmem:$0x7800] =	vst v63  }
0x46: {  	_ =	swait.ge [sflag:s14], $0x2800  }
0x47: {  	[sflag:s14] =	ssyncset.done $0x0  }
0x48: {  	[sflag:s14] =	ssyncadd.s32 $0xFFFFD800  }
0x49: {  	[hbm4b:s6+s3] =	stream.linear.scatter [tilespmem:s12], [sflag:$0x3], $0x2800, $0x38;
	[tilespmem:$0x7800] =	vst v63  }
0x4a: {  	_ =	swait.ge [sflag:s10], $0x2800  }
0x4b: {  	[sflag:s10] =	ssyncset.done $0x0  }
0x4c: {  	[sflag:s10] =	ssyncadd.s32 $0xFFFFD800  }
0x4d: {  	s17 =	sadd.s32 $0x1, s17;
	_ =	swait.ge [sflag:s15], $0x2800  }
0x4e: {  	p0 =	sne.s32 s17, s5;
	[sflag:s15] =	ssyncset.done $0x0  }
.Ltmp1:
0x4f: {  	[sflag:s15] =	ssyncadd.s32 $0xFFFFD800;
	(pc) =	sbr.rel @p0 .LBB2_1-.Ltmp1, $4  }
0x50: {  	[hbm4b:s7+s3] =	stream.linear.scatter [tilespmem:s13], [sflag:$0x3], $0x2800, $0x38;
	[tilespmem:$0x7800] =	vst v63  }
0x51: {  	_ =	swait.ge [sflag:s10], $0x2800  }
0x52: {  	[sflag:s10] =	ssyncset.done $0x0  }
0x53: {  	[sflag:s10] =	ssyncadd.s32 $0xFFFFD800  }
0x54: {  	_ =	sfence.sel $0x180000  }
0x55: {  	[bflag:$0x0] =	sbarrier.arrive $0xFFFF  }
0x56: {  	p0 =	sne.s32 s0, $0x0;
	_ =	strace $0x90000050  }
0x57: {  	s0 =	sadd.s32 @!p0 $0x100000, s1;
	[bflag:$0x2] =	sbarrier.arrive $0xFFFF  }
0x58: {  	[sflag:s0] =	ssyncadd.tile.s32 @!p0 $0x1;
	_ =	shalt  }
.Lfunc_end2:
_tile_overlayer_lowered:
.L_overlay_start_2:
0x59: {  	(tag) =	ssettag $0x2  }
0x5a: {  	s0 =	rddreg [dreg:$0x0];
	s2 =	stileid.u32  }
0x5b: {  	s1 =	rddreg [dreg:$0x1];
	p0 =	sne.s32 s2, $0x0  }
0x5c: {  	s3 =	rddreg [dreg:$0x2];
	[bflag:$0x3] =	sbarrier.arrive $0xFFFF;
	s2 =	simm.s32 @!p0 $0x1C03  }
0x5d: {  	[timem:s3], [sflag:s2] =	dma.local @!p0 [hbm:s0], s1  }
0x5e: {  	s0 =	simm.s32 @!p0 $0x3  }
0x5f: {  	_ =	swait.ge @!p0 [sflag:s0], s1  }
0x60: {  	s1 =	ssub.s32 @!p0 $0x0, s1;
	[sflag:s0] =	ssyncset.done @!p0 $0x0  }
0x61: {  	[sflag:s0] =	ssyncadd.s32 @!p0 s1  }
0x62: {  	[bflag:$0x3] =	sbarrier.arrive $0xFFFF  }
0x63: {  	_ =	shalt  }

</sc_bundles>
